<compile_context>
chip_gen: v7x
topology: tpu7x:2x2x1
jax: 0.10.2.dev20260603
libtpu: 0.0.44.dev20260713+nightly
codegen_flags: <defaults>
</compile_context>

<pallas_src>
import functools

import jax
import jax.numpy as jnp
from jax import lax
from jax.experimental import pallas as pl
from jax.experimental.pallas import tpu as pltpu
from jax.experimental.pallas import tpu_sc as plsc

_NSEQ = 16
_D = 512
_MAXLEN = 4096
_STEP = 256
_NWORK = 32
_ROWS_PER_W = _NSEQ * _MAXLEN // _NWORK
_CHUNK = 64


def _pad_body(*refs):
    seqs = refs[:_NSEQ]
    out = refs[_NSEQ]
    buf = refs[_NSEQ + 1]
    zbuf = refs[_NSEQ + 2]

    zero16 = jnp.zeros((16,), jnp.float32)

    def _zr(r, c):
        def _zc(ci, c2):
            zbuf[r, pl.ds(ci * 16, 16)] = zero16
            return c2
        return lax.fori_loop(0, _D // 16, _zc, c)

    lax.fori_loop(0, _CHUNK, _zr, 0)

    wid = lax.axis_index("s") * 2 + lax.axis_index("c")
    i = wid // 2
    h = wid % 2
    row0 = h * _ROWS_PER_W
    length = _MAXLEN - _STEP * i
    n_copy = pl.multiple_of(jnp.clip(length - row0, 0, _ROWS_PER_W), _CHUNK)
    dst0 = pl.multiple_of(i * _MAXLEN + row0, _ROWS_PER_W)

    for k in range(_NSEQ):
        @pl.when(i == k)
        def _(k=k):
            src = seqs[k]

            def _cp(j, c):
                off = pl.multiple_of(j * _CHUNK, _CHUNK)
                pltpu.sync_copy(src.at[pl.ds(row0 + off, _CHUNK)], buf)
                pltpu.sync_copy(buf, out.at[pl.ds(dst0 + off, _CHUNK)])
                return c

            lax.fori_loop(0, n_copy // _CHUNK, _cp, 0)

    def _zf(j, c):
        zoff = pl.multiple_of(dst0 + n_copy + j * _CHUNK, _CHUNK)
        pltpu.sync_copy(zbuf, out.at[pl.ds(zoff, _CHUNK)])
        return c

    lax.fori_loop(0, (_ROWS_PER_W - n_copy) // _CHUNK, _zf, 0)


_pad_call = pl.kernel(
    _pad_body,
    out_type=jax.ShapeDtypeStruct((_NSEQ * _MAXLEN, _D), jnp.float32),
    mesh=plsc.VectorSubcoreMesh(core_axis_name="c", subcore_axis_name="s"),
    scratch_types=[
        pltpu.VMEM((_CHUNK, _D), jnp.float32),
        pltpu.VMEM((_CHUNK, _D), jnp.float32),
    ],
)


def _mask_body(o_ref):
    col = lax.broadcasted_iota(jnp.int32, (_NSEQ, _MAXLEN), 1)
    row = lax.broadcasted_iota(jnp.int32, (_NSEQ, _MAXLEN), 0)
    o_ref[...] = col >= (_MAXLEN - _STEP * row)


_mask_call = pl.pallas_call(
    _mask_body,
    out_shape=jax.ShapeDtypeStruct((_NSEQ, _MAXLEN), jnp.bool_),
)


@jax.jit
def kernel(seq_0, seq_1, seq_2, seq_3, seq_4, seq_5, seq_6, seq_7, seq_8,
           seq_9, seq_10, seq_11, seq_12, seq_13, seq_14, seq_15):
    seqs = (seq_0, seq_1, seq_2, seq_3, seq_4, seq_5, seq_6, seq_7, seq_8,
            seq_9, seq_10, seq_11, seq_12, seq_13, seq_14, seq_15)
    padded = _pad_call(*seqs).reshape(_NSEQ, _MAXLEN, _D)
    padding_mask = _mask_call()
    return padded, padding_mask

# --- scband reference (transcript-rebuilt; emitter-appended) ---
"""Pipeline reference for scband-pad-transform-39865886441476 (READ-ONLY COPY).

The authoritative reference and input builder live on the scoring server;
editing this copy changes nothing except your own understanding.
"""

import jax, jax.numpy as jnp
import numpy as np

LENGTHS = [4096, 3840, 3584, 3328, 3072, 2816, 2560, 2304, 2048, 1792, 1536, 1280, 1024, 768, 512, 256]
D = 512
PAD_ID = 0.0
MAX_LEN = 4096


def setup_inputs(seed: int = 0) -> dict:
    key = jax.random.key(seed)
    inp = {}
    for i, L in enumerate(LENGTHS):
        key, k = jax.random.split(key)
        inp["seq_%d" % i] = jax.random.normal(k, (L, D), dtype=jnp.float32)
    return inp


def reference(seq_0, seq_1, seq_2, seq_3, seq_4, seq_5, seq_6, seq_7, seq_8, seq_9, seq_10, seq_11, seq_12, seq_13, seq_14, seq_15):
    seq_list = [seq_0, seq_1, seq_2, seq_3, seq_4, seq_5, seq_6, seq_7, seq_8, seq_9, seq_10, seq_11, seq_12, seq_13, seq_14, seq_15]
    max_len = max(s.shape[0] for s in seq_list)
    # pad_sequence(batch_first=True, padding_value=pad_id)
    padded = jnp.stack([
        jnp.pad(s, ((0, max_len - s.shape[0]), (0, 0)), mode="constant", constant_values=PAD_ID)
        for s in seq_list
    ], axis=0)
    # padding_mask: True at pad positions, False at valid positions
    padding_mask = jnp.stack([
        jnp.arange(max_len) >= s.shape[0] for s in seq_list
    ], axis=0)
    return padded, padding_mask

if __name__ == "__main__":
    import jax
    _d = setup_inputs()
    print(jax.jit(kernel)(*tuple(_d.values())))

</pallas_src>

<mosaic_0001>
#map = affine_map<(d0, d1) -> (0, 0)>
module attributes {stable_mosaic.version = 14 : i64} {
  func.func @_pad_body(%arg0: i32, %arg1: i32, %arg2: memref<4096x512xf32, #tpu.memory_space<hbm>>, %arg3: memref<3840x512xf32, #tpu.memory_space<hbm>>, %arg4: memref<3584x512xf32, #tpu.memory_space<hbm>>, %arg5: memref<3328x512xf32, #tpu.memory_space<hbm>>, %arg6: memref<3072x512xf32, #tpu.memory_space<hbm>>, %arg7: memref<2816x512xf32, #tpu.memory_space<hbm>>, %arg8: memref<2560x512xf32, #tpu.memory_space<hbm>>, %arg9: memref<2304x512xf32, #tpu.memory_space<hbm>>, %arg10: memref<2048x512xf32, #tpu.memory_space<hbm>>, %arg11: memref<1792x512xf32, #tpu.memory_space<hbm>>, %arg12: memref<1536x512xf32, #tpu.memory_space<hbm>>, %arg13: memref<1280x512xf32, #tpu.memory_space<hbm>>, %arg14: memref<1024x512xf32, #tpu.memory_space<hbm>>, %arg15: memref<768x512xf32, #tpu.memory_space<hbm>>, %arg16: memref<512x512xf32, #tpu.memory_space<hbm>>, %arg17: memref<256x512xf32, #tpu.memory_space<hbm>>, %arg18: memref<65536x512xf32, #tpu.memory_space<hbm>>, %arg19: memref<64x512xf32, #tpu.memory_space<vmem>>, %arg20: memref<64x512xf32, #tpu.memory_space<vmem>>) attributes {dimension_semantics = [#tpu.dimension_semantics<core_parallel>, #tpu.dimension_semantics<subcore_parallel>], iteration_bounds = array<i64: 2, 16>, scalar_prefetch = 0 : i64, scratch_operands = 2 : i64, tpu.core_type = #tpu.core_type<sc_vector_subcore>, window_params = [{transform_indices = #map}, {transform_indices = #map}, {transform_indices = #map}, {transform_indices = #map}, {transform_indices = #map}, {transform_indices = #map}, {transform_indices = #map}, {transform_indices = #map}, {transform_indices = #map}, {transform_indices = #map}, {transform_indices = #map}, {transform_indices = #map}, {transform_indices = #map}, {transform_indices = #map}, {transform_indices = #map}, {transform_indices = #map}, {transform_indices = #map}]} {
    %broadcast_in_dim3A = arith.constant 0.000000e+00 : f32
    %broadcast_in_dim3A_0 = vector.broadcast %broadcast_in_dim3A : f32 to vector<16xf32>
    %scan3A = arith.constant 0 : i32
    %scan3A_1 = arith.constant 0 : i32
    %scan3A_2 = arith.constant 64 : i32
    %scan3A_3 = arith.addi %scan3A_1, %scan3A_2 : i32
    %scan3A_4 = arith.constant 1 : i32
    scf.for %scan3A_163 = %scan3A_1 to %scan3A_3 step %scan3A_4  : i32 {
      %scan3A_164 = arith.constant 0 : i32
      %scan3A_165 = arith.constant 32 : i32
      %scan3A_166 = arith.addi %scan3A_164, %scan3A_165 : i32
      %scan3A_167 = arith.constant 1 : i32
      scf.for %scan3A_169 = %scan3A_164 to %scan3A_166 step %scan3A_167  : i32 {
        %mul3A_170 = arith.constant 16 : i32
        %mul3A_171 = arith.muli %scan3A_169, %mul3A_170 : i32
        %swap3A = arith.index_cast %scan3A_163 : i32 to index
        %swap3A_172 = arith.index_cast %mul3A_171 : i32 to index
        %swap3A_173 = tpu.vector_load %arg20[%swap3A, %swap3A_172] {strides = array<i32>} : memref<64x512xf32, #tpu.memory_space<vmem>>, vector<1x16xf32>,
        %swap3A_174 = vector.shape_cast %swap3A_173 : vector<1x16xf32> to vector<16xf32>
        %swap3A_175 = vector.shape_cast %broadcast_in_dim3A_0 : vector<16xf32> to vector<1x16xf32>
        tpu.vector_store %arg20[%swap3A, %swap3A_172], %swap3A_175 {strides = array<i32>} : memref<64x512xf32, #tpu.memory_space<vmem>>, vector<1x16xf32>,
      }
      %scan3A_168 = arith.constant 32 : i32
    }
    %scan3A_5 = arith.constant 64 : i32
    %mul3A = arith.constant 2 : i32
    %mul3A_6 = arith.muli %arg1, %mul3A : i32
    %add3A = arith.addi %mul3A_6, %arg0 : i32
    %jit3A = arith.constant 2 : i32
    %div3A = arith.divsi %add3A, %jit3A : i32
    %sign3A = arith.constant 0 : i32
    %sign3A_7 = arith.cmpi sgt, %add3A, %sign3A : i32
    %sign3A_8 = arith.extui %sign3A_7 : i1 to i32
    %sign3A_9 = arith.constant 0 : i32
    %sign3A_10 = arith.cmpi slt, %add3A, %sign3A_9 : i32
    %sign3A_11 = arith.extui %sign3A_10 : i1 to i32
    %sign3A_12 = arith.subi %sign3A_8, %sign3A_11 : i32
    %sign3A_13 = arith.constant 0 : i32
    %sign3A_14 = arith.cmpi sgt, %jit3A, %sign3A_13 : i32
    %sign3A_15 = arith.extui %sign3A_14 : i1 to i32
    %sign3A_16 = arith.constant 0 : i32
    %sign3A_17 = arith.cmpi slt, %jit3A, %sign3A_16 : i32
    %sign3A_18 = arith.extui %sign3A_17 : i1 to i32
    %sign3A_19 = arith.subi %sign3A_15, %sign3A_18 : i32
    %ne3A = arith.cmpi ne, %sign3A_12, %sign3A_19 : i32
    %rem3A = arith.remsi %add3A, %jit3A : i32
    %ne3A_20 = arith.constant 0 : i32
    %ne3A_21 = arith.cmpi ne, %rem3A, %ne3A_20 : i32
    %and3A = arith.andi %ne3A, %ne3A_21 : i1
    %sub3A = arith.constant 1 : i32
    %sub3A_22 = arith.subi %div3A, %sub3A : i32
    %select_n3A = arith.select %and3A, %sub3A_22, %div3A : i32
    %jit3A_23 = arith.constant 2 : i32
    %eq3A = arith.constant 0 : i32
    %eq3A_24 = arith.cmpi eq, %jit3A_23, %eq3A : i32
    %jit3A_25 = arith.constant 1 : i32
    %select_n3A_26 = arith.select %eq3A_24, %jit3A_25, %jit3A_23 : i32
    %rem3A_27 = arith.remsi %add3A, %select_n3A_26 : i32
    %ne3A_28 = arith.constant 0 : i32
    %ne3A_29 = arith.cmpi ne, %rem3A_27, %ne3A_28 : i32
    %lt3A = arith.constant 0 : i32
    %lt3A_30 = arith.cmpi slt, %rem3A_27, %lt3A : i32
    %lt3A_31 = arith.constant 0 : i32
    %lt3A_32 = arith.cmpi slt, %select_n3A_26, %lt3A_31 : i32
    %ne3A_33 = arith.xori %lt3A_30, %lt3A_32 : i1
    %and3A_34 = arith.andi %ne3A_33, %ne3A_29 : i1
    %add3A_35 = arith.addi %rem3A_27, %select_n3A_26 : i32
    %select_n3A_36 = arith.select %and3A_34, %add3A_35, %rem3A_27 : i32
    %mul3A_37 = arith.constant 2048 : i32
    %mul3A_38 = arith.muli %select_n3A_36, %mul3A_37 : i32
    %mul3A_39 = arith.constant 256 : i32
    %mul3A_40 = arith.muli %mul3A_39, %select_n3A : i32
    %sub3A_41 = arith.constant 4096 : i32
    %sub3A_42 = arith.subi %sub3A_41, %mul3A_40 : i32
    %sub3A_43 = arith.subi %sub3A_42, %mul3A_38 : i32
    %jit3A_44 = arith.constant 0 : i32
    %jit3A_45 = arith.constant 2048 : i32
    %max3A = arith.maxsi %jit3A_44, %sub3A_43 : i32
    %min3A = arith.minsi %jit3A_45, %max3A : i32
    %multiple_of3A = tpu.assume_multiple %min3A, 64 : i32
    %mul3A_46 = arith.constant 4096 : i32
    %mul3A_47 = arith.muli %select_n3A, %mul3A_46 : i32
    %add3A_48 = arith.addi %mul3A_47, %mul3A_38 : i32
    %multiple_of3A_49 = tpu.assume_multiple %add3A_48, 2048 : i32
    %eq3A_50 = arith.constant 0 : i32
    %eq3A_51 = arith.cmpi eq, %select_n3A, %eq3A_50 : i32
    %convert_element_type3A = arith.extui %eq3A_51 : i1 to i32
    %cond3A = arith.constant 0 : i32
    %cond3A_52 = arith.cmpi ne, %convert_element_type3A, %cond3A : i32
    scf.if %cond3A_52 {
      %jit3A_163 = arith.constant 64 : i32
      %div3A_164 = arith.divsi %multiple_of3A, %jit3A_163 : i32
      %sign3A_165 = arith.constant 0 : i32
      %sign3A_166 = arith.cmpi sgt, %multiple_of3A, %sign3A_165 : i32
      %sign3A_167 = arith.extui %sign3A_166 : i1 to i32
      %sign3A_168 = arith.constant 0 : i32
      %sign3A_169 = arith.cmpi slt, %multiple_of3A, %sign3A_168 : i32
      %sign3A_170 = arith.extui %sign3A_169 : i1 to i32
      %sign3A_171 = arith.subi %sign3A_167, %sign3A_170 : i32
      %sign3A_172 = arith.constant 0 : i32
      %sign3A_173 = arith.cmpi sgt, %jit3A_163, %sign3A_172 : i32
      %sign3A_174 = arith.extui %sign3A_173 : i1 to i32
      %sign3A_175 = arith.constant 0 : i32
      %sign3A_176 = arith.cmpi slt, %jit3A_163, %sign3A_175 : i32
      %sign3A_177 = arith.extui %sign3A_176 : i1 to i32
      %sign3A_178 = arith.subi %sign3A_174, %sign3A_177 : i32
      %ne3A_179 = arith.cmpi ne, %sign3A_171, %sign3A_178 : i32
      %rem3A_180 = arith.remsi %multiple_of3A, %jit3A_163 : i32
      %ne3A_181 = arith.constant 0 : i32
      %ne3A_182 = arith.cmpi ne, %rem3A_180, %ne3A_181 : i32
      %and3A_183 = arith.andi %ne3A_179, %ne3A_182 : i1
      %sub3A_184 = arith.constant 1 : i32
      %sub3A_185 = arith.subi %div3A_164, %sub3A_184 : i32
      %select_n3A_186 = arith.select %and3A_183, %sub3A_185, %div3A_164 : i32
      %while3A_187 = arith.constant 0 : i32
      %while3A_188 = arith.constant 0 : i32
      %while3A_189 = arith.subi %select_n3A_186, %while3A_188 : i32
      %while3A_190 = arith.addi %while3A_188, %while3A_189 : i32
      %while3A_191 = arith.constant 1 : i32
      %while3A_192 = arith.divsi %while3A_189, %while3A_191 : i32
      %while3A_193 = arith.muli %while3A_192, %while3A_191 : i32
      %while3A_194 = arith.addi %while3A_188, %while3A_193 : i32
      %while3A_195 = arith.constant 1 : i32
      scf.for %while3A_197 = %while3A_188 to %while3A_194 step %while3A_195  : i32 {
        %mul3A_198 = arith.constant 64 : i32
        %mul3A_199 = arith.muli %while3A_197, %mul3A_198 : i32
        %multiple_of3A_200 = tpu.assume_multiple %mul3A_199, 64 : i32
        %add3A_201 = arith.addi %mul3A_38, %multiple_of3A_200 : i32
        "tpu.region"() ({
          %run_scoped3A = tpu.sem_alloc : memref<!tpu.dma_semaphore, #tpu.memory_space<semaphore_mem>>
          %dma_start3A = arith.constant 0 : i32
          %dma_start3A_203 = tpu.memref_slice %arg2[%add3A_201, %dma_start3A] : memref<4096x512xf32, #tpu.memory_space<hbm>> -> memref<64x512xf32, #tpu.memory_space<hbm>>
          %dma_start3A_204 = arith.constant 0 : i32
          %dma_start3A_205 = tpu.memref_slice %arg2[%add3A_201, %dma_start3A_204] : memref<4096x512xf32, #tpu.memory_space<hbm>> -> memref<64x512xf32, #tpu.memory_space<hbm>>
          tpu.enqueue_dma source(%dma_start3A_205 : memref<64x512xf32, #tpu.memory_space<hbm>>) target(%arg19 : memref<64x512xf32, #tpu.memory_space<vmem>>) target_semaphore(%run_scoped3A : memref<!tpu.dma_semaphore, #tpu.memory_space<semaphore_mem>>)
          %dma_wait3A = arith.constant 0 : i32
          %dma_wait3A_206 = tpu.memref_slice %arg2[%add3A_201, %dma_wait3A] : memref<4096x512xf32, #tpu.memory_space<hbm>> -> memref<64x512xf32, #tpu.memory_space<hbm>>
          %dma_wait3A_207 = arith.constant 0 : i32
          %dma_wait3A_208 = tpu.memref_slice %arg2[%add3A_201, %dma_wait3A_207] : memref<4096x512xf32, #tpu.memory_space<hbm>> -> memref<64x512xf32, #tpu.memory_space<hbm>>
          tpu.wait_dma2 semaphore(%run_scoped3A : memref<!tpu.dma_semaphore, #tpu.memory_space<semaphore_mem>>) src(%dma_wait3A_208 : memref<64x512xf32, #tpu.memory_space<hbm>>) dst(%arg19 : memref<64x512xf32, #tpu.memory_space<vmem>>)
          tpu.yield
        }) : () -> ()
        %add3A_202 = arith.addi %multiple_of3A_49, %multiple_of3A_200 : i32
        "tpu.region"() ({
          %run_scoped3A = tpu.sem_alloc : memref<!tpu.dma_semaphore, #tpu.memory_space<semaphore_mem>>
          %dma_start3A = arith.constant 0 : i32
          %dma_start3A_203 = tpu.memref_slice %arg18[%add3A_202, %dma_start3A] : memref<65536x512xf32, #tpu.memory_space<hbm>> -> memref<64x512xf32, #tpu.memory_space<hbm>>
          %dma_start3A_204 = arith.constant 0 : i32
          %dma_start3A_205 = tpu.memref_slice %arg18[%add3A_202, %dma_start3A_204] : memref<65536x512xf32, #tpu.memory_space<hbm>> -> memref<64x512xf32, #tpu.memory_space<hbm>>
          tpu.enqueue_dma source(%arg19 : memref<64x512xf32, #tpu.memory_space<vmem>>) target(%dma_start3A_205 : memref<64x512xf32, #tpu.memory_space<hbm>>) target_semaphore(%run_scoped3A : memref<!tpu.dma_semaphore, #tpu.memory_space<semaphore_mem>>)
          %dma_wait3A = arith.constant 0 : i32
          %dma_wait3A_206 = tpu.memref_slice %arg18[%add3A_202, %dma_wait3A] : memref<65536x512xf32, #tpu.memory_space<hbm>> -> memref<64x512xf32, #tpu.memory_space<hbm>>
          %dma_wait3A_207 = arith.constant 0 : i32
          %dma_wait3A_208 = tpu.memref_slice %arg18[%add3A_202, %dma_wait3A_207] : memref<65536x512xf32, #tpu.memory_space<hbm>> -> memref<64x512xf32, #tpu.memory_space<hbm>>
          tpu.wait_dma2 semaphore(%run_scoped3A : memref<!tpu.dma_semaphore, #tpu.memory_space<semaphore_mem>>) src(%arg19 : memref<64x512xf32, #tpu.memory_space<vmem>>) dst(%dma_wait3A_208 : memref<64x512xf32, #tpu.memory_space<hbm>>)
          tpu.yield
        }) : () -> ()
      }
      %while3A_196 = arith.constant 1 : i32
      scf.for %while3A_197 = %while3A_194 to %while3A_190 step %while3A_196  : i32 {
        %mul3A_198 = arith.constant 64 : i32
        %mul3A_199 = arith.muli %while3A_197, %mul3A_198 : i32
        %multiple_of3A_200 = tpu.assume_multiple %mul3A_199, 64 : i32
        %add3A_201 = arith.addi %mul3A_38, %multiple_of3A_200 : i32
        "tpu.region"() ({
          %run_scoped3A = tpu.sem_alloc : memref<!tpu.dma_semaphore, #tpu.memory_space<semaphore_mem>>
          %dma_start3A = arith.constant 0 : i32
          %dma_start3A_203 = tpu.memref_slice %arg2[%add3A_201, %dma_start3A] : memref<4096x512xf32, #tpu.memory_space<hbm>> -> memref<64x512xf32, #tpu.memory_space<hbm>>
          %dma_start3A_204 = arith.constant 0 : i32
          %dma_start3A_205 = tpu.memref_slice %arg2[%add3A_201, %dma_start3A_204] : memref<4096x512xf32, #tpu.memory_space<hbm>> -> memref<64x512xf32, #tpu.memory_space<hbm>>
          tpu.enqueue_dma source(%dma_start3A_205 : memref<64x512xf32, #tpu.memory_space<hbm>>) target(%arg19 : memref<64x512xf32, #tpu.memory_space<vmem>>) target_semaphore(%run_scoped3A : memref<!tpu.dma_semaphore, #tpu.memory_space<semaphore_mem>>)
          %dma_wait3A = arith.constant 0 : i32
          %dma_wait3A_206 = tpu.memref_slice %arg2[%add3A_201, %dma_wait3A] : memref<4096x512xf32, #tpu.memory_space<hbm>> -> memref<64x512xf32, #tpu.memory_space<hbm>>
          %dma_wait3A_207 = arith.constant 0 : i32
          %dma_wait3A_208 = tpu.memref_slice %arg2[%add3A_201, %dma_wait3A_207] : memref<4096x512xf32, #tpu.memory_space<hbm>> -> memref<64x512xf32, #tpu.memory_space<hbm>>
          tpu.wait_dma2 semaphore(%run_scoped3A : memref<!tpu.dma_semaphore, #tpu.memory_space<semaphore_mem>>) src(%dma_wait3A_208 : memref<64x512xf32, #tpu.memory_space<hbm>>) dst(%arg19 : memref<64x512xf32, #tpu.memory_space<vmem>>)
          tpu.yield
        }) : () -> ()
        %add3A_202 = arith.addi %multiple_of3A_49, %multiple_of3A_200 : i32
        "tpu.region"() ({
          %run_scoped3A = tpu.sem_alloc : memref<!tpu.dma_semaphore, #tpu.memory_space<semaphore_mem>>
          %dma_start3A = arith.constant 0 : i32
          %dma_start3A_203 = tpu.memref_slice %arg18[%add3A_202, %dma_start3A] : memref<65536x512xf32, #tpu.memory_space<hbm>> -> memref<64x512xf32, #tpu.memory_space<hbm>>
          %dma_start3A_204 = arith.constant 0 : i32
          %dma_start3A_205 = tpu.memref_slice %arg18[%add3A_202, %dma_start3A_204] : memref<65536x512xf32, #tpu.memory_space<hbm>> -> memref<64x512xf32, #tpu.memory_space<hbm>>
          tpu.enqueue_dma source(%arg19 : memref<64x512xf32, #tpu.memory_space<vmem>>) target(%dma_start3A_205 : memref<64x512xf32, #tpu.memory_space<hbm>>) target_semaphore(%run_scoped3A : memref<!tpu.dma_semaphore, #tpu.memory_space<semaphore_mem>>)
          %dma_wait3A = arith.constant 0 : i32
          %dma_wait3A_206 = tpu.memref_slice %arg18[%add3A_202, %dma_wait3A] : memref<65536x512xf32, #tpu.memory_space<hbm>> -> memref<64x512xf32, #tpu.memory_space<hbm>>
          %dma_wait3A_207 = arith.constant 0 : i32
          %dma_wait3A_208 = tpu.memref_slice %arg18[%add3A_202, %dma_wait3A_207] : memref<65536x512xf32, #tpu.memory_space<hbm>> -> memref<64x512xf32, #tpu.memory_space<hbm>>
          tpu.wait_dma2 semaphore(%run_scoped3A : memref<!tpu.dma_semaphore, #tpu.memory_space<semaphore_mem>>) src(%arg19 : memref<64x512xf32, #tpu.memory_space<vmem>>) dst(%dma_wait3A_208 : memref<64x512xf32, #tpu.memory_space<hbm>>)
          tpu.yield
        }) : () -> ()
      }
    } else {
    }
    %eq3A_53 = arith.constant 1 : i32
    %eq3A_54 = arith.cmpi eq, %select_n3A, %eq3A_53 : i32
    %convert_element_type3A_55 = arith.extui %eq3A_54 : i1 to i32
    %cond3A_56 = arith.constant 0 : i32
    %cond3A_57 = arith.cmpi ne, %convert_element_type3A_55, %cond3A_56 : i32
    scf.if %cond3A_57 {
      %jit3A_163 = arith.constant 64 : i32
      %div3A_164 = arith.divsi %multiple_of3A, %jit3A_163 : i32
      %sign3A_165 = arith.constant 0 : i32
      %sign3A_166 = arith.cmpi sgt, %multiple_of3A, %sign3A_165 : i32
      %sign3A_167 = arith.extui %sign3A_166 : i1 to i32
      %sign3A_168 = arith.constant 0 : i32
      %sign3A_169 = arith.cmpi slt, %multiple_of3A, %sign3A_168 : i32
      %sign3A_170 = arith.extui %sign3A_169 : i1 to i32
      %sign3A_171 = arith.subi %sign3A_167, %sign3A_170 : i32
      %sign3A_172 = arith.constant 0 : i32
      %sign3A_173 = arith.cmpi sgt, %jit3A_163, %sign3A_172 : i32
      %sign3A_174 = arith.extui %sign3A_173 : i1 to i32
      %sign3A_175 = arith.constant 0 : i32
      %sign3A_176 = arith.cmpi slt, %jit3A_163, %sign3A_175 : i32
      %sign3A_177 = arith.extui %sign3A_176 : i1 to i32
      %sign3A_178 = arith.subi %sign3A_174, %sign3A_177 : i32
      %ne3A_179 = arith.cmpi ne, %sign3A_171, %sign3A_178 : i32
      %rem3A_180 = arith.remsi %multiple_of3A, %jit3A_163 : i32
      %ne3A_181 = arith.constant 0 : i32
      %ne3A_182 = arith.cmpi ne, %rem3A_180, %ne3A_181 : i32
      %and3A_183 = arith.andi %ne3A_179, %ne3A_182 : i1
      %sub3A_184 = arith.constant 1 : i32
      %sub3A_185 = arith.subi %div3A_164, %sub3A_184 : i32
      %select_n3A_186 = arith.select %and3A_183, %sub3A_185, %div3A_164 : i32
      %while3A_187 = arith.constant 0 : i32
      %while3A_188 = arith.constant 0 : i32
      %while3A_189 = arith.subi %select_n3A_186, %while3A_188 : i32
      %while3A_190 = arith.addi %while3A_188, %while3A_189 : i32
      %while3A_191 = arith.constant 1 : i32
      %while3A_192 = arith.divsi %while3A_189, %while3A_191 : i32
      %while3A_193 = arith.muli %while3A_192, %while3A_191 : i32
      %while3A_194 = arith.addi %while3A_188, %while3A_193 : i32
      %while3A_195 = arith.constant 1 : i32
      scf.for %while3A_197 = %while3A_188 to %while3A_194 step %while3A_195  : i32 {
        %mul3A_198 = arith.constant 64 : i32
        %mul3A_199 = arith.muli %while3A_197, %mul3A_198 : i32
        %multiple_of3A_200 = tpu.assume_multiple %mul3A_199, 64 : i32
        %add3A_201 = arith.addi %mul3A_38, %multiple_of3A_200 : i32
        "tpu.region"() ({
          %run_scoped3A = tpu.sem_alloc : memref<!tpu.dma_semaphore, #tpu.memory_space<semaphore_mem>>
          %dma_start3A = arith.constant 0 : i32
          %dma_start3A_203 = tpu.memref_slice %arg3[%add3A_201, %dma_start3A] : memref<3840x512xf32, #tpu.memory_space<hbm>> -> memref<64x512xf32, #tpu.memory_space<hbm>>
          %dma_start3A_204 = arith.constant 0 : i32
          %dma_start3A_205 = tpu.memref_slice %arg3[%add3A_201, %dma_start3A_204] : memref<3840x512xf32, #tpu.memory_space<hbm>> -> memref<64x512xf32, #tpu.memory_space<hbm>>
          tpu.enqueue_dma source(%dma_start3A_205 : memref<64x512xf32, #tpu.memory_space<hbm>>) target(%arg19 : memref<64x512xf32, #tpu.memory_space<vmem>>) target_semaphore(%run_scoped3A : memref<!tpu.dma_semaphore, #tpu.memory_space<semaphore_mem>>)
          %dma_wait3A = arith.constant 0 : i32
          %dma_wait3A_206 = tpu.memref_slice %arg3[%add3A_201, %dma_wait3A] : memref<3840x512xf32, #tpu.memory_space<hbm>> -> memref<64x512xf32, #tpu.memory_space<hbm>>
          %dma_wait3A_207 = arith.constant 0 : i32
          %dma_wait3A_208 = tpu.memref_slice %arg3[%add3A_201, %dma_wait3A_207] : memref<3840x512xf32, #tpu.memory_space<hbm>> -> memref<64x512xf32, #tpu.memory_space<hbm>>
          tpu.wait_dma2 semaphore(%run_scoped3A : memref<!tpu.dma_semaphore, #tpu.memory_space<semaphore_mem>>) src(%dma_wait3A_208 : memref<64x512xf32, #tpu.memory_space<hbm>>) dst(%arg19 : memref<64x512xf32, #tpu.memory_space<vmem>>)
          tpu.yield
        }) : () -> ()
        %add3A_202 = arith.addi %multiple_of3A_49, %multiple_of3A_200 : i32
        "tpu.region"() ({
          %run_scoped3A = tpu.sem_alloc : memref<!tpu.dma_semaphore, #tpu.memory_space<semaphore_mem>>
          %dma_start3A = arith.constant 0 : i32
          %dma_start3A_203 = tpu.memref_slice %arg18[%add3A_202, %dma_start3A] : memref<65536x512xf32, #tpu.memory_space<hbm>> -> memref<64x512xf32, #tpu.memory_space<hbm>>
          %dma_start3A_204 = arith.constant 0 : i32
          %dma_start3A_205 = tpu.memref_slice %arg18[%add3A_202, %dma_start3A_204] : memref<65536x512xf32, #tpu.memory_space<hbm>> -> memref<64x512xf32, #tpu.memory_space<hbm>>
          tpu.enqueue_dma source(%arg19 : memref<64x512xf32, #tpu.memory_space<vmem>>) target(%dma_start3A_205 : memref<64x512xf32, #tpu.memory_space<hbm>>) target_semaphore(%run_scoped3A : memref<!tpu.dma_semaphore, #tpu.memory_space<semaphore_mem>>)
          %dma_wait3A = arith.constant 0 : i32
          %dma_wait3A_206 = tpu.memref_slice %arg18[%add3A_202, %dma_wait3A] : memref<65536x512xf32, #tpu.memory_space<hbm>> -> memref<64x512xf32, #tpu.memory_space<hbm>>
          %dma_wait3A_207 = arith.constant 0 : i32
          %dma_wait3A_208 = tpu.memref_slice %arg18[%add3A_202, %dma_wait3A_207] : memref<65536x512xf32, #tpu.memory_space<hbm>> -> memref<64x512xf32, #tpu.memory_space<hbm>>
          tpu.wait_dma2 semaphore(%run_scoped3A : memref<!tpu.dma_semaphore, #tpu.memory_space<semaphore_mem>>) src(%arg19 : memref<64x512xf32, #tpu.memory_space<vmem>>) dst(%dma_wait3A_208 : memref<64x512xf32, #tpu.memory_space<hbm>>)
          tpu.yield
        }) : () -> ()
      }
      %while3A_196 = arith.constant 1 : i32
      scf.for %while3A_197 = %while3A_194 to %while3A_190 step %while3A_196  : i32 {
        %mul3A_198 = arith.constant 64 : i32
        %mul3A_199 = arith.muli %while3A_197, %mul3A_198 : i32
        %multiple_of3A_200 = tpu.assume_multiple %mul3A_199, 64 : i32
        %add3A_201 = arith.addi %mul3A_38, %multiple_of3A_200 : i32
        "tpu.region"() ({
          %run_scoped3A = tpu.sem_alloc : memref<!tpu.dma_semaphore, #tpu.memory_space<semaphore_mem>>
          %dma_start3A = arith.constant 0 : i32
          %dma_start3A_203 = tpu.memref_slice %arg3[%add3A_201, %dma_start3A] : memref<3840x512xf32, #tpu.memory_space<hbm>> -> memref<64x512xf32, #tpu.memory_space<hbm>>
          %dma_start3A_204 = arith.constant 0 : i32
          %dma_start3A_205 = tpu.memref_slice %arg3[%add3A_201, %dma_start3A_204] : memref<3840x512xf32, #tpu.memory_space<hbm>> -> memref<64x512xf32, #tpu.memory_space<hbm>>
          tpu.enqueue_dma source(%dma_start3A_205 : memref<64x512xf32, #tpu.memory_space<hbm>>) target(%arg19 : memref<64x512xf32, #tpu.memory_space<vmem>>) target_semaphore(%run_scoped3A : memref<!tpu.dma_semaphore, #tpu.memory_space<semaphore_mem>>)
          %dma_wait3A = arith.constant 0 : i32
          %dma_wait3A_206 = tpu.memref_slice %arg3[%add3A_201, %dma_wait3A] : memref<3840x512xf32, #tpu.memory_space<hbm>> -> memref<64x512xf32, #tpu.memory_space<hbm>>
          %dma_wait3A_207 = arith.constant 0 : i32
          %dma_wait3A_208 = tpu.memref_slice %arg3[%add3A_201, %dma_wait3A_207] : memref<3840x512xf32, #tpu.memory_space<hbm>> -> memref<64x512xf32, #tpu.memory_space<hbm>>
          tpu.wait_dma2 semaphore(%run_scoped3A : memref<!tpu.dma_semaphore, #tpu.memory_space<semaphore_mem>>) src(%dma_wait3A_208 : memref<64x512xf32, #tpu.memory_space<hbm>>) dst(%arg19 : memref<64x512xf32, #tpu.memory_space<vmem>>)
          tpu.yield
        }) : () -> ()
        %add3A_202 = arith.addi %multiple_of3A_49, %multiple_of3A_200 : i32
        "tpu.region"() ({
          %run_scoped3A = tpu.sem_alloc : memref<!tpu.dma_semaphore, #tpu.memory_space<semaphore_mem>>
          %dma_start3A = arith.constant 0 : i32
          %dma_start3A_203 = tpu.memref_slice %arg18[%add3A_202, %dma_start3A] : memref<65536x512xf32, #tpu.memory_space<hbm>> -> memref<64x512xf32, #tpu.memory_space<hbm>>
          %dma_start3A_204 = arith.constant 0 : i32
          %dma_start3A_205 = tpu.memref_slice %arg18[%add3A_202, %dma_start3A_204] : memref<65536x512xf32, #tpu.memory_space<hbm>> -> memref<64x512xf32, #tpu.memory_space<hbm>>
          tpu.enqueue_dma source(%arg19 : memref<64x512xf32, #tpu.memory_space<vmem>>) target(%dma_start3A_205 : memref<64x512xf32, #tpu.memory_space<hbm>>) target_semaphore(%run_scoped3A : memref<!tpu.dma_semaphore, #tpu.memory_space<semaphore_mem>>)
          %dma_wait3A = arith.constant 0 : i32
          %dma_wait3A_206 = tpu.memref_slice %arg18[%add3A_202, %dma_wait3A] : memref<65536x512xf32, #tpu.memory_space<hbm>> -> memref<64x512xf32, #tpu.memory_space<hbm>>
          %dma_wait3A_207 = arith.constant 0 : i32
          %dma_wait3A_208 = tpu.memref_slice %arg18[%add3A_202, %dma_wait3A_207] : memref<65536x512xf32, #tpu.memory_space<hbm>> -> memref<64x512xf32, #tpu.memory_space<hbm>>
          tpu.wait_dma2 semaphore(%run_scoped3A : memref<!tpu.dma_semaphore, #tpu.memory_space<semaphore_mem>>) src(%arg19 : memref<64x512xf32, #tpu.memory_space<vmem>>) dst(%dma_wait3A_208 : memref<64x512xf32, #tpu.memory_space<hbm>>)
          tpu.yield
        }) : () -> ()
      }
    } else {
    }
    %eq3A_58 = arith.constant 2 : i32
    %eq3A_59 = arith.cmpi eq, %select_n3A, %eq3A_58 : i32
    %convert_element_type3A_60 = arith.extui %eq3A_59 : i1 to i32
    %cond3A_61 = arith.constant 0 : i32
    %cond3A_62 = arith.cmpi ne, %convert_element_type3A_60, %cond3A_61 : i32
    scf.if %cond3A_62 {
      %jit3A_163 = arith.constant 64 : i32
      %div3A_164 = arith.divsi %multiple_of3A, %jit3A_163 : i32
      %sign3A_165 = arith.constant 0 : i32
      %sign3A_166 = arith.cmpi sgt, %multiple_of3A, %sign3A_165 : i32
      %sign3A_167 = arith.extui %sign3A_166 : i1 to i32
      %sign3A_168 = arith.constant 0 : i32
      %sign3A_169 = arith.cmpi slt, %multiple_of3A, %sign3A_168 : i32
      %sign3A_170 = arith.extui %sign3A_169 : i1 to i32
      %sign3A_171 = arith.subi %sign3A_167, %sign3A_170 : i32
      %sign3A_172 = arith.constant 0 : i32
      %sign3A_173 = arith.cmpi sgt, %jit3A_163, %sign3A_172 : i32
      %sign3A_174 = arith.extui %sign3A_173 : i1 to i32
      %sign3A_175 = arith.constant 0 : i32
      %sign3A_176 = arith.cmpi slt, %jit3A_163, %sign3A_175 : i32
      %sign3A_177 = arith.extui %sign3A_176 : i1 to i32
      %sign3A_178 = arith.subi %sign3A_174, %sign3A_177 : i32
      %ne3A_179 = arith.cmpi ne, %sign3A_171, %sign3A_178 : i32
      %rem3A_180 = arith.remsi %multiple_of3A, %jit3A_163 : i32
      %ne3A_181 = arith.constant 0 : i32
      %ne3A_182 = arith.cmpi ne, %rem3A_180, %ne3A_181 : i32
      %and3A_183 = arith.andi %ne3A_179, %ne3A_182 : i1
      %sub3A_184 = arith.constant 1 : i32
      %sub3A_185 = arith.subi %div3A_164, %sub3A_184 : i32
      %select_n3A_186 = arith.select %and3A_183, %sub3A_185, %div3A_164 : i32
      %while3A_187 = arith.constant 0 : i32
      %while3A_188 = arith.constant 0 : i32
      %while3A_189 = arith.subi %select_n3A_186, %while3A_188 : i32
      %while3A_190 = arith.addi %while3A_188, %while3A_189 : i32
      %while3A_191 = arith.constant 1 : i32
      %while3A_192 = arith.divsi %while3A_189, %while3A_191 : i32
      %while3A_193 = arith.muli %while3A_192, %while3A_191 : i32
      %while3A_194 = arith.addi %while3A_188, %while3A_193 : i32
      %while3A_195 = arith.constant 1 : i32
      scf.for %while3A_197 = %while3A_188 to %while3A_194 step %while3A_195  : i32 {
        %mul3A_198 = arith.constant 64 : i32
        %mul3A_199 = arith.muli %while3A_197, %mul3A_198 : i32
        %multiple_of3A_200 = tpu.assume_multiple %mul3A_199, 64 : i32
        %add3A_201 = arith.addi %mul3A_38, %multiple_of3A_200 : i32
        "tpu.region"() ({
          %run_scoped3A = tpu.sem_alloc : memref<!tpu.dma_semaphore, #tpu.memory_space<semaphore_mem>>
          %dma_start3A = arith.constant 0 : i32
          %dma_start3A_203 = tpu.memref_slice %arg4[%add3A_201, %dma_start3A] : memref<3584x512xf32, #tpu.memory_space<hbm>> -> memref<64x512xf32, #tpu.memory_space<hbm>>
          %dma_start3A_204 = arith.constant 0 : i32
          %dma_start3A_205 = tpu.memref_slice %arg4[%add3A_201, %dma_start3A_204] : memref<3584x512xf32, #tpu.memory_space<hbm>> -> memref<64x512xf32, #tpu.memory_space<hbm>>
          tpu.enqueue_dma source(%dma_start3A_205 : memref<64x512xf32, #tpu.memory_space<hbm>>) target(%arg19 : memref<64x512xf32, #tpu.memory_space<vmem>>) target_semaphore(%run_scoped3A : memref<!tpu.dma_semaphore, #tpu.memory_space<semaphore_mem>>)
          %dma_wait3A = arith.constant 0 : i32
          %dma_wait3A_206 = tpu.memref_slice %arg4[%add3A_201, %dma_wait3A] : memref<3584x512xf32, #tpu.memory_space<hbm>> -> memref<64x512xf32, #tpu.memory_space<hbm>>
          %dma_wait3A_207 = arith.constant 0 : i32
          %dma_wait3A_208 = tpu.memref_slice %arg4[%add3A_201, %dma_wait3A_207] : memref<3584x512xf32, #tpu.memory_space<hbm>> -> memref<64x512xf32, #tpu.memory_space<hbm>>
          tpu.wait_dma2 semaphore(%run_scoped3A : memref<!tpu.dma_semaphore, #tpu.memory_space<semaphore_mem>>) src(%dma_wait3A_208 : memref<64x512xf32, #tpu.memory_space<hbm>>) dst(%arg19 : memref<64x512xf32, #tpu.memory_space<vmem>>)
          tpu.yield
        }) : () -> ()
        %add3A_202 = arith.addi %multiple_of3A_49, %multiple_of3A_200 : i32
        "tpu.region"() ({
          %run_scoped3A = tpu.sem_alloc : memref<!tpu.dma_semaphore, #tpu.memory_space<semaphore_mem>>
          %dma_start3A = arith.constant 0 : i32
          %dma_start3A_203 = tpu.memref_slice %arg18[%add3A_202, %dma_start3A] : memref<65536x512xf32, #tpu.memory_space<hbm>> -> memref<64x512xf32, #tpu.memory_space<hbm>>
          %dma_start3A_204 = arith.constant 0 : i32
          %dma_start3A_205 = tpu.memref_slice %arg18[%add3A_202, %dma_start3A_204] : memref<65536x512xf32, #tpu.memory_space<hbm>> -> memref<64x512xf32, #tpu.memory_space<hbm>>
          tpu.enqueue_dma source(%arg19 : memref<64x512xf32, #tpu.memory_space<vmem>>) target(%dma_start3A_205 : memref<64x512xf32, #tpu.memory_space<hbm>>) target_semaphore(%run_scoped3A : memref<!tpu.dma_semaphore, #tpu.memory_space<semaphore_mem>>)
          %dma_wait3A = arith.constant 0 : i32
          %dma_wait3A_206 = tpu.memref_slice %arg18[%add3A_202, %dma_wait3A] : memref<65536x512xf32, #tpu.memory_space<hbm>> -> memref<64x512xf32, #tpu.memory_space<hbm>>
          %dma_wait3A_207 = arith.constant 0 : i32
          %dma_wait3A_208 = tpu.memref_slice %arg18[%add3A_202, %dma_wait3A_207] : memref<65536x512xf32, #tpu.memory_space<hbm>> -> memref<64x512xf32, #tpu.memory_space<hbm>>
          tpu.wait_dma2 semaphore(%run_scoped3A : memref<!tpu.dma_semaphore, #tpu.memory_space<semaphore_mem>>) src(%arg19 : memref<64x512xf32, #tpu.memory_space<vmem>>) dst(%dma_wait3A_208 : memref<64x512xf32, #tpu.memory_space<hbm>>)
          tpu.yield
        }) : () -> ()
      }
      %while3A_196 = arith.constant 1 : i32
      scf.for %while3A_197 = %while3A_194 to %while3A_190 step %while3A_196  : i32 {
        %mul3A_198 = arith.constant 64 : i32
        %mul3A_199 = arith.muli %while3A_197, %mul3A_198 : i32
        %multiple_of3A_200 = tpu.assume_multiple %mul3A_199, 64 : i32
        %add3A_201 = arith.addi %mul3A_38, %multiple_of3A_200 : i32
        "tpu.region"() ({
          %run_scoped3A = tpu.sem_alloc : memref<!tpu.dma_semaphore, #tpu.memory_space<semaphore_mem>>
          %dma_start3A = arith.constant 0 : i32
          %dma_start3A_203 = tpu.memref_slice %arg4[%add3A_201, %dma_start3A] : memref<3584x512xf32, #tpu.memory_space<hbm>> -> memref<64x512xf32, #tpu.memory_space<hbm>>
          %dma_start3A_204 = arith.constant 0 : i32
          %dma_start3A_205 = tpu.memref_slice %arg4[%add3A_201, %dma_start3A_204] : memref<3584x512xf32, #tpu.memory_space<hbm>> -> memref<64x512xf32, #tpu.memory_space<hbm>>
          tpu.enqueue_dma source(%dma_start3A_205 : memref<64x512xf32, #tpu.memory_space<hbm>>) target(%arg19 : memref<64x512xf32, #tpu.memory_space<vmem>>) target_semaphore(%run_scoped3A : memref<!tpu.dma_semaphore, #tpu.memory_space<semaphore_mem>>)
          %dma_wait3A = arith.constant 0 : i32
          %dma_wait3A_206 = tpu.memref_slice %arg4[%add3A_201, %dma_wait3A] : memref<3584x512xf32, #tpu.memory_space<hbm>> -> memref<64x512xf32, #tpu.memory_space<hbm>>
          %dma_wait3A_207 = arith.constant 0 : i32
          %dma_wait3A_208 = tpu.memref_slice %arg4[%add3A_201, %dma_wait3A_207] : memref<3584x512xf32, #tpu.memory_space<hbm>> -> memref<64x512xf32, #tpu.memory_space<hbm>>
          tpu.wait_dma2 semaphore(%run_scoped3A : memref<!tpu.dma_semaphore, #tpu.memory_space<semaphore_mem>>) src(%dma_wait3A_208 : memref<64x512xf32, #tpu.memory_space<hbm>>) dst(%arg19 : memref<64x512xf32, #tpu.memory_space<vmem>>)
          tpu.yield
        }) : () -> ()
        %add3A_202 = arith.addi %multiple_of3A_49, %multiple_of3A_200 : i32
        "tpu.region"() ({
          %run_scoped3A = tpu.sem_alloc : memref<!tpu.dma_semaphore, #tpu.memory_space<semaphore_mem>>
          %dma_start3A = arith.constant 0 : i32
          %dma_start3A_203 = tpu.memref_slice %arg18[%add3A_202, %dma_start3A] : memref<65536x512xf32, #tpu.memory_space<hbm>> -> memref<64x512xf32, #tpu.memory_space<hbm>>
          %dma_start3A_204 = arith.constant 0 : i32
          %dma_start3A_205 = tpu.memref_slice %arg18[%add3A_202, %dma_start3A_204] : memref<65536x512xf32, #tpu.memory_space<hbm>> -> memref<64x512xf32, #tpu.memory_space<hbm>>
          tpu.enqueue_dma source(%arg19 : memref<64x512xf32, #tpu.memory_space<vmem>>) target(%dma_start3A_205 : memref<64x512xf32, #tpu.memory_space<hbm>>) target_semaphore(%run_scoped3A : memref<!tpu.dma_semaphore, #tpu.memory_space<semaphore_mem>>)
          %dma_wait3A = arith.constant 0 : i32
          %dma_wait3A_206 = tpu.memref_slice %arg18[%add3A_202, %dma_wait3A] : memref<65536x512xf32, #tpu.memory_space<hbm>> -> memref<64x512xf32, #tpu.memory_space<hbm>>
          %dma_wait3A_207 = arith.constant 0 : i32
          %dma_wait3A_208 = tpu.memref_slice %arg18[%add3A_202, %dma_wait3A_207] : memref<65536x512xf32, #tpu.memory_space<hbm>> -> memref<64x512xf32, #tpu.memory_space<hbm>>
          tpu.wait_dma2 semaphore(%run_scoped3A : memref<!tpu.dma_semaphore, #tpu.memory_space<semaphore_mem>>) src(%arg19 : memref<64x512xf32, #tpu.memory_space<vmem>>) dst(%dma_wait3A_208 : memref<64x512xf32, #tpu.memory_space<hbm>>)
          tpu.yield
        }) : () -> ()
      }
    } else {
    }
    %eq3A_63 = arith.constant 3 : i32
    %eq3A_64 = arith.cmpi eq, %select_n3A, %eq3A_63 : i32
    %convert_element_type3A_65 = arith.extui %eq3A_64 : i1 to i32
    %cond3A_66 = arith.constant 0 : i32
    %cond3A_67 = arith.cmpi ne, %convert_element_type3A_65, %cond3A_66 : i32
    scf.if %cond3A_67 {
      %jit3A_163 = arith.constant 64 : i32
      %div3A_164 = arith.divsi %multiple_of3A, %jit3A_163 : i32
      %sign3A_165 = arith.constant 0 : i32
      %sign3A_166 = arith.cmpi sgt, %multiple_of3A, %sign3A_165 : i32
      %sign3A_167 = arith.extui %sign3A_166 : i1 to i32
      %sign3A_168 = arith.constant 0 : i32
      %sign3A_169 = arith.cmpi slt, %multiple_of3A, %sign3A_168 : i32
      %sign3A_170 = arith.extui %sign3A_169 : i1 to i32
      %sign3A_171 = arith.subi %sign3A_167, %sign3A_170 : i32
      %sign3A_172 = arith.constant 0 : i32
      %sign3A_173 = arith.cmpi sgt, %jit3A_163, %sign3A_172 : i32
      %sign3A_174 = arith.extui %sign3A_173 : i1 to i32
      %sign3A_175 = arith.constant 0 : i32
      %sign3A_176 = arith.cmpi slt, %jit3A_163, %sign3A_175 : i32
      %sign3A_177 = arith.extui %sign3A_176 : i1 to i32
      %sign3A_178 = arith.subi %sign3A_174, %sign3A_177 : i32
      %ne3A_179 = arith.cmpi ne, %sign3A_171, %sign3A_178 : i32
      %rem3A_180 = arith.remsi %multiple_of3A, %jit3A_163 : i32
      %ne3A_181 = arith.constant 0 : i32
      %ne3A_182 = arith.cmpi ne, %rem3A_180, %ne3A_181 : i32
      %and3A_183 = arith.andi %ne3A_179, %ne3A_182 : i1
      %sub3A_184 = arith.constant 1 : i32
      %sub3A_185 = arith.subi %div3A_164, %sub3A_184 : i32
      %select_n3A_186 = arith.select %and3A_183, %sub3A_185, %div3A_164 : i32
      %while3A_187 = arith.constant 0 : i32
      %while3A_188 = arith.constant 0 : i32
      %while3A_189 = arith.subi %select_n3A_186, %while3A_188 : i32
      %while3A_190 = arith.addi %while3A_188, %while3A_189 : i32
      %while3A_191 = arith.constant 1 : i32
      %while3A_192 = arith.divsi %while3A_189, %while3A_191 : i32
      %while3A_193 = arith.muli %while3A_192, %while3A_191 : i32
      %while3A_194 = arith.addi %while3A_188, %while3A_193 : i32
      %while3A_195 = arith.constant 1 : i32
      scf.for %while3A_197 = %while3A_188 to %while3A_194 step %while3A_195  : i32 {
        %mul3A_198 = arith.constant 64 : i32
        %mul3A_199 = arith.muli %while3A_197, %mul3A_198 : i32
        %multiple_of3A_200 = tpu.assume_multiple %mul3A_199, 64 : i32
        %add3A_201 = arith.addi %mul3A_38, %multiple_of3A_200 : i32
        "tpu.region"() ({
          %run_scoped3A = tpu.sem_alloc : memref<!tpu.dma_semaphore, #tpu.memory_space<semaphore_mem>>
          %dma_start3A = arith.constant 0 : i32
          %dma_start3A_203 = tpu.memref_slice %arg5[%add3A_201, %dma_start3A] : memref<3328x512xf32, #tpu.memory_space<hbm>> -> memref<64x512xf32, #tpu.memory_space<hbm>>
          %dma_start3A_204 = arith.constant 0 : i32
          %dma_start3A_205 = tpu.memref_slice %arg5[%add3A_201, %dma_start3A_204] : memref<3328x512xf32, #tpu.memory_space<hbm>> -> memref<64x512xf32, #tpu.memory_space<hbm>>
          tpu.enqueue_dma source(%dma_start3A_205 : memref<64x512xf32, #tpu.memory_space<hbm>>) target(%arg19 : memref<64x512xf32, #tpu.memory_space<vmem>>) target_semaphore(%run_scoped3A : memref<!tpu.dma_semaphore, #tpu.memory_space<semaphore_mem>>)
          %dma_wait3A = arith.constant 0 : i32
          %dma_wait3A_206 = tpu.memref_slice %arg5[%add3A_201, %dma_wait3A] : memref<3328x512xf32, #tpu.memory_space<hbm>> -> memref<64x512xf32, #tpu.memory_space<hbm>>
          %dma_wait3A_207 = arith.constant 0 : i32
          %dma_wait3A_208 = tpu.memref_slice %arg5[%add3A_201, %dma_wait3A_207] : memref<3328x512xf32, #tpu.memory_space<hbm>> -> memref<64x512xf32, #tpu.memory_space<hbm>>
          tpu.wait_dma2 semaphore(%run_scoped3A : memref<!tpu.dma_semaphore, #tpu.memory_space<semaphore_mem>>) src(%dma_wait3A_208 : memref<64x512xf32, #tpu.memory_space<hbm>>) dst(%arg19 : memref<64x512xf32, #tpu.memory_space<vmem>>)
          tpu.yield
        }) : () -> ()
        %add3A_202 = arith.addi %multiple_of3A_49, %multiple_of3A_200 : i32
        "tpu.region"() ({
          %run_scoped3A = tpu.sem_alloc : memref<!tpu.dma_semaphore, #tpu.memory_space<semaphore_mem>>
          %dma_start3A = arith.constant 0 : i32
          %dma_start3A_203 = tpu.memref_slice %arg18[%add3A_202, %dma_start3A] : memref<65536x512xf32, #tpu.memory_space<hbm>> -> memref<64x512xf32, #tpu.memory_space<hbm>>
          %dma_start3A_204 = arith.constant 0 : i32
          %dma_start3A_205 = tpu.memref_slice %arg18[%add3A_202, %dma_start3A_204] : memref<65536x512xf32, #tpu.memory_space<hbm>> -> memref<64x512xf32, #tpu.memory_space<hbm>>
          tpu.enqueue_dma source(%arg19 : memref<64x512xf32, #tpu.memory_space<vmem>>) target(%dma_start3A_205 : memref<64x512xf32, #tpu.memory_space<hbm>>) target_semaphore(%run_scoped3A : memref<!tpu.dma_semaphore, #tpu.memory_space<semaphore_mem>>)
          %dma_wait3A = arith.constant 0 : i32
          %dma_wait3A_206 = tpu.memref_slice %arg18[%add3A_202, %dma_wait3A] : memref<65536x512xf32, #tpu.memory_space<hbm>> -> memref<64x512xf32, #tpu.memory_space<hbm>>
          %dma_wait3A_207 = arith.constant 0 : i32
          %dma_wait3A_208 = tpu.memref_slice %arg18[%add3A_202, %dma_wait3A_207] : memref<65536x512xf32, #tpu.memory_space<hbm>> -> memref<64x512xf32, #tpu.memory_space<hbm>>
          tpu.wait_dma2 semaphore(%run_scoped3A : memref<!tpu.dma_semaphore, #tpu.memory_space<semaphore_mem>>) src(%arg19 : memref<64x512xf32, #tpu.memory_space<vmem>>) dst(%dma_wait3A_208 : memref<64x512xf32, #tpu.memory_space<hbm>>)
          tpu.yield
        }) : () -> ()
      }
      %while3A_196 = arith.constant 1 : i32
      scf.for %while3A_197 = %while3A_194 to %while3A_190 step %while3A_196  : i32 {
        %mul3A_198 = arith.constant 64 : i32
        %mul3A_199 = arith.muli %while3A_197, %mul3A_198 : i32
        %multiple_of3A_200 = tpu.assume_multiple %mul3A_199, 64 : i32
        %add3A_201 = arith.addi %mul3A_38, %multiple_of3A_200 : i32
        "tpu.region"() ({
          %run_scoped3A = tpu.sem_alloc : memref<!tpu.dma_semaphore, #tpu.memory_space<semaphore_mem>>
          %dma_start3A = arith.constant 0 : i32
          %dma_start3A_203 = tpu.memref_slice %arg5[%add3A_201, %dma_start3A] : memref<3328x512xf32, #tpu.memory_space<hbm>> -> memref<64x512xf32, #tpu.memory_space<hbm>>
          %dma_start3A_204 = arith.constant 0 : i32
          %dma_start3A_205 = tpu.memref_slice %arg5[%add3A_201, %dma_start3A_204] : memref<3328x512xf32, #tpu.memory_space<hbm>> -> memref<64x512xf32, #tpu.memory_space<hbm>>
          tpu.enqueue_dma source(%dma_start3A_205 : memref<64x512xf32, #tpu.memory_space<hbm>>) target(%arg19 : memref<64x512xf32, #tpu.memory_space<vmem>>) target_semaphore(%run_scoped3A : memref<!tpu.dma_semaphore, #tpu.memory_space<semaphore_mem>>)
          %dma_wait3A = arith.constant 0 : i32
          %dma_wait3A_206 = tpu.memref_slice %arg5[%add3A_201, %dma_wait3A] : memref<3328x512xf32, #tpu.memory_space<hbm>> -> memref<64x512xf32, #tpu.memory_space<hbm>>
          %dma_wait3A_207 = arith.constant 0 : i32
          %dma_wait3A_208 = tpu.memref_slice %arg5[%add3A_201, %dma_wait3A_207] : memref<3328x512xf32, #tpu.memory_space<hbm>> -> memref<64x512xf32, #tpu.memory_space<hbm>>
          tpu.wait_dma2 semaphore(%run_scoped3A : memref<!tpu.dma_semaphore, #tpu.memory_space<semaphore_mem>>) src(%dma_wait3A_208 : memref<64x512xf32, #tpu.memory_space<hbm>>) dst(%arg19 : memref<64x512xf32, #tpu.memory_space<vmem>>)
          tpu.yield
        }) : () -> ()
        %add3A_202 = arith.addi %multiple_of3A_49, %multiple_of3A_200 : i32
        "tpu.region"() ({
          %run_scoped3A = tpu.sem_alloc : memref<!tpu.dma_semaphore, #tpu.memory_space<semaphore_mem>>
          %dma_start3A = arith.constant 0 : i32
          %dma_start3A_203 = tpu.memref_slice %arg18[%add3A_202, %dma_start3A] : memref<65536x512xf32, #tpu.memory_space<hbm>> -> memref<64x512xf32, #tpu.memory_space<hbm>>
          %dma_start3A_204 = arith.constant 0 : i32
          %dma_start3A_205 = tpu.memref_slice %arg18[%add3A_202, %dma_start3A_204] : memref<65536x512xf32, #tpu.memory_space<hbm>> -> memref<64x512xf32, #tpu.memory_space<hbm>>
          tpu.enqueue_dma source(%arg19 : memref<64x512xf32, #tpu.memory_space<vmem>>) target(%dma_start3A_205 : memref<64x512xf32, #tpu.memory_space<hbm>>) target_semaphore(%run_scoped3A : memref<!tpu.dma_semaphore, #tpu.memory_space<semaphore_mem>>)
          %dma_wait3A = arith.constant 0 : i32
          %dma_wait3A_206 = tpu.memref_slice %arg18[%add3A_202, %dma_wait3A] : memref<65536x512xf32, #tpu.memory_space<hbm>> -> memref<64x512xf32, #tpu.memory_space<hbm>>
          %dma_wait3A_207 = arith.constant 0 : i32
          %dma_wait3A_208 = tpu.memref_slice %arg18[%add3A_202, %dma_wait3A_207] : memref<65536x512xf32, #tpu.memory_space<hbm>> -> memref<64x512xf32, #tpu.memory_space<hbm>>
          tpu.wait_dma2 semaphore(%run_scoped3A : memref<!tpu.dma_semaphore, #tpu.memory_space<semaphore_mem>>) src(%arg19 : memref<64x512xf32, #tpu.memory_space<vmem>>) dst(%dma_wait3A_208 : memref<64x512xf32, #tpu.memory_space<hbm>>)
          tpu.yield
        }) : () -> ()
      }
    } else {
    }
    %eq3A_68 = arith.constant 4 : i32
    %eq3A_69 = arith.cmpi eq, %select_n3A, %eq3A_68 : i32
    %convert_element_type3A_70 = arith.extui %eq3A_69 : i1 to i32
    %cond3A_71 = arith.constant 0 : i32
    %cond3A_72 = arith.cmpi ne, %convert_element_type3A_70, %cond3A_71 : i32
    scf.if %cond3A_72 {
      %jit3A_163 = arith.constant 64 : i32
      %div3A_164 = arith.divsi %multiple_of3A, %jit3A_163 : i32
      %sign3A_165 = arith.constant 0 : i32
      %sign3A_166 = arith.cmpi sgt, %multiple_of3A, %sign3A_165 : i32
      %sign3A_167 = arith.extui %sign3A_166 : i1 to i32
      %sign3A_168 = arith.constant 0 : i32
      %sign3A_169 = arith.cmpi slt, %multiple_of3A, %sign3A_168 : i32
      %sign3A_170 = arith.extui %sign3A_169 : i1 to i32
      %sign3A_171 = arith.subi %sign3A_167, %sign3A_170 : i32
      %sign3A_172 = arith.constant 0 : i32
      %sign3A_173 = arith.cmpi sgt, %jit3A_163, %sign3A_172 : i32
      %sign3A_174 = arith.extui %sign3A_173 : i1 to i32
      %sign3A_175 = arith.constant 0 : i32
      %sign3A_176 = arith.cmpi slt, %jit3A_163, %sign3A_175 : i32
      %sign3A_177 = arith.extui %sign3A_176 : i1 to i32
      %sign3A_178 = arith.subi %sign3A_174, %sign3A_177 : i32
      %ne3A_179 = arith.cmpi ne, %sign3A_171, %sign3A_178 : i32
      %rem3A_180 = arith.remsi %multiple_of3A, %jit3A_163 : i32
      %ne3A_181 = arith.constant 0 : i32
      %ne3A_182 = arith.cmpi ne, %rem3A_180, %ne3A_181 : i32
      %and3A_183 = arith.andi %ne3A_179, %ne3A_182 : i1
      %sub3A_184 = arith.constant 1 : i32
      %sub3A_185 = arith.subi %div3A_164, %sub3A_184 : i32
      %select_n3A_186 = arith.select %and3A_183, %sub3A_185, %div3A_164 : i32
      %while3A_187 = arith.constant 0 : i32
      %while3A_188 = arith.constant 0 : i32
      %while3A_189 = arith.subi %select_n3A_186, %while3A_188 : i32
      %while3A_190 = arith.addi %while3A_188, %while3A_189 : i32
      %while3A_191 = arith.constant 1 : i32
      %while3A_192 = arith.divsi %while3A_189, %while3A_191 : i32
      %while3A_193 = arith.muli %while3A_192, %while3A_191 : i32
      %while3A_194 = arith.addi %while3A_188, %while3A_193 : i32
      %while3A_195 = arith.constant 1 : i32
      scf.for %while3A_197 = %while3A_188 to %while3A_194 step %while3A_195  : i32 {
        %mul3A_198 = arith.constant 64 : i32
        %mul3A_199 = arith.muli %while3A_197, %mul3A_198 : i32
        %multiple_of3A_200 = tpu.assume_multiple %mul3A_199, 64 : i32
        %add3A_201 = arith.addi %mul3A_38, %multiple_of3A_200 : i32
        "tpu.region"() ({
          %run_scoped3A = tpu.sem_alloc : memref<!tpu.dma_semaphore, #tpu.memory_space<semaphore_mem>>
          %dma_start3A = arith.constant 0 : i32
          %dma_start3A_203 = tpu.memref_slice %arg6[%add3A_201, %dma_start3A] : memref<3072x512xf32, #tpu.memory_space<hbm>> -> memref<64x512xf32, #tpu.memory_space<hbm>>
          %dma_start3A_204 = arith.constant 0 : i32
          %dma_start3A_205 = tpu.memref_slice %arg6[%add3A_201, %dma_start3A_204] : memref<3072x512xf32, #tpu.memory_space<hbm>> -> memref<64x512xf32, #tpu.memory_space<hbm>>
          tpu.enqueue_dma source(%dma_start3A_205 : memref<64x512xf32, #tpu.memory_space<hbm>>) target(%arg19 : memref<64x512xf32, #tpu.memory_space<vmem>>) target_semaphore(%run_scoped3A : memref<!tpu.dma_semaphore, #tpu.memory_space<semaphore_mem>>)
          %dma_wait3A = arith.constant 0 : i32
          %dma_wait3A_206 = tpu.memref_slice %arg6[%add3A_201, %dma_wait3A] : memref<3072x512xf32, #tpu.memory_space<hbm>> -> memref<64x512xf32, #tpu.memory_space<hbm>>
          %dma_wait3A_207 = arith.constant 0 : i32
          %dma_wait3A_208 = tpu.memref_slice %arg6[%add3A_201, %dma_wait3A_207] : memref<3072x512xf32, #tpu.memory_space<hbm>> -> memref<64x512xf32, #tpu.memory_space<hbm>>
          tpu.wait_dma2 semaphore(%run_scoped3A : memref<!tpu.dma_semaphore, #tpu.memory_space<semaphore_mem>>) src(%dma_wait3A_208 : memref<64x512xf32, #tpu.memory_space<hbm>>) dst(%arg19 : memref<64x512xf32, #tpu.memory_space<vmem>>)
          tpu.yield
        }) : () -> ()
        %add3A_202 = arith.addi %multiple_of3A_49, %multiple_of3A_200 : i32
        "tpu.region"() ({
          %run_scoped3A = tpu.sem_alloc : memref<!tpu.dma_semaphore, #tpu.memory_space<semaphore_mem>>
          %dma_start3A = arith.constant 0 : i32
          %dma_start3A_203 = tpu.memref_slice %arg18[%add3A_202, %dma_start3A] : memref<65536x512xf32, #tpu.memory_space<hbm>> -> memref<64x512xf32, #tpu.memory_space<hbm>>
          %dma_start3A_204 = arith.constant 0 : i32
          %dma_start3A_205 = tpu.memref_slice %arg18[%add3A_202, %dma_start3A_204] : memref<65536x512xf32, #tpu.memory_space<hbm>> -> memref<64x512xf32, #tpu.memory_space<hbm>>
          tpu.enqueue_dma source(%arg19 : memref<64x512xf32, #tpu.memory_space<vmem>>) target(%dma_start3A_205 : memref<64x512xf32, #tpu.memory_space<hbm>>) target_semaphore(%run_scoped3A : memref<!tpu.dma_semaphore, #tpu.memory_space<semaphore_mem>>)
          %dma_wait3A = arith.constant 0 : i32
          %dma_wait3A_206 = tpu.memref_slice %arg18[%add3A_202, %dma_wait3A] : memref<65536x512xf32, #tpu.memory_space<hbm>> -> memref<64x512xf32, #tpu.memory_space<hbm>>
          %dma_wait3A_207 = arith.constant 0 : i32
          %dma_wait3A_208 = tpu.memref_slice %arg18[%add3A_202, %dma_wait3A_207] : memref<65536x512xf32, #tpu.memory_space<hbm>> -> memref<64x512xf32, #tpu.memory_space<hbm>>
          tpu.wait_dma2 semaphore(%run_scoped3A : memref<!tpu.dma_semaphore, #tpu.memory_space<semaphore_mem>>) src(%arg19 : memref<64x512xf32, #tpu.memory_space<vmem>>) dst(%dma_wait3A_208 : memref<64x512xf32, #tpu.memory_space<hbm>>)
          tpu.yield
        }) : () -> ()
      }
      %while3A_196 = arith.constant 1 : i32
      scf.for %while3A_197 = %while3A_194 to %while3A_190 step %while3A_196  : i32 {
        %mul3A_198 = arith.constant 64 : i32
        %mul3A_199 = arith.muli %while3A_197, %mul3A_198 : i32
        %multiple_of3A_200 = tpu.assume_multiple %mul3A_199, 64 : i32
        %add3A_201 = arith.addi %mul3A_38, %multiple_of3A_200 : i32
        "tpu.region"() ({
          %run_scoped3A = tpu.sem_alloc : memref<!tpu.dma_semaphore, #tpu.memory_space<semaphore_mem>>
          %dma_start3A = arith.constant 0 : i32
          %dma_start3A_203 = tpu.memref_slice %arg6[%add3A_201, %dma_start3A] : memref<3072x512xf32, #tpu.memory_space<hbm>> -> memref<64x512xf32, #tpu.memory_space<hbm>>
          %dma_start3A_204 = arith.constant 0 : i32
          %dma_start3A_205 = tpu.memref_slice %arg6[%add3A_201, %dma_start3A_204] : memref<3072x512xf32, #tpu.memory_space<hbm>> -> memref<64x512xf32, #tpu.memory_space<hbm>>
          tpu.enqueue_dma source(%dma_start3A_205 : memref<64x512xf32, #tpu.memory_space<hbm>>) target(%arg19 : memref<64x512xf32, #tpu.memory_space<vmem>>) target_semaphore(%run_scoped3A : memref<!tpu.dma_semaphore, #tpu.memory_space<semaphore_mem>>)
          %dma_wait3A = arith.constant 0 : i32
          %dma_wait3A_206 = tpu.memref_slice %arg6[%add3A_201, %dma_wait3A] : memref<3072x512xf32, #tpu.memory_space<hbm>> -> memref<64x512xf32, #tpu.memory_space<hbm>>
          %dma_wait3A_207 = arith.constant 0 : i32
          %dma_wait3A_208 = tpu.memref_slice %arg6[%add3A_201, %dma_wait3A_207] : memref<3072x512xf32, #tpu.memory_space<hbm>> -> memref<64x512xf32, #tpu.memory_space<hbm>>
          tpu.wait_dma2 semaphore(%run_scoped3A : memref<!tpu.dma_semaphore, #tpu.memory_space<semaphore_mem>>) src(%dma_wait3A_208 : memref<64x512xf32, #tpu.memory_space<hbm>>) dst(%arg19 : memref<64x512xf32, #tpu.memory_space<vmem>>)
          tpu.yield
        }) : () -> ()
        %add3A_202 = arith.addi %multiple_of3A_49, %multiple_of3A_200 : i32
        "tpu.region"() ({
          %run_scoped3A = tpu.sem_alloc : memref<!tpu.dma_semaphore, #tpu.memory_space<semaphore_mem>>
          %dma_start3A = arith.constant 0 : i32
          %dma_start3A_203 = tpu.memref_slice %arg18[%add3A_202, %dma_start3A] : memref<65536x512xf32, #tpu.memory_space<hbm>> -> memref<64x512xf32, #tpu.memory_space<hbm>>
          %dma_start3A_204 = arith.constant 0 : i32
          %dma_start3A_205 = tpu.memref_slice %arg18[%add3A_202, %dma_start3A_204] : memref<65536x512xf32, #tpu.memory_space<hbm>> -> memref<64x512xf32, #tpu.memory_space<hbm>>
          tpu.enqueue_dma source(%arg19 : memref<64x512xf32, #tpu.memory_space<vmem>>) target(%dma_start3A_205 : memref<64x512xf32, #tpu.memory_space<hbm>>) target_semaphore(%run_scoped3A : memref<!tpu.dma_semaphore, #tpu.memory_space<semaphore_mem>>)
          %dma_wait3A = arith.constant 0 : i32
          %dma_wait3A_206 = tpu.memref_slice %arg18[%add3A_202, %dma_wait3A] : memref<65536x512xf32, #tpu.memory_space<hbm>> -> memref<64x512xf32, #tpu.memory_space<hbm>>
          %dma_wait3A_207 = arith.constant 0 : i32
          %dma_wait3A_208 = tpu.memref_slice %arg18[%add3A_202, %dma_wait3A_207] : memref<65536x512xf32, #tpu.memory_space<hbm>> -> memref<64x512xf32, #tpu.memory_space<hbm>>
          tpu.wait_dma2 semaphore(%run_scoped3A : memref<!tpu.dma_semaphore, #tpu.memory_space<semaphore_mem>>) src(%arg19 : memref<64x512xf32, #tpu.memory_space<vmem>>) dst(%dma_wait3A_208 : memref<64x512xf32, #tpu.memory_space<hbm>>)
          tpu.yield
        }) : () -> ()
      }
    } else {
    }
    %eq3A_73 = arith.constant 5 : i32
    %eq3A_74 = arith.cmpi eq, %select_n3A, %eq3A_73 : i32
    %convert_element_type3A_75 = arith.extui %eq3A_74 : i1 to i32
    %cond3A_76 = arith.constant 0 : i32
    %cond3A_77 = arith.cmpi ne, %convert_element_type3A_75, %cond3A_76 : i32
    scf.if %cond3A_77 {
      %jit3A_163 = arith.constant 64 : i32
      %div3A_164 = arith.divsi %multiple_of3A, %jit3A_163 : i32
      %sign3A_165 = arith.constant 0 : i32
      %sign3A_166 = arith.cmpi sgt, %multiple_of3A, %sign3A_165 : i32
      %sign3A_167 = arith.extui %sign3A_166 : i1 to i32
      %sign3A_168 = arith.constant 0 : i32
      %sign3A_169 = arith.cmpi slt, %multiple_of3A, %sign3A_168 : i32
      %sign3A_170 = arith.extui %sign3A_169 : i1 to i32
      %sign3A_171 = arith.subi %sign3A_167, %sign3A_170 : i32
      %sign3A_172 = arith.constant 0 : i32
      %sign3A_173 = arith.cmpi sgt, %jit3A_163, %sign3A_172 : i32
      %sign3A_174 = arith.extui %sign3A_173 : i1 to i32
      %sign3A_175 = arith.constant 0 : i32
      %sign3A_176 = arith.cmpi slt, %jit3A_163, %sign3A_175 : i32
      %sign3A_177 = arith.extui %sign3A_176 : i1 to i32
      %sign3A_178 = arith.subi %sign3A_174, %sign3A_177 : i32
      %ne3A_179 = arith.cmpi ne, %sign3A_171, %sign3A_178 : i32
      %rem3A_180 = arith.remsi %multiple_of3A, %jit3A_163 : i32
      %ne3A_181 = arith.constant 0 : i32
      %ne3A_182 = arith.cmpi ne, %rem3A_180, %ne3A_181 : i32
      %and3A_183 = arith.andi %ne3A_179, %ne3A_182 : i1
      %sub3A_184 = arith.constant 1 : i32
      %sub3A_185 = arith.subi %div3A_164, %sub3A_184 : i32
      %select_n3A_186 = arith.select %and3A_183, %sub3A_185, %div3A_164 : i32
      %while3A_187 = arith.constant 0 : i32
      %while3A_188 = arith.constant 0 : i32
      %while3A_189 = arith.subi %select_n3A_186, %while3A_188 : i32
      %while3A_190 = arith.addi %while3A_188, %while3A_189 : i32
      %while3A_191 = arith.constant 1 : i32
      %while3A_192 = arith.divsi %while3A_189, %while3A_191 : i32
      %while3A_193 = arith.muli %while3A_192, %while3A_191 : i32
      %while3A_194 = arith.addi %while3A_188, %while3A_193 : i32
      %while3A_195 = arith.constant 1 : i32
      scf.for %while3A_197 = %while3A_188 to %while3A_194 step %while3A_195  : i32 {
        %mul3A_198 = arith.constant 64 : i32
        %mul3A_199 = arith.muli %while3A_197, %mul3A_198 : i32
        %multiple_of3A_200 = tpu.assume_multiple %mul3A_199, 64 : i32
        %add3A_201 = arith.addi %mul3A_38, %multiple_of3A_200 : i32
        "tpu.region"() ({
          %run_scoped3A = tpu.sem_alloc : memref<!tpu.dma_semaphore, #tpu.memory_space<semaphore_mem>>
          %dma_start3A = arith.constant 0 : i32
          %dma_start3A_203 = tpu.memref_slice %arg7[%add3A_201, %dma_start3A] : memref<2816x512xf32, #tpu.memory_space<hbm>> -> memref<64x512xf32, #tpu.memory_space<hbm>>
          %dma_start3A_204 = arith.constant 0 : i32
          %dma_start3A_205 = tpu.memref_slice %arg7[%add3A_201, %dma_start3A_204] : memref<2816x512xf32, #tpu.memory_space<hbm>> -> memref<64x512xf32, #tpu.memory_space<hbm>>
          tpu.enqueue_dma source(%dma_start3A_205 : memref<64x512xf32, #tpu.memory_space<hbm>>) target(%arg19 : memref<64x512xf32, #tpu.memory_space<vmem>>) target_semaphore(%run_scoped3A : memref<!tpu.dma_semaphore, #tpu.memory_space<semaphore_mem>>)
          %dma_wait3A = arith.constant 0 : i32
          %dma_wait3A_206 = tpu.memref_slice %arg7[%add3A_201, %dma_wait3A] : memref<2816x512xf32, #tpu.memory_space<hbm>> -> memref<64x512xf32, #tpu.memory_space<hbm>>
          %dma_wait3A_207 = arith.constant 0 : i32
          %dma_wait3A_208 = tpu.memref_slice %arg7[%add3A_201, %dma_wait3A_207] : memref<2816x512xf32, #tpu.memory_space<hbm>> -> memref<64x512xf32, #tpu.memory_space<hbm>>
          tpu.wait_dma2 semaphore(%run_scoped3A : memref<!tpu.dma_semaphore, #tpu.memory_space<semaphore_mem>>) src(%dma_wait3A_208 : memref<64x512xf32, #tpu.memory_space<hbm>>) dst(%arg19 : memref<64x512xf32, #tpu.memory_space<vmem>>)
          tpu.yield
        }) : () -> ()
        %add3A_202 = arith.addi %multiple_of3A_49, %multiple_of3A_200 : i32
        "tpu.region"() ({
          %run_scoped3A = tpu.sem_alloc : memref<!tpu.dma_semaphore, #tpu.memory_space<semaphore_mem>>
          %dma_start3A = arith.constant 0 : i32
          %dma_start3A_203 = tpu.memref_slice %arg18[%add3A_202, %dma_start3A] : memref<65536x512xf32, #tpu.memory_space<hbm>> -> memref<64x512xf32, #tpu.memory_space<hbm>>
          %dma_start3A_204 = arith.constant 0 : i32
          %dma_start3A_205 = tpu.memref_slice %arg18[%add3A_202, %dma_start3A_204] : memref<65536x512xf32, #tpu.memory_space<hbm>> -> memref<64x512xf32, #tpu.memory_space<hbm>>
          tpu.enqueue_dma source(%arg19 : memref<64x512xf32, #tpu.memory_space<vmem>>) target(%dma_start3A_205 : memref<64x512xf32, #tpu.memory_space<hbm>>) target_semaphore(%run_scoped3A : memref<!tpu.dma_semaphore, #tpu.memory_space<semaphore_mem>>)
          %dma_wait3A = arith.constant 0 : i32
          %dma_wait3A_206 = tpu.memref_slice %arg18[%add3A_202, %dma_wait3A] : memref<65536x512xf32, #tpu.memory_space<hbm>> -> memref<64x512xf32, #tpu.memory_space<hbm>>
          %dma_wait3A_207 = arith.constant 0 : i32
          %dma_wait3A_208 = tpu.memref_slice %arg18[%add3A_202, %dma_wait3A_207] : memref<65536x512xf32, #tpu.memory_space<hbm>> -> memref<64x512xf32, #tpu.memory_space<hbm>>
          tpu.wait_dma2 semaphore(%run_scoped3A : memref<!tpu.dma_semaphore, #tpu.memory_space<semaphore_mem>>) src(%arg19 : memref<64x512xf32, #tpu.memory_space<vmem>>) dst(%dma_wait3A_208 : memref<64x512xf32, #tpu.memory_space<hbm>>)
          tpu.yield
        }) : () -> ()
      }
      %while3A_196 = arith.constant 1 : i32
      scf.for %while3A_197 = %while3A_194 to %while3A_190 step %while3A_196  : i32 {
        %mul3A_198 = arith.constant 64 : i32
        %mul3A_199 = arith.muli %while3A_197, %mul3A_198 : i32
        %multiple_of3A_200 = tpu.assume_multiple %mul3A_199, 64 : i32
        %add3A_201 = arith.addi %mul3A_38, %multiple_of3A_200 : i32
        "tpu.region"() ({
          %run_scoped3A = tpu.sem_alloc : memref<!tpu.dma_semaphore, #tpu.memory_space<semaphore_mem>>
          %dma_start3A = arith.constant 0 : i32
          %dma_start3A_203 = tpu.memref_slice %arg7[%add3A_201, %dma_start3A] : memref<2816x512xf32, #tpu.memory_space<hbm>> -> memref<64x512xf32, #tpu.memory_space<hbm>>
          %dma_start3A_204 = arith.constant 0 : i32
          %dma_start3A_205 = tpu.memref_slice %arg7[%add3A_201, %dma_start3A_204] : memref<2816x512xf32, #tpu.memory_space<hbm>> -> memref<64x512xf32, #tpu.memory_space<hbm>>
          tpu.enqueue_dma source(%dma_start3A_205 : memref<64x512xf32, #tpu.memory_space<hbm>>) target(%arg19 : memref<64x512xf32, #tpu.memory_space<vmem>>) target_semaphore(%run_scoped3A : memref<!tpu.dma_semaphore, #tpu.memory_space<semaphore_mem>>)
          %dma_wait3A = arith.constant 0 : i32
          %dma_wait3A_206 = tpu.memref_slice %arg7[%add3A_201, %dma_wait3A] : memref<2816x512xf32, #tpu.memory_space<hbm>> -> memref<64x512xf32, #tpu.memory_space<hbm>>
          %dma_wait3A_207 = arith.constant 0 : i32
          %dma_wait3A_208 = tpu.memref_slice %arg7[%add3A_201, %dma_wait3A_207] : memref<2816x512xf32, #tpu.memory_space<hbm>> -> memref<64x512xf32, #tpu.memory_space<hbm>>
          tpu.wait_dma2 semaphore(%run_scoped3A : memref<!tpu.dma_semaphore, #tpu.memory_space<semaphore_mem>>) src(%dma_wait3A_208 : memref<64x512xf32, #tpu.memory_space<hbm>>) dst(%arg19 : memref<64x512xf32, #tpu.memory_space<vmem>>)
          tpu.yield
        }) : () -> ()
        %add3A_202 = arith.addi %multiple_of3A_49, %multiple_of3A_200 : i32
        "tpu.region"() ({
          %run_scoped3A = tpu.sem_alloc : memref<!tpu.dma_semaphore, #tpu.memory_space<semaphore_mem>>
          %dma_start3A = arith.constant 0 : i32
          %dma_start3A_203 = tpu.memref_slice %arg18[%add3A_202, %dma_start3A] : memref<65536x512xf32, #tpu.memory_space<hbm>> -> memref<64x512xf32, #tpu.memory_space<hbm>>
          %dma_start3A_204 = arith.constant 0 : i32
          %dma_start3A_205 = tpu.memref_slice %arg18[%add3A_202, %dma_start3A_204] : memref<65536x512xf32, #tpu.memory_space<hbm>> -> memref<64x512xf32, #tpu.memory_space<hbm>>
          tpu.enqueue_dma source(%arg19 : memref<64x512xf32, #tpu.memory_space<vmem>>) target(%dma_start3A_205 : memref<64x512xf32, #tpu.memory_space<hbm>>) target_semaphore(%run_scoped3A : memref<!tpu.dma_semaphore, #tpu.memory_space<semaphore_mem>>)
          %dma_wait3A = arith.constant 0 : i32
          %dma_wait3A_206 = tpu.memref_slice %arg18[%add3A_202, %dma_wait3A] : memref<65536x512xf32, #tpu.memory_space<hbm>> -> memref<64x512xf32, #tpu.memory_space<hbm>>
          %dma_wait3A_207 = arith.constant 0 : i32
          %dma_wait3A_208 = tpu.memref_slice %arg18[%add3A_202, %dma_wait3A_207] : memref<65536x512xf32, #tpu.memory_space<hbm>> -> memref<64x512xf32, #tpu.memory_space<hbm>>
          tpu.wait_dma2 semaphore(%run_scoped3A : memref<!tpu.dma_semaphore, #tpu.memory_space<semaphore_mem>>) src(%arg19 : memref<64x512xf32, #tpu.memory_space<vmem>>) dst(%dma_wait3A_208 : memref<64x512xf32, #tpu.memory_space<hbm>>)
          tpu.yield
        }) : () -> ()
      }
    } else {
    }
    %eq3A_78 = arith.constant 6 : i32
    %eq3A_79 = arith.cmpi eq, %select_n3A, %eq3A_78 : i32
    %convert_element_type3A_80 = arith.extui %eq3A_79 : i1 to i32
    %cond3A_81 = arith.constant 0 : i32
    %cond3A_82 = arith.cmpi ne, %convert_element_type3A_80, %cond3A_81 : i32
    scf.if %cond3A_82 {
      %jit3A_163 = arith.constant 64 : i32
      %div3A_164 = arith.divsi %multiple_of3A, %jit3A_163 : i32
      %sign3A_165 = arith.constant 0 : i32
      %sign3A_166 = arith.cmpi sgt, %multiple_of3A, %sign3A_165 : i32
      %sign3A_167 = arith.extui %sign3A_166 : i1 to i32
      %sign3A_168 = arith.constant 0 : i32
      %sign3A_169 = arith.cmpi slt, %multiple_of3A, %sign3A_168 : i32
      %sign3A_170 = arith.extui %sign3A_169 : i1 to i32
      %sign3A_171 = arith.subi %sign3A_167, %sign3A_170 : i32
      %sign3A_172 = arith.constant 0 : i32
      %sign3A_173 = arith.cmpi sgt, %jit3A_163, %sign3A_172 : i32
      %sign3A_174 = arith.extui %sign3A_173 : i1 to i32
      %sign3A_175 = arith.constant 0 : i32
      %sign3A_176 = arith.cmpi slt, %jit3A_163, %sign3A_175 : i32
      %sign3A_177 = arith.extui %sign3A_176 : i1 to i32
      %sign3A_178 = arith.subi %sign3A_174, %sign3A_177 : i32
      %ne3A_179 = arith.cmpi ne, %sign3A_171, %sign3A_178 : i32
      %rem3A_180 = arith.remsi %multiple_of3A, %jit3A_163 : i32
      %ne3A_181 = arith.constant 0 : i32
      %ne3A_182 = arith.cmpi ne, %rem3A_180, %ne3A_181 : i32
      %and3A_183 = arith.andi %ne3A_179, %ne3A_182 : i1
      %sub3A_184 = arith.constant 1 : i32
      %sub3A_185 = arith.subi %div3A_164, %sub3A_184 : i32
      %select_n3A_186 = arith.select %and3A_183, %sub3A_185, %div3A_164 : i32
      %while3A_187 = arith.constant 0 : i32
      %while3A_188 = arith.constant 0 : i32
      %while3A_189 = arith.subi %select_n3A_186, %while3A_188 : i32
      %while3A_190 = arith.addi %while3A_188, %while3A_189 : i32
      %while3A_191 = arith.constant 1 : i32
      %while3A_192 = arith.divsi %while3A_189, %while3A_191 : i32
      %while3A_193 = arith.muli %while3A_192, %while3A_191 : i32
      %while3A_194 = arith.addi %while3A_188, %while3A_193 : i32
      %while3A_195 = arith.constant 1 : i32
      scf.for %while3A_197 = %while3A_188 to %while3A_194 step %while3A_195  : i32 {
        %mul3A_198 = arith.constant 64 : i32
        %mul3A_199 = arith.muli %while3A_197, %mul3A_198 : i32
        %multiple_of3A_200 = tpu.assume_multiple %mul3A_199, 64 : i32
        %add3A_201 = arith.addi %mul3A_38, %multiple_of3A_200 : i32
        "tpu.region"() ({
          %run_scoped3A = tpu.sem_alloc : memref<!tpu.dma_semaphore, #tpu.memory_space<semaphore_mem>>
          %dma_start3A = arith.constant 0 : i32
          %dma_start3A_203 = tpu.memref_slice %arg8[%add3A_201, %dma_start3A] : memref<2560x512xf32, #tpu.memory_space<hbm>> -> memref<64x512xf32, #tpu.memory_space<hbm>>
          %dma_start3A_204 = arith.constant 0 : i32
          %dma_start3A_205 = tpu.memref_slice %arg8[%add3A_201, %dma_start3A_204] : memref<2560x512xf32, #tpu.memory_space<hbm>> -> memref<64x512xf32, #tpu.memory_space<hbm>>
          tpu.enqueue_dma source(%dma_start3A_205 : memref<64x512xf32, #tpu.memory_space<hbm>>) target(%arg19 : memref<64x512xf32, #tpu.memory_space<vmem>>) target_semaphore(%run_scoped3A : memref<!tpu.dma_semaphore, #tpu.memory_space<semaphore_mem>>)
          %dma_wait3A = arith.constant 0 : i32
          %dma_wait3A_206 = tpu.memref_slice %arg8[%add3A_201, %dma_wait3A] : memref<2560x512xf32, #tpu.memory_space<hbm>> -> memref<64x512xf32, #tpu.memory_space<hbm>>
          %dma_wait3A_207 = arith.constant 0 : i32
          %dma_wait3A_208 = tpu.memref_slice %arg8[%add3A_201, %dma_wait3A_207] : memref<2560x512xf32, #tpu.memory_space<hbm>> -> memref<64x512xf32, #tpu.memory_space<hbm>>
          tpu.wait_dma2 semaphore(%run_scoped3A : memref<!tpu.dma_semaphore, #tpu.memory_space<semaphore_mem>>) src(%dma_wait3A_208 : memref<64x512xf32, #tpu.memory_space<hbm>>) dst(%arg19 : memref<64x512xf32, #tpu.memory_space<vmem>>)
          tpu.yield
        }) : () -> ()
        %add3A_202 = arith.addi %multiple_of3A_49, %multiple_of3A_200 : i32
        "tpu.region"() ({
          %run_scoped3A = tpu.sem_alloc : memref<!tpu.dma_semaphore, #tpu.memory_space<semaphore_mem>>
          %dma_start3A = arith.constant 0 : i32
          %dma_start3A_203 = tpu.memref_slice %arg18[%add3A_202, %dma_start3A] : memref<65536x512xf32, #tpu.memory_space<hbm>> -> memref<64x512xf32, #tpu.memory_space<hbm>>
          %dma_start3A_204 = arith.constant 0 : i32
          %dma_start3A_205 = tpu.memref_slice %arg18[%add3A_202, %dma_start3A_204] : memref<65536x512xf32, #tpu.memory_space<hbm>> -> memref<64x512xf32, #tpu.memory_space<hbm>>
          tpu.enqueue_dma source(%arg19 : memref<64x512xf32, #tpu.memory_space<vmem>>) target(%dma_start3A_205 : memref<64x512xf32, #tpu.memory_space<hbm>>) target_semaphore(%run_scoped3A : memref<!tpu.dma_semaphore, #tpu.memory_space<semaphore_mem>>)
          %dma_wait3A = arith.constant 0 : i32
          %dma_wait3A_206 = tpu.memref_slice %arg18[%add3A_202, %dma_wait3A] : memref<65536x512xf32, #tpu.memory_space<hbm>> -> memref<64x512xf32, #tpu.memory_space<hbm>>
          %dma_wait3A_207 = arith.constant 0 : i32
          %dma_wait3A_208 = tpu.memref_slice %arg18[%add3A_202, %dma_wait3A_207] : memref<65536x512xf32, #tpu.memory_space<hbm>> -> memref<64x512xf32, #tpu.memory_space<hbm>>
          tpu.wait_dma2 semaphore(%run_scoped3A : memref<!tpu.dma_semaphore, #tpu.memory_space<semaphore_mem>>) src(%arg19 : memref<64x512xf32, #tpu.memory_space<vmem>>) dst(%dma_wait3A_208 : memref<64x512xf32, #tpu.memory_space<hbm>>)
          tpu.yield
        }) : () -> ()
      }
      %while3A_196 = arith.constant 1 : i32
      scf.for %while3A_197 = %while3A_194 to %while3A_190 step %while3A_196  : i32 {
        %mul3A_198 = arith.constant 64 : i32
        %mul3A_199 = arith.muli %while3A_197, %mul3A_198 : i32
        %multiple_of3A_200 = tpu.assume_multiple %mul3A_199, 64 : i32
        %add3A_201 = arith.addi %mul3A_38, %multiple_of3A_200 : i32
        "tpu.region"() ({
          %run_scoped3A = tpu.sem_alloc : memref<!tpu.dma_semaphore, #tpu.memory_space<semaphore_mem>>
          %dma_start3A = arith.constant 0 : i32
          %dma_start3A_203 = tpu.memref_slice %arg8[%add3A_201, %dma_start3A] : memref<2560x512xf32, #tpu.memory_space<hbm>> -> memref<64x512xf32, #tpu.memory_space<hbm>>
          %dma_start3A_204 = arith.constant 0 : i32
          %dma_start3A_205 = tpu.memref_slice %arg8[%add3A_201, %dma_start3A_204] : memref<2560x512xf32, #tpu.memory_space<hbm>> -> memref<64x512xf32, #tpu.memory_space<hbm>>
          tpu.enqueue_dma source(%dma_start3A_205 : memref<64x512xf32, #tpu.memory_space<hbm>>) target(%arg19 : memref<64x512xf32, #tpu.memory_space<vmem>>) target_semaphore(%run_scoped3A : memref<!tpu.dma_semaphore, #tpu.memory_space<semaphore_mem>>)
          %dma_wait3A = arith.constant 0 : i32
          %dma_wait3A_206 = tpu.memref_slice %arg8[%add3A_201, %dma_wait3A] : memref<2560x512xf32, #tpu.memory_space<hbm>> -> memref<64x512xf32, #tpu.memory_space<hbm>>
          %dma_wait3A_207 = arith.constant 0 : i32
          %dma_wait3A_208 = tpu.memref_slice %arg8[%add3A_201, %dma_wait3A_207] : memref<2560x512xf32, #tpu.memory_space<hbm>> -> memref<64x512xf32, #tpu.memory_space<hbm>>
          tpu.wait_dma2 semaphore(%run_scoped3A : memref<!tpu.dma_semaphore, #tpu.memory_space<semaphore_mem>>) src(%dma_wait3A_208 : memref<64x512xf32, #tpu.memory_space<hbm>>) dst(%arg19 : memref<64x512xf32, #tpu.memory_space<vmem>>)
          tpu.yield
        }) : () -> ()
        %add3A_202 = arith.addi %multiple_of3A_49, %multiple_of3A_200 : i32
        "tpu.region"() ({
          %run_scoped3A = tpu.sem_alloc : memref<!tpu.dma_semaphore, #tpu.memory_space<semaphore_mem>>
          %dma_start3A = arith.constant 0 : i32
          %dma_start3A_203 = tpu.memref_slice %arg18[%add3A_202, %dma_start3A] : memref<65536x512xf32, #tpu.memory_space<hbm>> -> memref<64x512xf32, #tpu.memory_space<hbm>>
          %dma_start3A_204 = arith.constant 0 : i32
          %dma_start3A_205 = tpu.memref_slice %arg18[%add3A_202, %dma_start3A_204] : memref<65536x512xf32, #tpu.memory_space<hbm>> -> memref<64x512xf32, #tpu.memory_space<hbm>>
          tpu.enqueue_dma source(%arg19 : memref<64x512xf32, #tpu.memory_space<vmem>>) target(%dma_start3A_205 : memref<64x512xf32, #tpu.memory_space<hbm>>) target_semaphore(%run_scoped3A : memref<!tpu.dma_semaphore, #tpu.memory_space<semaphore_mem>>)
          %dma_wait3A = arith.constant 0 : i32
          %dma_wait3A_206 = tpu.memref_slice %arg18[%add3A_202, %dma_wait3A] : memref<65536x512xf32, #tpu.memory_space<hbm>> -> memref<64x512xf32, #tpu.memory_space<hbm>>
          %dma_wait3A_207 = arith.constant 0 : i32
          %dma_wait3A_208 = tpu.memref_slice %arg18[%add3A_202, %dma_wait3A_207] : memref<65536x512xf32, #tpu.memory_space<hbm>> -> memref<64x512xf32, #tpu.memory_space<hbm>>
          tpu.wait_dma2 semaphore(%run_scoped3A : memref<!tpu.dma_semaphore, #tpu.memory_space<semaphore_mem>>) src(%arg19 : memref<64x512xf32, #tpu.memory_space<vmem>>) dst(%dma_wait3A_208 : memref<64x512xf32, #tpu.memory_space<hbm>>)
          tpu.yield
        }) : () -> ()
      }
    } else {
    }
    %eq3A_83 = arith.constant 7 : i32
    %eq3A_84 = arith.cmpi eq, %select_n3A, %eq3A_83 : i32
    %convert_element_type3A_85 = arith.extui %eq3A_84 : i1 to i32
    %cond3A_86 = arith.constant 0 : i32
    %cond3A_87 = arith.cmpi ne, %convert_element_type3A_85, %cond3A_86 : i32
    scf.if %cond3A_87 {
      %jit3A_163 = arith.constant 64 : i32
      %div3A_164 = arith.divsi %multiple_of3A, %jit3A_163 : i32
      %sign3A_165 = arith.constant 0 : i32
      %sign3A_166 = arith.cmpi sgt, %multiple_of3A, %sign3A_165 : i32
      %sign3A_167 = arith.extui %sign3A_166 : i1 to i32
      %sign3A_168 = arith.constant 0 : i32
      %sign3A_169 = arith.cmpi slt, %multiple_of3A, %sign3A_168 : i32
      %sign3A_170 = arith.extui %sign3A_169 : i1 to i32
      %sign3A_171 = arith.subi %sign3A_167, %sign3A_170 : i32
      %sign3A_172 = arith.constant 0 : i32
      %sign3A_173 = arith.cmpi sgt, %jit3A_163, %sign3A_172 : i32
      %sign3A_174 = arith.extui %sign3A_173 : i1 to i32
      %sign3A_175 = arith.constant 0 : i32
      %sign3A_176 = arith.cmpi slt, %jit3A_163, %sign3A_175 : i32
      %sign3A_177 = arith.extui %sign3A_176 : i1 to i32
      %sign3A_178 = arith.subi %sign3A_174, %sign3A_177 : i32
      %ne3A_179 = arith.cmpi ne, %sign3A_171, %sign3A_178 : i32
      %rem3A_180 = arith.remsi %multiple_of3A, %jit3A_163 : i32
      %ne3A_181 = arith.constant 0 : i32
      %ne3A_182 = arith.cmpi ne, %rem3A_180, %ne3A_181 : i32
      %and3A_183 = arith.andi %ne3A_179, %ne3A_182 : i1
      %sub3A_184 = arith.constant 1 : i32
      %sub3A_185 = arith.subi %div3A_164, %sub3A_184 : i32
      %select_n3A_186 = arith.select %and3A_183, %sub3A_185, %div3A_164 : i32
      %while3A_187 = arith.constant 0 : i32
      %while3A_188 = arith.constant 0 : i32
      %while3A_189 = arith.subi %select_n3A_186, %while3A_188 : i32
      %while3A_190 = arith.addi %while3A_188, %while3A_189 : i32
      %while3A_191 = arith.constant 1 : i32
      %while3A_192 = arith.divsi %while3A_189, %while3A_191 : i32
      %while3A_193 = arith.muli %while3A_192, %while3A_191 : i32
      %while3A_194 = arith.addi %while3A_188, %while3A_193 : i32
      %while3A_195 = arith.constant 1 : i32
      scf.for %while3A_197 = %while3A_188 to %while3A_194 step %while3A_195  : i32 {
        %mul3A_198 = arith.constant 64 : i32
        %mul3A_199 = arith.muli %while3A_197, %mul3A_198 : i32
        %multiple_of3A_200 = tpu.assume_multiple %mul3A_199, 64 : i32
        %add3A_201 = arith.addi %mul3A_38, %multiple_of3A_200 : i32
        "tpu.region"() ({
          %run_scoped3A = tpu.sem_alloc : memref<!tpu.dma_semaphore, #tpu.memory_space<semaphore_mem>>
          %dma_start3A = arith.constant 0 : i32
          %dma_start3A_203 = tpu.memref_slice %arg9[%add3A_201, %dma_start3A] : memref<2304x512xf32, #tpu.memory_space<hbm>> -> memref<64x512xf32, #tpu.memory_space<hbm>>
          %dma_start3A_204 = arith.constant 0 : i32
          %dma_start3A_205 = tpu.memref_slice %arg9[%add3A_201, %dma_start3A_204] : memref<2304x512xf32, #tpu.memory_space<hbm>> -> memref<64x512xf32, #tpu.memory_space<hbm>>
          tpu.enqueue_dma source(%dma_start3A_205 : memref<64x512xf32, #tpu.memory_space<hbm>>) target(%arg19 : memref<64x512xf32, #tpu.memory_space<vmem>>) target_semaphore(%run_scoped3A : memref<!tpu.dma_semaphore, #tpu.memory_space<semaphore_mem>>)
          %dma_wait3A = arith.constant 0 : i32
          %dma_wait3A_206 = tpu.memref_slice %arg9[%add3A_201, %dma_wait3A] : memref<2304x512xf32, #tpu.memory_space<hbm>> -> memref<64x512xf32, #tpu.memory_space<hbm>>
          %dma_wait3A_207 = arith.constant 0 : i32
          %dma_wait3A_208 = tpu.memref_slice %arg9[%add3A_201, %dma_wait3A_207] : memref<2304x512xf32, #tpu.memory_space<hbm>> -> memref<64x512xf32, #tpu.memory_space<hbm>>
          tpu.wait_dma2 semaphore(%run_scoped3A : memref<!tpu.dma_semaphore, #tpu.memory_space<semaphore_mem>>) src(%dma_wait3A_208 : memref<64x512xf32, #tpu.memory_space<hbm>>) dst(%arg19 : memref<64x512xf32, #tpu.memory_space<vmem>>)
          tpu.yield
        }) : () -> ()
        %add3A_202 = arith.addi %multiple_of3A_49, %multiple_of3A_200 : i32
        "tpu.region"() ({
          %run_scoped3A = tpu.sem_alloc : memref<!tpu.dma_semaphore, #tpu.memory_space<semaphore_mem>>
          %dma_start3A = arith.constant 0 : i32
          %dma_start3A_203 = tpu.memref_slice %arg18[%add3A_202, %dma_start3A] : memref<65536x512xf32, #tpu.memory_space<hbm>> -> memref<64x512xf32, #tpu.memory_space<hbm>>
          %dma_start3A_204 = arith.constant 0 : i32
          %dma_start3A_205 = tpu.memref_slice %arg18[%add3A_202, %dma_start3A_204] : memref<65536x512xf32, #tpu.memory_space<hbm>> -> memref<64x512xf32, #tpu.memory_space<hbm>>
          tpu.enqueue_dma source(%arg19 : memref<64x512xf32, #tpu.memory_space<vmem>>) target(%dma_start3A_205 : memref<64x512xf32, #tpu.memory_space<hbm>>) target_semaphore(%run_scoped3A : memref<!tpu.dma_semaphore, #tpu.memory_space<semaphore_mem>>)
          %dma_wait3A = arith.constant 0 : i32
          %dma_wait3A_206 = tpu.memref_slice %arg18[%add3A_202, %dma_wait3A] : memref<65536x512xf32, #tpu.memory_space<hbm>> -> memref<64x512xf32, #tpu.memory_space<hbm>>
          %dma_wait3A_207 = arith.constant 0 : i32
          %dma_wait3A_208 = tpu.memref_slice %arg18[%add3A_202, %dma_wait3A_207] : memref<65536x512xf32, #tpu.memory_space<hbm>> -> memref<64x512xf32, #tpu.memory_space<hbm>>
          tpu.wait_dma2 semaphore(%run_scoped3A : memref<!tpu.dma_semaphore, #tpu.memory_space<semaphore_mem>>) src(%arg19 : memref<64x512xf32, #tpu.memory_space<vmem>>) dst(%dma_wait3A_208 : memref<64x512xf32, #tpu.memory_space<hbm>>)
          tpu.yield
        }) : () -> ()
      }
      %while3A_196 = arith.constant 1 : i32
      scf.for %while3A_197 = %while3A_194 to %while3A_190 step %while3A_196  : i32 {
        %mul3A_198 = arith.constant 64 : i32
        %mul3A_199 = arith.muli %while3A_197, %mul3A_198 : i32
        %multiple_of3A_200 = tpu.assume_multiple %mul3A_199, 64 : i32
        %add3A_201 = arith.addi %mul3A_38, %multiple_of3A_200 : i32
        "tpu.region"() ({
          %run_scoped3A = tpu.sem_alloc : memref<!tpu.dma_semaphore, #tpu.memory_space<semaphore_mem>>
          %dma_start3A = arith.constant 0 : i32
          %dma_start3A_203 = tpu.memref_slice %arg9[%add3A_201, %dma_start3A] : memref<2304x512xf32, #tpu.memory_space<hbm>> -> memref<64x512xf32, #tpu.memory_space<hbm>>
          %dma_start3A_204 = arith.constant 0 : i32
          %dma_start3A_205 = tpu.memref_slice %arg9[%add3A_201, %dma_start3A_204] : memref<2304x512xf32, #tpu.memory_space<hbm>> -> memref<64x512xf32, #tpu.memory_space<hbm>>
          tpu.enqueue_dma source(%dma_start3A_205 : memref<64x512xf32, #tpu.memory_space<hbm>>) target(%arg19 : memref<64x512xf32, #tpu.memory_space<vmem>>) target_semaphore(%run_scoped3A : memref<!tpu.dma_semaphore, #tpu.memory_space<semaphore_mem>>)
          %dma_wait3A = arith.constant 0 : i32
          %dma_wait3A_206 = tpu.memref_slice %arg9[%add3A_201, %dma_wait3A] : memref<2304x512xf32, #tpu.memory_space<hbm>> -> memref<64x512xf32, #tpu.memory_space<hbm>>
          %dma_wait3A_207 = arith.constant 0 : i32
          %dma_wait3A_208 = tpu.memref_slice %arg9[%add3A_201, %dma_wait3A_207] : memref<2304x512xf32, #tpu.memory_space<hbm>> -> memref<64x512xf32, #tpu.memory_space<hbm>>
          tpu.wait_dma2 semaphore(%run_scoped3A : memref<!tpu.dma_semaphore, #tpu.memory_space<semaphore_mem>>) src(%dma_wait3A_208 : memref<64x512xf32, #tpu.memory_space<hbm>>) dst(%arg19 : memref<64x512xf32, #tpu.memory_space<vmem>>)
          tpu.yield
        }) : () -> ()
        %add3A_202 = arith.addi %multiple_of3A_49, %multiple_of3A_200 : i32
        "tpu.region"() ({
          %run_scoped3A = tpu.sem_alloc : memref<!tpu.dma_semaphore, #tpu.memory_space<semaphore_mem>>
          %dma_start3A = arith.constant 0 : i32
          %dma_start3A_203 = tpu.memref_slice %arg18[%add3A_202, %dma_start3A] : memref<65536x512xf32, #tpu.memory_space<hbm>> -> memref<64x512xf32, #tpu.memory_space<hbm>>
          %dma_start3A_204 = arith.constant 0 : i32
          %dma_start3A_205 = tpu.memref_slice %arg18[%add3A_202, %dma_start3A_204] : memref<65536x512xf32, #tpu.memory_space<hbm>> -> memref<64x512xf32, #tpu.memory_space<hbm>>
          tpu.enqueue_dma source(%arg19 : memref<64x512xf32, #tpu.memory_space<vmem>>) target(%dma_start3A_205 : memref<64x512xf32, #tpu.memory_space<hbm>>) target_semaphore(%run_scoped3A : memref<!tpu.dma_semaphore, #tpu.memory_space<semaphore_mem>>)
          %dma_wait3A = arith.constant 0 : i32
          %dma_wait3A_206 = tpu.memref_slice %arg18[%add3A_202, %dma_wait3A] : memref<65536x512xf32, #tpu.memory_space<hbm>> -> memref<64x512xf32, #tpu.memory_space<hbm>>
          %dma_wait3A_207 = arith.constant 0 : i32
          %dma_wait3A_208 = tpu.memref_slice %arg18[%add3A_202, %dma_wait3A_207] : memref<65536x512xf32, #tpu.memory_space<hbm>> -> memref<64x512xf32, #tpu.memory_space<hbm>>
          tpu.wait_dma2 semaphore(%run_scoped3A : memref<!tpu.dma_semaphore, #tpu.memory_space<semaphore_mem>>) src(%arg19 : memref<64x512xf32, #tpu.memory_space<vmem>>) dst(%dma_wait3A_208 : memref<64x512xf32, #tpu.memory_space<hbm>>)
          tpu.yield
        }) : () -> ()
      }
    } else {
    }
    %eq3A_88 = arith.constant 8 : i32
    %eq3A_89 = arith.cmpi eq, %select_n3A, %eq3A_88 : i32
    %convert_element_type3A_90 = arith.extui %eq3A_89 : i1 to i32
    %cond3A_91 = arith.constant 0 : i32
    %cond3A_92 = arith.cmpi ne, %convert_element_type3A_90, %cond3A_91 : i32
    scf.if %cond3A_92 {
      %jit3A_163 = arith.constant 64 : i32
      %div3A_164 = arith.divsi %multiple_of3A, %jit3A_163 : i32
      %sign3A_165 = arith.constant 0 : i32
      %sign3A_166 = arith.cmpi sgt, %multiple_of3A, %sign3A_165 : i32
      %sign3A_167 = arith.extui %sign3A_166 : i1 to i32
      %sign3A_168 = arith.constant 0 : i32
      %sign3A_169 = arith.cmpi slt, %multiple_of3A, %sign3A_168 : i32
      %sign3A_170 = arith.extui %sign3A_169 : i1 to i32
      %sign3A_171 = arith.subi %sign3A_167, %sign3A_170 : i32
      %sign3A_172 = arith.constant 0 : i32
      %sign3A_173 = arith.cmpi sgt, %jit3A_163, %sign3A_172 : i32
      %sign3A_174 = arith.extui %sign3A_173 : i1 to i32
      %sign3A_175 = arith.constant 0 : i32
      %sign3A_176 = arith.cmpi slt, %jit3A_163, %sign3A_175 : i32
      %sign3A_177 = arith.extui %sign3A_176 : i1 to i32
      %sign3A_178 = arith.subi %sign3A_174, %sign3A_177 : i32
      %ne3A_179 = arith.cmpi ne, %sign3A_171, %sign3A_178 : i32
      %rem3A_180 = arith.remsi %multiple_of3A, %jit3A_163 : i32
      %ne3A_181 = arith.constant 0 : i32
      %ne3A_182 = arith.cmpi ne, %rem3A_180, %ne3A_181 : i32
      %and3A_183 = arith.andi %ne3A_179, %ne3A_182 : i1
      %sub3A_184 = arith.constant 1 : i32
      %sub3A_185 = arith.subi %div3A_164, %sub3A_184 : i32
      %select_n3A_186 = arith.select %and3A_183, %sub3A_185, %div3A_164 : i32
      %while3A_187 = arith.constant 0 : i32
      %while3A_188 = arith.constant 0 : i32
      %while3A_189 = arith.subi %select_n3A_186, %while3A_188 : i32
      %while3A_190 = arith.addi %while3A_188, %while3A_189 : i32
      %while3A_191 = arith.constant 1 : i32
      %while3A_192 = arith.divsi %while3A_189, %while3A_191 : i32
      %while3A_193 = arith.muli %while3A_192, %while3A_191 : i32
      %while3A_194 = arith.addi %while3A_188, %while3A_193 : i32
      %while3A_195 = arith.constant 1 : i32
      scf.for %while3A_197 = %while3A_188 to %while3A_194 step %while3A_195  : i32 {
        %mul3A_198 = arith.constant 64 : i32
        %mul3A_199 = arith.muli %while3A_197, %mul3A_198 : i32
        %multiple_of3A_200 = tpu.assume_multiple %mul3A_199, 64 : i32
        %add3A_201 = arith.addi %mul3A_38, %multiple_of3A_200 : i32
        "tpu.region"() ({
          %run_scoped3A = tpu.sem_alloc : memref<!tpu.dma_semaphore, #tpu.memory_space<semaphore_mem>>
          %dma_start3A = arith.constant 0 : i32
          %dma_start3A_203 = tpu.memref_slice %arg10[%add3A_201, %dma_start3A] : memref<2048x512xf32, #tpu.memory_space<hbm>> -> memref<64x512xf32, #tpu.memory_space<hbm>>
          %dma_start3A_204 = arith.constant 0 : i32
          %dma_start3A_205 = tpu.memref_slice %arg10[%add3A_201, %dma_start3A_204] : memref<2048x512xf32, #tpu.memory_space<hbm>> -> memref<64x512xf32, #tpu.memory_space<hbm>>
          tpu.enqueue_dma source(%dma_start3A_205 : memref<64x512xf32, #tpu.memory_space<hbm>>) target(%arg19 : memref<64x512xf32, #tpu.memory_space<vmem>>) target_semaphore(%run_scoped3A : memref<!tpu.dma_semaphore, #tpu.memory_space<semaphore_mem>>)
          %dma_wait3A = arith.constant 0 : i32
          %dma_wait3A_206 = tpu.memref_slice %arg10[%add3A_201, %dma_wait3A] : memref<2048x512xf32, #tpu.memory_space<hbm>> -> memref<64x512xf32, #tpu.memory_space<hbm>>
          %dma_wait3A_207 = arith.constant 0 : i32
          %dma_wait3A_208 = tpu.memref_slice %arg10[%add3A_201, %dma_wait3A_207] : memref<2048x512xf32, #tpu.memory_space<hbm>> -> memref<64x512xf32, #tpu.memory_space<hbm>>
          tpu.wait_dma2 semaphore(%run_scoped3A : memref<!tpu.dma_semaphore, #tpu.memory_space<semaphore_mem>>) src(%dma_wait3A_208 : memref<64x512xf32, #tpu.memory_space<hbm>>) dst(%arg19 : memref<64x512xf32, #tpu.memory_space<vmem>>)
          tpu.yield
        }) : () -> ()
        %add3A_202 = arith.addi %multiple_of3A_49, %multiple_of3A_200 : i32
        "tpu.region"() ({
          %run_scoped3A = tpu.sem_alloc : memref<!tpu.dma_semaphore, #tpu.memory_space<semaphore_mem>>
          %dma_start3A = arith.constant 0 : i32
          %dma_start3A_203 = tpu.memref_slice %arg18[%add3A_202, %dma_start3A] : memref<65536x512xf32, #tpu.memory_space<hbm>> -> memref<64x512xf32, #tpu.memory_space<hbm>>
          %dma_start3A_204 = arith.constant 0 : i32
          %dma_start3A_205 = tpu.memref_slice %arg18[%add3A_202, %dma_start3A_204] : memref<65536x512xf32, #tpu.memory_space<hbm>> -> memref<64x512xf32, #tpu.memory_space<hbm>>
          tpu.enqueue_dma source(%arg19 : memref<64x512xf32, #tpu.memory_space<vmem>>) target(%dma_start3A_205 : memref<64x512xf32, #tpu.memory_space<hbm>>) target_semaphore(%run_scoped3A : memref<!tpu.dma_semaphore, #tpu.memory_space<semaphore_mem>>)
          %dma_wait3A = arith.constant 0 : i32
          %dma_wait3A_206 = tpu.memref_slice %arg18[%add3A_202, %dma_wait3A] : memref<65536x512xf32, #tpu.memory_space<hbm>> -> memref<64x512xf32, #tpu.memory_space<hbm>>
          %dma_wait3A_207 = arith.constant 0 : i32
          %dma_wait3A_208 = tpu.memref_slice %arg18[%add3A_202, %dma_wait3A_207] : memref<65536x512xf32, #tpu.memory_space<hbm>> -> memref<64x512xf32, #tpu.memory_space<hbm>>
          tpu.wait_dma2 semaphore(%run_scoped3A : memref<!tpu.dma_semaphore, #tpu.memory_space<semaphore_mem>>) src(%arg19 : memref<64x512xf32, #tpu.memory_space<vmem>>) dst(%dma_wait3A_208 : memref<64x512xf32, #tpu.memory_space<hbm>>)
          tpu.yield
        }) : () -> ()
      }
      %while3A_196 = arith.constant 1 : i32
      scf.for %while3A_197 = %while3A_194 to %while3A_190 step %while3A_196  : i32 {
        %mul3A_198 = arith.constant 64 : i32
        %mul3A_199 = arith.muli %while3A_197, %mul3A_198 : i32
        %multiple_of3A_200 = tpu.assume_multiple %mul3A_199, 64 : i32
        %add3A_201 = arith.addi %mul3A_38, %multiple_of3A_200 : i32
        "tpu.region"() ({
          %run_scoped3A = tpu.sem_alloc : memref<!tpu.dma_semaphore, #tpu.memory_space<semaphore_mem>>
          %dma_start3A = arith.constant 0 : i32
          %dma_start3A_203 = tpu.memref_slice %arg10[%add3A_201, %dma_start3A] : memref<2048x512xf32, #tpu.memory_space<hbm>> -> memref<64x512xf32, #tpu.memory_space<hbm>>
          %dma_start3A_204 = arith.constant 0 : i32
          %dma_start3A_205 = tpu.memref_slice %arg10[%add3A_201, %dma_start3A_204] : memref<2048x512xf32, #tpu.memory_space<hbm>> -> memref<64x512xf32, #tpu.memory_space<hbm>>
          tpu.enqueue_dma source(%dma_start3A_205 : memref<64x512xf32, #tpu.memory_space<hbm>>) target(%arg19 : memref<64x512xf32, #tpu.memory_space<vmem>>) target_semaphore(%run_scoped3A : memref<!tpu.dma_semaphore, #tpu.memory_space<semaphore_mem>>)
          %dma_wait3A = arith.constant 0 : i32
          %dma_wait3A_206 = tpu.memref_slice %arg10[%add3A_201, %dma_wait3A] : memref<2048x512xf32, #tpu.memory_space<hbm>> -> memref<64x512xf32, #tpu.memory_space<hbm>>
          %dma_wait3A_207 = arith.constant 0 : i32
          %dma_wait3A_208 = tpu.memref_slice %arg10[%add3A_201, %dma_wait3A_207] : memref<2048x512xf32, #tpu.memory_space<hbm>> -> memref<64x512xf32, #tpu.memory_space<hbm>>
          tpu.wait_dma2 semaphore(%run_scoped3A : memref<!tpu.dma_semaphore, #tpu.memory_space<semaphore_mem>>) src(%dma_wait3A_208 : memref<64x512xf32, #tpu.memory_space<hbm>>) dst(%arg19 : memref<64x512xf32, #tpu.memory_space<vmem>>)
          tpu.yield
        }) : () -> ()
        %add3A_202 = arith.addi %multiple_of3A_49, %multiple_of3A_200 : i32
        "tpu.region"() ({
          %run_scoped3A = tpu.sem_alloc : memref<!tpu.dma_semaphore, #tpu.memory_space<semaphore_mem>>
          %dma_start3A = arith.constant 0 : i32
          %dma_start3A_203 = tpu.memref_slice %arg18[%add3A_202, %dma_start3A] : memref<65536x512xf32, #tpu.memory_space<hbm>> -> memref<64x512xf32, #tpu.memory_space<hbm>>
          %dma_start3A_204 = arith.constant 0 : i32
          %dma_start3A_205 = tpu.memref_slice %arg18[%add3A_202, %dma_start3A_204] : memref<65536x512xf32, #tpu.memory_space<hbm>> -> memref<64x512xf32, #tpu.memory_space<hbm>>
          tpu.enqueue_dma source(%arg19 : memref<64x512xf32, #tpu.memory_space<vmem>>) target(%dma_start3A_205 : memref<64x512xf32, #tpu.memory_space<hbm>>) target_semaphore(%run_scoped3A : memref<!tpu.dma_semaphore, #tpu.memory_space<semaphore_mem>>)
          %dma_wait3A = arith.constant 0 : i32
          %dma_wait3A_206 = tpu.memref_slice %arg18[%add3A_202, %dma_wait3A] : memref<65536x512xf32, #tpu.memory_space<hbm>> -> memref<64x512xf32, #tpu.memory_space<hbm>>
          %dma_wait3A_207 = arith.constant 0 : i32
          %dma_wait3A_208 = tpu.memref_slice %arg18[%add3A_202, %dma_wait3A_207] : memref<65536x512xf32, #tpu.memory_space<hbm>> -> memref<64x512xf32, #tpu.memory_space<hbm>>
          tpu.wait_dma2 semaphore(%run_scoped3A : memref<!tpu.dma_semaphore, #tpu.memory_space<semaphore_mem>>) src(%arg19 : memref<64x512xf32, #tpu.memory_space<vmem>>) dst(%dma_wait3A_208 : memref<64x512xf32, #tpu.memory_space<hbm>>)
          tpu.yield
        }) : () -> ()
      }
    } else {
    }
    %eq3A_93 = arith.constant 9 : i32
    %eq3A_94 = arith.cmpi eq, %select_n3A, %eq3A_93 : i32
    %convert_element_type3A_95 = arith.extui %eq3A_94 : i1 to i32
    %cond3A_96 = arith.constant 0 : i32
    %cond3A_97 = arith.cmpi ne, %convert_element_type3A_95, %cond3A_96 : i32
    scf.if %cond3A_97 {
      %jit3A_163 = arith.constant 64 : i32
      %div3A_164 = arith.divsi %multiple_of3A, %jit3A_163 : i32
      %sign3A_165 = arith.constant 0 : i32
      %sign3A_166 = arith.cmpi sgt, %multiple_of3A, %sign3A_165 : i32
      %sign3A_167 = arith.extui %sign3A_166 : i1 to i32
      %sign3A_168 = arith.constant 0 : i32
      %sign3A_169 = arith.cmpi slt, %multiple_of3A, %sign3A_168 : i32
      %sign3A_170 = arith.extui %sign3A_169 : i1 to i32
      %sign3A_171 = arith.subi %sign3A_167, %sign3A_170 : i32
      %sign3A_172 = arith.constant 0 : i32
      %sign3A_173 = arith.cmpi sgt, %jit3A_163, %sign3A_172 : i32
      %sign3A_174 = arith.extui %sign3A_173 : i1 to i32
      %sign3A_175 = arith.constant 0 : i32
      %sign3A_176 = arith.cmpi slt, %jit3A_163, %sign3A_175 : i32
      %sign3A_177 = arith.extui %sign3A_176 : i1 to i32
      %sign3A_178 = arith.subi %sign3A_174, %sign3A_177 : i32
      %ne3A_179 = arith.cmpi ne, %sign3A_171, %sign3A_178 : i32
      %rem3A_180 = arith.remsi %multiple_of3A, %jit3A_163 : i32
      %ne3A_181 = arith.constant 0 : i32
      %ne3A_182 = arith.cmpi ne, %rem3A_180, %ne3A_181 : i32
      %and3A_183 = arith.andi %ne3A_179, %ne3A_182 : i1
      %sub3A_184 = arith.constant 1 : i32
      %sub3A_185 = arith.subi %div3A_164, %sub3A_184 : i32
      %select_n3A_186 = arith.select %and3A_183, %sub3A_185, %div3A_164 : i32
      %while3A_187 = arith.constant 0 : i32
      %while3A_188 = arith.constant 0 : i32
      %while3A_189 = arith.subi %select_n3A_186, %while3A_188 : i32
      %while3A_190 = arith.addi %while3A_188, %while3A_189 : i32
      %while3A_191 = arith.constant 1 : i32
      %while3A_192 = arith.divsi %while3A_189, %while3A_191 : i32
      %while3A_193 = arith.muli %while3A_192, %while3A_191 : i32
      %while3A_194 = arith.addi %while3A_188, %while3A_193 : i32
      %while3A_195 = arith.constant 1 : i32
      scf.for %while3A_197 = %while3A_188 to %while3A_194 step %while3A_195  : i32 {
        %mul3A_198 = arith.constant 64 : i32
        %mul3A_199 = arith.muli %while3A_197, %mul3A_198 : i32
        %multiple_of3A_200 = tpu.assume_multiple %mul3A_199, 64 : i32
        %add3A_201 = arith.addi %mul3A_38, %multiple_of3A_200 : i32
        "tpu.region"() ({
          %run_scoped3A = tpu.sem_alloc : memref<!tpu.dma_semaphore, #tpu.memory_space<semaphore_mem>>
          %dma_start3A = arith.constant 0 : i32
          %dma_start3A_203 = tpu.memref_slice %arg11[%add3A_201, %dma_start3A] : memref<1792x512xf32, #tpu.memory_space<hbm>> -> memref<64x512xf32, #tpu.memory_space<hbm>>
          %dma_start3A_204 = arith.constant 0 : i32
          %dma_start3A_205 = tpu.memref_slice %arg11[%add3A_201, %dma_start3A_204] : memref<1792x512xf32, #tpu.memory_space<hbm>> -> memref<64x512xf32, #tpu.memory_space<hbm>>
          tpu.enqueue_dma source(%dma_start3A_205 : memref<64x512xf32, #tpu.memory_space<hbm>>) target(%arg19 : memref<64x512xf32, #tpu.memory_space<vmem>>) target_semaphore(%run_scoped3A : memref<!tpu.dma_semaphore, #tpu.memory_space<semaphore_mem>>)
          %dma_wait3A = arith.constant 0 : i32
          %dma_wait3A_206 = tpu.memref_slice %arg11[%add3A_201, %dma_wait3A] : memref<1792x512xf32, #tpu.memory_space<hbm>> -> memref<64x512xf32, #tpu.memory_space<hbm>>
          %dma_wait3A_207 = arith.constant 0 : i32
          %dma_wait3A_208 = tpu.memref_slice %arg11[%add3A_201, %dma_wait3A_207] : memref<1792x512xf32, #tpu.memory_space<hbm>> -> memref<64x512xf32, #tpu.memory_space<hbm>>
          tpu.wait_dma2 semaphore(%run_scoped3A : memref<!tpu.dma_semaphore, #tpu.memory_space<semaphore_mem>>) src(%dma_wait3A_208 : memref<64x512xf32, #tpu.memory_space<hbm>>) dst(%arg19 : memref<64x512xf32, #tpu.memory_space<vmem>>)
          tpu.yield
        }) : () -> ()
        %add3A_202 = arith.addi %multiple_of3A_49, %multiple_of3A_200 : i32
        "tpu.region"() ({
          %run_scoped3A = tpu.sem_alloc : memref<!tpu.dma_semaphore, #tpu.memory_space<semaphore_mem>>
          %dma_start3A = arith.constant 0 : i32
          %dma_start3A_203 = tpu.memref_slice %arg18[%add3A_202, %dma_start3A] : memref<65536x512xf32, #tpu.memory_space<hbm>> -> memref<64x512xf32, #tpu.memory_space<hbm>>
          %dma_start3A_204 = arith.constant 0 : i32
          %dma_start3A_205 = tpu.memref_slice %arg18[%add3A_202, %dma_start3A_204] : memref<65536x512xf32, #tpu.memory_space<hbm>> -> memref<64x512xf32, #tpu.memory_space<hbm>>
          tpu.enqueue_dma source(%arg19 : memref<64x512xf32, #tpu.memory_space<vmem>>) target(%dma_start3A_205 : memref<64x512xf32, #tpu.memory_space<hbm>>) target_semaphore(%run_scoped3A : memref<!tpu.dma_semaphore, #tpu.memory_space<semaphore_mem>>)
          %dma_wait3A = arith.constant 0 : i32
          %dma_wait3A_206 = tpu.memref_slice %arg18[%add3A_202, %dma_wait3A] : memref<65536x512xf32, #tpu.memory_space<hbm>> -> memref<64x512xf32, #tpu.memory_space<hbm>>
          %dma_wait3A_207 = arith.constant 0 : i32
          %dma_wait3A_208 = tpu.memref_slice %arg18[%add3A_202, %dma_wait3A_207] : memref<65536x512xf32, #tpu.memory_space<hbm>> -> memref<64x512xf32, #tpu.memory_space<hbm>>
          tpu.wait_dma2 semaphore(%run_scoped3A : memref<!tpu.dma_semaphore, #tpu.memory_space<semaphore_mem>>) src(%arg19 : memref<64x512xf32, #tpu.memory_space<vmem>>) dst(%dma_wait3A_208 : memref<64x512xf32, #tpu.memory_space<hbm>>)
          tpu.yield
        }) : () -> ()
      }
      %while3A_196 = arith.constant 1 : i32
      scf.for %while3A_197 = %while3A_194 to %while3A_190 step %while3A_196  : i32 {
        %mul3A_198 = arith.constant 64 : i32
        %mul3A_199 = arith.muli %while3A_197, %mul3A_198 : i32
        %multiple_of3A_200 = tpu.assume_multiple %mul3A_199, 64 : i32
        %add3A_201 = arith.addi %mul3A_38, %multiple_of3A_200 : i32
        "tpu.region"() ({
          %run_scoped3A = tpu.sem_alloc : memref<!tpu.dma_semaphore, #tpu.memory_space<semaphore_mem>>
          %dma_start3A = arith.constant 0 : i32
          %dma_start3A_203 = tpu.memref_slice %arg11[%add3A_201, %dma_start3A] : memref<1792x512xf32, #tpu.memory_space<hbm>> -> memref<64x512xf32, #tpu.memory_space<hbm>>
          %dma_start3A_204 = arith.constant 0 : i32
          %dma_start3A_205 = tpu.memref_slice %arg11[%add3A_201, %dma_start3A_204] : memref<1792x512xf32, #tpu.memory_space<hbm>> -> memref<64x512xf32, #tpu.memory_space<hbm>>
          tpu.enqueue_dma source(%dma_start3A_205 : memref<64x512xf32, #tpu.memory_space<hbm>>) target(%arg19 : memref<64x512xf32, #tpu.memory_space<vmem>>) target_semaphore(%run_scoped3A : memref<!tpu.dma_semaphore, #tpu.memory_space<semaphore_mem>>)
          %dma_wait3A = arith.constant 0 : i32
          %dma_wait3A_206 = tpu.memref_slice %arg11[%add3A_201, %dma_wait3A] : memref<1792x512xf32, #tpu.memory_space<hbm>> -> memref<64x512xf32, #tpu.memory_space<hbm>>
          %dma_wait3A_207 = arith.constant 0 : i32
          %dma_wait3A_208 = tpu.memref_slice %arg11[%add3A_201, %dma_wait3A_207] : memref<1792x512xf32, #tpu.memory_space<hbm>> -> memref<64x512xf32, #tpu.memory_space<hbm>>
          tpu.wait_dma2 semaphore(%run_scoped3A : memref<!tpu.dma_semaphore, #tpu.memory_space<semaphore_mem>>) src(%dma_wait3A_208 : memref<64x512xf32, #tpu.memory_space<hbm>>) dst(%arg19 : memref<64x512xf32, #tpu.memory_space<vmem>>)
          tpu.yield
        }) : () -> ()
        %add3A_202 = arith.addi %multiple_of3A_49, %multiple_of3A_200 : i32
        "tpu.region"() ({
          %run_scoped3A = tpu.sem_alloc : memref<!tpu.dma_semaphore, #tpu.memory_space<semaphore_mem>>
          %dma_start3A = arith.constant 0 : i32
          %dma_start3A_203 = tpu.memref_slice %arg18[%add3A_202, %dma_start3A] : memref<65536x512xf32, #tpu.memory_space<hbm>> -> memref<64x512xf32, #tpu.memory_space<hbm>>
          %dma_start3A_204 = arith.constant 0 : i32
          %dma_start3A_205 = tpu.memref_slice %arg18[%add3A_202, %dma_start3A_204] : memref<65536x512xf32, #tpu.memory_space<hbm>> -> memref<64x512xf32, #tpu.memory_space<hbm>>
          tpu.enqueue_dma source(%arg19 : memref<64x512xf32, #tpu.memory_space<vmem>>) target(%dma_start3A_205 : memref<64x512xf32, #tpu.memory_space<hbm>>) target_semaphore(%run_scoped3A : memref<!tpu.dma_semaphore, #tpu.memory_space<semaphore_mem>>)
          %dma_wait3A = arith.constant 0 : i32
          %dma_wait3A_206 = tpu.memref_slice %arg18[%add3A_202, %dma_wait3A] : memref<65536x512xf32, #tpu.memory_space<hbm>> -> memref<64x512xf32, #tpu.memory_space<hbm>>
          %dma_wait3A_207 = arith.constant 0 : i32
          %dma_wait3A_208 = tpu.memref_slice %arg18[%add3A_202, %dma_wait3A_207] : memref<65536x512xf32, #tpu.memory_space<hbm>> -> memref<64x512xf32, #tpu.memory_space<hbm>>
          tpu.wait_dma2 semaphore(%run_scoped3A : memref<!tpu.dma_semaphore, #tpu.memory_space<semaphore_mem>>) src(%arg19 : memref<64x512xf32, #tpu.memory_space<vmem>>) dst(%dma_wait3A_208 : memref<64x512xf32, #tpu.memory_space<hbm>>)
          tpu.yield
        }) : () -> ()
      }
    } else {
    }
    %eq3A_98 = arith.constant 10 : i32
    %eq3A_99 = arith.cmpi eq, %select_n3A, %eq3A_98 : i32
    %convert_element_type3A_100 = arith.extui %eq3A_99 : i1 to i32
    %cond3A_101 = arith.constant 0 : i32
    %cond3A_102 = arith.cmpi ne, %convert_element_type3A_100, %cond3A_101 : i32
    scf.if %cond3A_102 {
      %jit3A_163 = arith.constant 64 : i32
      %div3A_164 = arith.divsi %multiple_of3A, %jit3A_163 : i32
      %sign3A_165 = arith.constant 0 : i32
      %sign3A_166 = arith.cmpi sgt, %multiple_of3A, %sign3A_165 : i32
      %sign3A_167 = arith.extui %sign3A_166 : i1 to i32
      %sign3A_168 = arith.constant 0 : i32
      %sign3A_169 = arith.cmpi slt, %multiple_of3A, %sign3A_168 : i32
      %sign3A_170 = arith.extui %sign3A_169 : i1 to i32
      %sign3A_171 = arith.subi %sign3A_167, %sign3A_170 : i32
      %sign3A_172 = arith.constant 0 : i32
      %sign3A_173 = arith.cmpi sgt, %jit3A_163, %sign3A_172 : i32
      %sign3A_174 = arith.extui %sign3A_173 : i1 to i32
      %sign3A_175 = arith.constant 0 : i32
      %sign3A_176 = arith.cmpi slt, %jit3A_163, %sign3A_175 : i32
      %sign3A_177 = arith.extui %sign3A_176 : i1 to i32
      %sign3A_178 = arith.subi %sign3A_174, %sign3A_177 : i32
      %ne3A_179 = arith.cmpi ne, %sign3A_171, %sign3A_178 : i32
      %rem3A_180 = arith.remsi %multiple_of3A, %jit3A_163 : i32
      %ne3A_181 = arith.constant 0 : i32
      %ne3A_182 = arith.cmpi ne, %rem3A_180, %ne3A_181 : i32
      %and3A_183 = arith.andi %ne3A_179, %ne3A_182 : i1
      %sub3A_184 = arith.constant 1 : i32
      %sub3A_185 = arith.subi %div3A_164, %sub3A_184 : i32
      %select_n3A_186 = arith.select %and3A_183, %sub3A_185, %div3A_164 : i32
      %while3A_187 = arith.constant 0 : i32
      %while3A_188 = arith.constant 0 : i32
      %while3A_189 = arith.subi %select_n3A_186, %while3A_188 : i32
      %while3A_190 = arith.addi %while3A_188, %while3A_189 : i32
      %while3A_191 = arith.constant 1 : i32
      %while3A_192 = arith.divsi %while3A_189, %while3A_191 : i32
      %while3A_193 = arith.muli %while3A_192, %while3A_191 : i32
      %while3A_194 = arith.addi %while3A_188, %while3A_193 : i32
      %while3A_195 = arith.constant 1 : i32
      scf.for %while3A_197 = %while3A_188 to %while3A_194 step %while3A_195  : i32 {
        %mul3A_198 = arith.constant 64 : i32
        %mul3A_199 = arith.muli %while3A_197, %mul3A_198 : i32
        %multiple_of3A_200 = tpu.assume_multiple %mul3A_199, 64 : i32
        %add3A_201 = arith.addi %mul3A_38, %multiple_of3A_200 : i32
        "tpu.region"() ({
          %run_scoped3A = tpu.sem_alloc : memref<!tpu.dma_semaphore, #tpu.memory_space<semaphore_mem>>
          %dma_start3A = arith.constant 0 : i32
          %dma_start3A_203 = tpu.memref_slice %arg12[%add3A_201, %dma_start3A] : memref<1536x512xf32, #tpu.memory_space<hbm>> -> memref<64x512xf32, #tpu.memory_space<hbm>>
          %dma_start3A_204 = arith.constant 0 : i32
          %dma_start3A_205 = tpu.memref_slice %arg12[%add3A_201, %dma_start3A_204] : memref<1536x512xf32, #tpu.memory_space<hbm>> -> memref<64x512xf32, #tpu.memory_space<hbm>>
          tpu.enqueue_dma source(%dma_start3A_205 : memref<64x512xf32, #tpu.memory_space<hbm>>) target(%arg19 : memref<64x512xf32, #tpu.memory_space<vmem>>) target_semaphore(%run_scoped3A : memref<!tpu.dma_semaphore, #tpu.memory_space<semaphore_mem>>)
          %dma_wait3A = arith.constant 0 : i32
          %dma_wait3A_206 = tpu.memref_slice %arg12[%add3A_201, %dma_wait3A] : memref<1536x512xf32, #tpu.memory_space<hbm>> -> memref<64x512xf32, #tpu.memory_space<hbm>>
          %dma_wait3A_207 = arith.constant 0 : i32
          %dma_wait3A_208 = tpu.memref_slice %arg12[%add3A_201, %dma_wait3A_207] : memref<1536x512xf32, #tpu.memory_space<hbm>> -> memref<64x512xf32, #tpu.memory_space<hbm>>
          tpu.wait_dma2 semaphore(%run_scoped3A : memref<!tpu.dma_semaphore, #tpu.memory_space<semaphore_mem>>) src(%dma_wait3A_208 : memref<64x512xf32, #tpu.memory_space<hbm>>) dst(%arg19 : memref<64x512xf32, #tpu.memory_space<vmem>>)
          tpu.yield
        }) : () -> ()
        %add3A_202 = arith.addi %multiple_of3A_49, %multiple_of3A_200 : i32
        "tpu.region"() ({
          %run_scoped3A = tpu.sem_alloc : memref<!tpu.dma_semaphore, #tpu.memory_space<semaphore_mem>>
          %dma_start3A = arith.constant 0 : i32
          %dma_start3A_203 = tpu.memref_slice %arg18[%add3A_202, %dma_start3A] : memref<65536x512xf32, #tpu.memory_space<hbm>> -> memref<64x512xf32, #tpu.memory_space<hbm>>
          %dma_start3A_204 = arith.constant 0 : i32
          %dma_start3A_205 = tpu.memref_slice %arg18[%add3A_202, %dma_start3A_204] : memref<65536x512xf32, #tpu.memory_space<hbm>> -> memref<64x512xf32, #tpu.memory_space<hbm>>
          tpu.enqueue_dma source(%arg19 : memref<64x512xf32, #tpu.memory_space<vmem>>) target(%dma_start3A_205 : memref<64x512xf32, #tpu.memory_space<hbm>>) target_semaphore(%run_scoped3A : memref<!tpu.dma_semaphore, #tpu.memory_space<semaphore_mem>>)
          %dma_wait3A = arith.constant 0 : i32
          %dma_wait3A_206 = tpu.memref_slice %arg18[%add3A_202, %dma_wait3A] : memref<65536x512xf32, #tpu.memory_space<hbm>> -> memref<64x512xf32, #tpu.memory_space<hbm>>
          %dma_wait3A_207 = arith.constant 0 : i32
          %dma_wait3A_208 = tpu.memref_slice %arg18[%add3A_202, %dma_wait3A_207] : memref<65536x512xf32, #tpu.memory_space<hbm>> -> memref<64x512xf32, #tpu.memory_space<hbm>>
          tpu.wait_dma2 semaphore(%run_scoped3A : memref<!tpu.dma_semaphore, #tpu.memory_space<semaphore_mem>>) src(%arg19 : memref<64x512xf32, #tpu.memory_space<vmem>>) dst(%dma_wait3A_208 : memref<64x512xf32, #tpu.memory_space<hbm>>)
          tpu.yield
        }) : () -> ()
      }
      %while3A_196 = arith.constant 1 : i32
      scf.for %while3A_197 = %while3A_194 to %while3A_190 step %while3A_196  : i32 {
        %mul3A_198 = arith.constant 64 : i32
        %mul3A_199 = arith.muli %while3A_197, %mul3A_198 : i32
        %multiple_of3A_200 = tpu.assume_multiple %mul3A_199, 64 : i32
        %add3A_201 = arith.addi %mul3A_38, %multiple_of3A_200 : i32
        "tpu.region"() ({
          %run_scoped3A = tpu.sem_alloc : memref<!tpu.dma_semaphore, #tpu.memory_space<semaphore_mem>>
          %dma_start3A = arith.constant 0 : i32
          %dma_start3A_203 = tpu.memref_slice %arg12[%add3A_201, %dma_start3A] : memref<1536x512xf32, #tpu.memory_space<hbm>> -> memref<64x512xf32, #tpu.memory_space<hbm>>
          %dma_start3A_204 = arith.constant 0 : i32
          %dma_start3A_205 = tpu.memref_slice %arg12[%add3A_201, %dma_start3A_204] : memref<1536x512xf32, #tpu.memory_space<hbm>> -> memref<64x512xf32, #tpu.memory_space<hbm>>
          tpu.enqueue_dma source(%dma_start3A_205 : memref<64x512xf32, #tpu.memory_space<hbm>>) target(%arg19 : memref<64x512xf32, #tpu.memory_space<vmem>>) target_semaphore(%run_scoped3A : memref<!tpu.dma_semaphore, #tpu.memory_space<semaphore_mem>>)
          %dma_wait3A = arith.constant 0 : i32
          %dma_wait3A_206 = tpu.memref_slice %arg12[%add3A_201, %dma_wait3A] : memref<1536x512xf32, #tpu.memory_space<hbm>> -> memref<64x512xf32, #tpu.memory_space<hbm>>
          %dma_wait3A_207 = arith.constant 0 : i32
          %dma_wait3A_208 = tpu.memref_slice %arg12[%add3A_201, %dma_wait3A_207] : memref<1536x512xf32, #tpu.memory_space<hbm>> -> memref<64x512xf32, #tpu.memory_space<hbm>>
          tpu.wait_dma2 semaphore(%run_scoped3A : memref<!tpu.dma_semaphore, #tpu.memory_space<semaphore_mem>>) src(%dma_wait3A_208 : memref<64x512xf32, #tpu.memory_space<hbm>>) dst(%arg19 : memref<64x512xf32, #tpu.memory_space<vmem>>)
          tpu.yield
        }) : () -> ()
        %add3A_202 = arith.addi %multiple_of3A_49, %multiple_of3A_200 : i32
        "tpu.region"() ({
          %run_scoped3A = tpu.sem_alloc : memref<!tpu.dma_semaphore, #tpu.memory_space<semaphore_mem>>
          %dma_start3A = arith.constant 0 : i32
          %dma_start3A_203 = tpu.memref_slice %arg18[%add3A_202, %dma_start3A] : memref<65536x512xf32, #tpu.memory_space<hbm>> -> memref<64x512xf32, #tpu.memory_space<hbm>>
          %dma_start3A_204 = arith.constant 0 : i32
          %dma_start3A_205 = tpu.memref_slice %arg18[%add3A_202, %dma_start3A_204] : memref<65536x512xf32, #tpu.memory_space<hbm>> -> memref<64x512xf32, #tpu.memory_space<hbm>>
          tpu.enqueue_dma source(%arg19 : memref<64x512xf32, #tpu.memory_space<vmem>>) target(%dma_start3A_205 : memref<64x512xf32, #tpu.memory_space<hbm>>) target_semaphore(%run_scoped3A : memref<!tpu.dma_semaphore, #tpu.memory_space<semaphore_mem>>)
          %dma_wait3A = arith.constant 0 : i32
          %dma_wait3A_206 = tpu.memref_slice %arg18[%add3A_202, %dma_wait3A] : memref<65536x512xf32, #tpu.memory_space<hbm>> -> memref<64x512xf32, #tpu.memory_space<hbm>>
          %dma_wait3A_207 = arith.constant 0 : i32
          %dma_wait3A_208 = tpu.memref_slice %arg18[%add3A_202, %dma_wait3A_207] : memref<65536x512xf32, #tpu.memory_space<hbm>> -> memref<64x512xf32, #tpu.memory_space<hbm>>
          tpu.wait_dma2 semaphore(%run_scoped3A : memref<!tpu.dma_semaphore, #tpu.memory_space<semaphore_mem>>) src(%arg19 : memref<64x512xf32, #tpu.memory_space<vmem>>) dst(%dma_wait3A_208 : memref<64x512xf32, #tpu.memory_space<hbm>>)
          tpu.yield
        }) : () -> ()
      }
    } else {
    }
    %eq3A_103 = arith.constant 11 : i32
    %eq3A_104 = arith.cmpi eq, %select_n3A, %eq3A_103 : i32
    %convert_element_type3A_105 = arith.extui %eq3A_104 : i1 to i32
    %cond3A_106 = arith.constant 0 : i32
    %cond3A_107 = arith.cmpi ne, %convert_element_type3A_105, %cond3A_106 : i32
    scf.if %cond3A_107 {
      %jit3A_163 = arith.constant 64 : i32
      %div3A_164 = arith.divsi %multiple_of3A, %jit3A_163 : i32
      %sign3A_165 = arith.constant 0 : i32
      %sign3A_166 = arith.cmpi sgt, %multiple_of3A, %sign3A_165 : i32
      %sign3A_167 = arith.extui %sign3A_166 : i1 to i32
      %sign3A_168 = arith.constant 0 : i32
      %sign3A_169 = arith.cmpi slt, %multiple_of3A, %sign3A_168 : i32
      %sign3A_170 = arith.extui %sign3A_169 : i1 to i32
      %sign3A_171 = arith.subi %sign3A_167, %sign3A_170 : i32
      %sign3A_172 = arith.constant 0 : i32
      %sign3A_173 = arith.cmpi sgt, %jit3A_163, %sign3A_172 : i32
      %sign3A_174 = arith.extui %sign3A_173 : i1 to i32
      %sign3A_175 = arith.constant 0 : i32
      %sign3A_176 = arith.cmpi slt, %jit3A_163, %sign3A_175 : i32
      %sign3A_177 = arith.extui %sign3A_176 : i1 to i32
      %sign3A_178 = arith.subi %sign3A_174, %sign3A_177 : i32
      %ne3A_179 = arith.cmpi ne, %sign3A_171, %sign3A_178 : i32
      %rem3A_180 = arith.remsi %multiple_of3A, %jit3A_163 : i32
      %ne3A_181 = arith.constant 0 : i32
      %ne3A_182 = arith.cmpi ne, %rem3A_180, %ne3A_181 : i32
      %and3A_183 = arith.andi %ne3A_179, %ne3A_182 : i1
      %sub3A_184 = arith.constant 1 : i32
      %sub3A_185 = arith.subi %div3A_164, %sub3A_184 : i32
      %select_n3A_186 = arith.select %and3A_183, %sub3A_185, %div3A_164 : i32
      %while3A_187 = arith.constant 0 : i32
      %while3A_188 = arith.constant 0 : i32
      %while3A_189 = arith.subi %select_n3A_186, %while3A_188 : i32
      %while3A_190 = arith.addi %while3A_188, %while3A_189 : i32
      %while3A_191 = arith.constant 1 : i32
      %while3A_192 = arith.divsi %while3A_189, %while3A_191 : i32
      %while3A_193 = arith.muli %while3A_192, %while3A_191 : i32
      %while3A_194 = arith.addi %while3A_188, %while3A_193 : i32
      %while3A_195 = arith.constant 1 : i32
      scf.for %while3A_197 = %while3A_188 to %while3A_194 step %while3A_195  : i32 {
        %mul3A_198 = arith.constant 64 : i32
        %mul3A_199 = arith.muli %while3A_197, %mul3A_198 : i32
        %multiple_of3A_200 = tpu.assume_multiple %mul3A_199, 64 : i32
        %add3A_201 = arith.addi %mul3A_38, %multiple_of3A_200 : i32
        "tpu.region"() ({
          %run_scoped3A = tpu.sem_alloc : memref<!tpu.dma_semaphore, #tpu.memory_space<semaphore_mem>>
          %dma_start3A = arith.constant 0 : i32
          %dma_start3A_203 = tpu.memref_slice %arg13[%add3A_201, %dma_start3A] : memref<1280x512xf32, #tpu.memory_space<hbm>> -> memref<64x512xf32, #tpu.memory_space<hbm>>
          %dma_start3A_204 = arith.constant 0 : i32
          %dma_start3A_205 = tpu.memref_slice %arg13[%add3A_201, %dma_start3A_204] : memref<1280x512xf32, #tpu.memory_space<hbm>> -> memref<64x512xf32, #tpu.memory_space<hbm>>
          tpu.enqueue_dma source(%dma_start3A_205 : memref<64x512xf32, #tpu.memory_space<hbm>>) target(%arg19 : memref<64x512xf32, #tpu.memory_space<vmem>>) target_semaphore(%run_scoped3A : memref<!tpu.dma_semaphore, #tpu.memory_space<semaphore_mem>>)
          %dma_wait3A = arith.constant 0 : i32
          %dma_wait3A_206 = tpu.memref_slice %arg13[%add3A_201, %dma_wait3A] : memref<1280x512xf32, #tpu.memory_space<hbm>> -> memref<64x512xf32, #tpu.memory_space<hbm>>
          %dma_wait3A_207 = arith.constant 0 : i32
          %dma_wait3A_208 = tpu.memref_slice %arg13[%add3A_201, %dma_wait3A_207] : memref<1280x512xf32, #tpu.memory_space<hbm>> -> memref<64x512xf32, #tpu.memory_space<hbm>>
          tpu.wait_dma2 semaphore(%run_scoped3A : memref<!tpu.dma_semaphore, #tpu.memory_space<semaphore_mem>>) src(%dma_wait3A_208 : memref<64x512xf32, #tpu.memory_space<hbm>>) dst(%arg19 : memref<64x512xf32, #tpu.memory_space<vmem>>)
          tpu.yield
        }) : () -> ()
        %add3A_202 = arith.addi %multiple_of3A_49, %multiple_of3A_200 : i32
        "tpu.region"() ({
          %run_scoped3A = tpu.sem_alloc : memref<!tpu.dma_semaphore, #tpu.memory_space<semaphore_mem>>
          %dma_start3A = arith.constant 0 : i32
          %dma_start3A_203 = tpu.memref_slice %arg18[%add3A_202, %dma_start3A] : memref<65536x512xf32, #tpu.memory_space<hbm>> -> memref<64x512xf32, #tpu.memory_space<hbm>>
          %dma_start3A_204 = arith.constant 0 : i32
          %dma_start3A_205 = tpu.memref_slice %arg18[%add3A_202, %dma_start3A_204] : memref<65536x512xf32, #tpu.memory_space<hbm>> -> memref<64x512xf32, #tpu.memory_space<hbm>>
          tpu.enqueue_dma source(%arg19 : memref<64x512xf32, #tpu.memory_space<vmem>>) target(%dma_start3A_205 : memref<64x512xf32, #tpu.memory_space<hbm>>) target_semaphore(%run_scoped3A : memref<!tpu.dma_semaphore, #tpu.memory_space<semaphore_mem>>)
          %dma_wait3A = arith.constant 0 : i32
          %dma_wait3A_206 = tpu.memref_slice %arg18[%add3A_202, %dma_wait3A] : memref<65536x512xf32, #tpu.memory_space<hbm>> -> memref<64x512xf32, #tpu.memory_space<hbm>>
          %dma_wait3A_207 = arith.constant 0 : i32
          %dma_wait3A_208 = tpu.memref_slice %arg18[%add3A_202, %dma_wait3A_207] : memref<65536x512xf32, #tpu.memory_space<hbm>> -> memref<64x512xf32, #tpu.memory_space<hbm>>
          tpu.wait_dma2 semaphore(%run_scoped3A : memref<!tpu.dma_semaphore, #tpu.memory_space<semaphore_mem>>) src(%arg19 : memref<64x512xf32, #tpu.memory_space<vmem>>) dst(%dma_wait3A_208 : memref<64x512xf32, #tpu.memory_space<hbm>>)
          tpu.yield
        }) : () -> ()
      }
      %while3A_196 = arith.constant 1 : i32
      scf.for %while3A_197 = %while3A_194 to %while3A_190 step %while3A_196  : i32 {
        %mul3A_198 = arith.constant 64 : i32
        %mul3A_199 = arith.muli %while3A_197, %mul3A_198 : i32
        %multiple_of3A_200 = tpu.assume_multiple %mul3A_199, 64 : i32
        %add3A_201 = arith.addi %mul3A_38, %multiple_of3A_200 : i32
        "tpu.region"() ({
          %run_scoped3A = tpu.sem_alloc : memref<!tpu.dma_semaphore, #tpu.memory_space<semaphore_mem>>
          %dma_start3A = arith.constant 0 : i32
          %dma_start3A_203 = tpu.memref_slice %arg13[%add3A_201, %dma_start3A] : memref<1280x512xf32, #tpu.memory_space<hbm>> -> memref<64x512xf32, #tpu.memory_space<hbm>>
          %dma_start3A_204 = arith.constant 0 : i32
          %dma_start3A_205 = tpu.memref_slice %arg13[%add3A_201, %dma_start3A_204] : memref<1280x512xf32, #tpu.memory_space<hbm>> -> memref<64x512xf32, #tpu.memory_space<hbm>>
          tpu.enqueue_dma source(%dma_start3A_205 : memref<64x512xf32, #tpu.memory_space<hbm>>) target(%arg19 : memref<64x512xf32, #tpu.memory_space<vmem>>) target_semaphore(%run_scoped3A : memref<!tpu.dma_semaphore, #tpu.memory_space<semaphore_mem>>)
          %dma_wait3A = arith.constant 0 : i32
          %dma_wait3A_206 = tpu.memref_slice %arg13[%add3A_201, %dma_wait3A] : memref<1280x512xf32, #tpu.memory_space<hbm>> -> memref<64x512xf32, #tpu.memory_space<hbm>>
          %dma_wait3A_207 = arith.constant 0 : i32
          %dma_wait3A_208 = tpu.memref_slice %arg13[%add3A_201, %dma_wait3A_207] : memref<1280x512xf32, #tpu.memory_space<hbm>> -> memref<64x512xf32, #tpu.memory_space<hbm>>
          tpu.wait_dma2 semaphore(%run_scoped3A : memref<!tpu.dma_semaphore, #tpu.memory_space<semaphore_mem>>) src(%dma_wait3A_208 : memref<64x512xf32, #tpu.memory_space<hbm>>) dst(%arg19 : memref<64x512xf32, #tpu.memory_space<vmem>>)
          tpu.yield
        }) : () -> ()
        %add3A_202 = arith.addi %multiple_of3A_49, %multiple_of3A_200 : i32
        "tpu.region"() ({
          %run_scoped3A = tpu.sem_alloc : memref<!tpu.dma_semaphore, #tpu.memory_space<semaphore_mem>>
          %dma_start3A = arith.constant 0 : i32
          %dma_start3A_203 = tpu.memref_slice %arg18[%add3A_202, %dma_start3A] : memref<65536x512xf32, #tpu.memory_space<hbm>> -> memref<64x512xf32, #tpu.memory_space<hbm>>
          %dma_start3A_204 = arith.constant 0 : i32
          %dma_start3A_205 = tpu.memref_slice %arg18[%add3A_202, %dma_start3A_204] : memref<65536x512xf32, #tpu.memory_space<hbm>> -> memref<64x512xf32, #tpu.memory_space<hbm>>
          tpu.enqueue_dma source(%arg19 : memref<64x512xf32, #tpu.memory_space<vmem>>) target(%dma_start3A_205 : memref<64x512xf32, #tpu.memory_space<hbm>>) target_semaphore(%run_scoped3A : memref<!tpu.dma_semaphore, #tpu.memory_space<semaphore_mem>>)
          %dma_wait3A = arith.constant 0 : i32
          %dma_wait3A_206 = tpu.memref_slice %arg18[%add3A_202, %dma_wait3A] : memref<65536x512xf32, #tpu.memory_space<hbm>> -> memref<64x512xf32, #tpu.memory_space<hbm>>
          %dma_wait3A_207 = arith.constant 0 : i32
          %dma_wait3A_208 = tpu.memref_slice %arg18[%add3A_202, %dma_wait3A_207] : memref<65536x512xf32, #tpu.memory_space<hbm>> -> memref<64x512xf32, #tpu.memory_space<hbm>>
          tpu.wait_dma2 semaphore(%run_scoped3A : memref<!tpu.dma_semaphore, #tpu.memory_space<semaphore_mem>>) src(%arg19 : memref<64x512xf32, #tpu.memory_space<vmem>>) dst(%dma_wait3A_208 : memref<64x512xf32, #tpu.memory_space<hbm>>)
          tpu.yield
        }) : () -> ()
      }
    } else {
    }
    %eq3A_108 = arith.constant 12 : i32
    %eq3A_109 = arith.cmpi eq, %select_n3A, %eq3A_108 : i32
    %convert_element_type3A_110 = arith.extui %eq3A_109 : i1 to i32
    %cond3A_111 = arith.constant 0 : i32
    %cond3A_112 = arith.cmpi ne, %convert_element_type3A_110, %cond3A_111 : i32
    scf.if %cond3A_112 {
      %jit3A_163 = arith.constant 64 : i32
      %div3A_164 = arith.divsi %multiple_of3A, %jit3A_163 : i32
      %sign3A_165 = arith.constant 0 : i32
      %sign3A_166 = arith.cmpi sgt, %multiple_of3A, %sign3A_165 : i32
      %sign3A_167 = arith.extui %sign3A_166 : i1 to i32
      %sign3A_168 = arith.constant 0 : i32
      %sign3A_169 = arith.cmpi slt, %multiple_of3A, %sign3A_168 : i32
      %sign3A_170 = arith.extui %sign3A_169 : i1 to i32
      %sign3A_171 = arith.subi %sign3A_167, %sign3A_170 : i32
      %sign3A_172 = arith.constant 0 : i32
      %sign3A_173 = arith.cmpi sgt, %jit3A_163, %sign3A_172 : i32
      %sign3A_174 = arith.extui %sign3A_173 : i1 to i32
      %sign3A_175 = arith.constant 0 : i32
      %sign3A_176 = arith.cmpi slt, %jit3A_163, %sign3A_175 : i32
      %sign3A_177 = arith.extui %sign3A_176 : i1 to i32
      %sign3A_178 = arith.subi %sign3A_174, %sign3A_177 : i32
      %ne3A_179 = arith.cmpi ne, %sign3A_171, %sign3A_178 : i32
      %rem3A_180 = arith.remsi %multiple_of3A, %jit3A_163 : i32
      %ne3A_181 = arith.constant 0 : i32
      %ne3A_182 = arith.cmpi ne, %rem3A_180, %ne3A_181 : i32
      %and3A_183 = arith.andi %ne3A_179, %ne3A_182 : i1
      %sub3A_184 = arith.constant 1 : i32
      %sub3A_185 = arith.subi %div3A_164, %sub3A_184 : i32
      %select_n3A_186 = arith.select %and3A_183, %sub3A_185, %div3A_164 : i32
      %while3A_187 = arith.constant 0 : i32
      %while3A_188 = arith.constant 0 : i32
      %while3A_189 = arith.subi %select_n3A_186, %while3A_188 : i32
      %while3A_190 = arith.addi %while3A_188, %while3A_189 : i32
      %while3A_191 = arith.constant 1 : i32
      %while3A_192 = arith.divsi %while3A_189, %while3A_191 : i32
      %while3A_193 = arith.muli %while3A_192, %while3A_191 : i32
      %while3A_194 = arith.addi %while3A_188, %while3A_193 : i32
      %while3A_195 = arith.constant 1 : i32
      scf.for %while3A_197 = %while3A_188 to %while3A_194 step %while3A_195  : i32 {
        %mul3A_198 = arith.constant 64 : i32
        %mul3A_199 = arith.muli %while3A_197, %mul3A_198 : i32
        %multiple_of3A_200 = tpu.assume_multiple %mul3A_199, 64 : i32
        %add3A_201 = arith.addi %mul3A_38, %multiple_of3A_200 : i32
        "tpu.region"() ({
          %run_scoped3A = tpu.sem_alloc : memref<!tpu.dma_semaphore, #tpu.memory_space<semaphore_mem>>
          %dma_start3A = arith.constant 0 : i32
          %dma_start3A_203 = tpu.memref_slice %arg14[%add3A_201, %dma_start3A] : memref<1024x512xf32, #tpu.memory_space<hbm>> -> memref<64x512xf32, #tpu.memory_space<hbm>>
          %dma_start3A_204 = arith.constant 0 : i32
          %dma_start3A_205 = tpu.memref_slice %arg14[%add3A_201, %dma_start3A_204] : memref<1024x512xf32, #tpu.memory_space<hbm>> -> memref<64x512xf32, #tpu.memory_space<hbm>>
          tpu.enqueue_dma source(%dma_start3A_205 : memref<64x512xf32, #tpu.memory_space<hbm>>) target(%arg19 : memref<64x512xf32, #tpu.memory_space<vmem>>) target_semaphore(%run_scoped3A : memref<!tpu.dma_semaphore, #tpu.memory_space<semaphore_mem>>)
          %dma_wait3A = arith.constant 0 : i32
          %dma_wait3A_206 = tpu.memref_slice %arg14[%add3A_201, %dma_wait3A] : memref<1024x512xf32, #tpu.memory_space<hbm>> -> memref<64x512xf32, #tpu.memory_space<hbm>>
          %dma_wait3A_207 = arith.constant 0 : i32
          %dma_wait3A_208 = tpu.memref_slice %arg14[%add3A_201, %dma_wait3A_207] : memref<1024x512xf32, #tpu.memory_space<hbm>> -> memref<64x512xf32, #tpu.memory_space<hbm>>
          tpu.wait_dma2 semaphore(%run_scoped3A : memref<!tpu.dma_semaphore, #tpu.memory_space<semaphore_mem>>) src(%dma_wait3A_208 : memref<64x512xf32, #tpu.memory_space<hbm>>) dst(%arg19 : memref<64x512xf32, #tpu.memory_space<vmem>>)
          tpu.yield
        }) : () -> ()
        %add3A_202 = arith.addi %multiple_of3A_49, %multiple_of3A_200 : i32
        "tpu.region"() ({
          %run_scoped3A = tpu.sem_alloc : memref<!tpu.dma_semaphore, #tpu.memory_space<semaphore_mem>>
          %dma_start3A = arith.constant 0 : i32
          %dma_start3A_203 = tpu.memref_slice %arg18[%add3A_202, %dma_start3A] : memref<65536x512xf32, #tpu.memory_space<hbm>> -> memref<64x512xf32, #tpu.memory_space<hbm>>
          %dma_start3A_204 = arith.constant 0 : i32
          %dma_start3A_205 = tpu.memref_slice %arg18[%add3A_202, %dma_start3A_204] : memref<65536x512xf32, #tpu.memory_space<hbm>> -> memref<64x512xf32, #tpu.memory_space<hbm>>
          tpu.enqueue_dma source(%arg19 : memref<64x512xf32, #tpu.memory_space<vmem>>) target(%dma_start3A_205 : memref<64x512xf32, #tpu.memory_space<hbm>>) target_semaphore(%run_scoped3A : memref<!tpu.dma_semaphore, #tpu.memory_space<semaphore_mem>>)
          %dma_wait3A = arith.constant 0 : i32
          %dma_wait3A_206 = tpu.memref_slice %arg18[%add3A_202, %dma_wait3A] : memref<65536x512xf32, #tpu.memory_space<hbm>> -> memref<64x512xf32, #tpu.memory_space<hbm>>
          %dma_wait3A_207 = arith.constant 0 : i32
          %dma_wait3A_208 = tpu.memref_slice %arg18[%add3A_202, %dma_wait3A_207] : memref<65536x512xf32, #tpu.memory_space<hbm>> -> memref<64x512xf32, #tpu.memory_space<hbm>>
          tpu.wait_dma2 semaphore(%run_scoped3A : memref<!tpu.dma_semaphore, #tpu.memory_space<semaphore_mem>>) src(%arg19 : memref<64x512xf32, #tpu.memory_space<vmem>>) dst(%dma_wait3A_208 : memref<64x512xf32, #tpu.memory_space<hbm>>)
          tpu.yield
        }) : () -> ()
      }
      %while3A_196 = arith.constant 1 : i32
      scf.for %while3A_197 = %while3A_194 to %while3A_190 step %while3A_196  : i32 {
        %mul3A_198 = arith.constant 64 : i32
        %mul3A_199 = arith.muli %while3A_197, %mul3A_198 : i32
        %multiple_of3A_200 = tpu.assume_multiple %mul3A_199, 64 : i32
        %add3A_201 = arith.addi %mul3A_38, %multiple_of3A_200 : i32
        "tpu.region"() ({
          %run_scoped3A = tpu.sem_alloc : memref<!tpu.dma_semaphore, #tpu.memory_space<semaphore_mem>>
          %dma_start3A = arith.constant 0 : i32
          %dma_start3A_203 = tpu.memref_slice %arg14[%add3A_201, %dma_start3A] : memref<1024x512xf32, #tpu.memory_space<hbm>> -> memref<64x512xf32, #tpu.memory_space<hbm>>
          %dma_start3A_204 = arith.constant 0 : i32
          %dma_start3A_205 = tpu.memref_slice %arg14[%add3A_201, %dma_start3A_204] : memref<1024x512xf32, #tpu.memory_space<hbm>> -> memref<64x512xf32, #tpu.memory_space<hbm>>
          tpu.enqueue_dma source(%dma_start3A_205 : memref<64x512xf32, #tpu.memory_space<hbm>>) target(%arg19 : memref<64x512xf32, #tpu.memory_space<vmem>>) target_semaphore(%run_scoped3A : memref<!tpu.dma_semaphore, #tpu.memory_space<semaphore_mem>>)
          %dma_wait3A = arith.constant 0 : i32
          %dma_wait3A_206 = tpu.memref_slice %arg14[%add3A_201, %dma_wait3A] : memref<1024x512xf32, #tpu.memory_space<hbm>> -> memref<64x512xf32, #tpu.memory_space<hbm>>
          %dma_wait3A_207 = arith.constant 0 : i32
          %dma_wait3A_208 = tpu.memref_slice %arg14[%add3A_201, %dma_wait3A_207] : memref<1024x512xf32, #tpu.memory_space<hbm>> -> memref<64x512xf32, #tpu.memory_space<hbm>>
          tpu.wait_dma2 semaphore(%run_scoped3A : memref<!tpu.dma_semaphore, #tpu.memory_space<semaphore_mem>>) src(%dma_wait3A_208 : memref<64x512xf32, #tpu.memory_space<hbm>>) dst(%arg19 : memref<64x512xf32, #tpu.memory_space<vmem>>)
          tpu.yield
        }) : () -> ()
        %add3A_202 = arith.addi %multiple_of3A_49, %multiple_of3A_200 : i32
        "tpu.region"() ({
          %run_scoped3A = tpu.sem_alloc : memref<!tpu.dma_semaphore, #tpu.memory_space<semaphore_mem>>
          %dma_start3A = arith.constant 0 : i32
          %dma_start3A_203 = tpu.memref_slice %arg18[%add3A_202, %dma_start3A] : memref<65536x512xf32, #tpu.memory_space<hbm>> -> memref<64x512xf32, #tpu.memory_space<hbm>>
          %dma_start3A_204 = arith.constant 0 : i32
          %dma_start3A_205 = tpu.memref_slice %arg18[%add3A_202, %dma_start3A_204] : memref<65536x512xf32, #tpu.memory_space<hbm>> -> memref<64x512xf32, #tpu.memory_space<hbm>>
          tpu.enqueue_dma source(%arg19 : memref<64x512xf32, #tpu.memory_space<vmem>>) target(%dma_start3A_205 : memref<64x512xf32, #tpu.memory_space<hbm>>) target_semaphore(%run_scoped3A : memref<!tpu.dma_semaphore, #tpu.memory_space<semaphore_mem>>)
          %dma_wait3A = arith.constant 0 : i32
          %dma_wait3A_206 = tpu.memref_slice %arg18[%add3A_202, %dma_wait3A] : memref<65536x512xf32, #tpu.memory_space<hbm>> -> memref<64x512xf32, #tpu.memory_space<hbm>>
          %dma_wait3A_207 = arith.constant 0 : i32
          %dma_wait3A_208 = tpu.memref_slice %arg18[%add3A_202, %dma_wait3A_207] : memref<65536x512xf32, #tpu.memory_space<hbm>> -> memref<64x512xf32, #tpu.memory_space<hbm>>
          tpu.wait_dma2 semaphore(%run_scoped3A : memref<!tpu.dma_semaphore, #tpu.memory_space<semaphore_mem>>) src(%arg19 : memref<64x512xf32, #tpu.memory_space<vmem>>) dst(%dma_wait3A_208 : memref<64x512xf32, #tpu.memory_space<hbm>>)
          tpu.yield
        }) : () -> ()
      }
    } else {
    }
    %eq3A_113 = arith.constant 13 : i32
    %eq3A_114 = arith.cmpi eq, %select_n3A, %eq3A_113 : i32
    %convert_element_type3A_115 = arith.extui %eq3A_114 : i1 to i32
    %cond3A_116 = arith.constant 0 : i32
    %cond3A_117 = arith.cmpi ne, %convert_element_type3A_115, %cond3A_116 : i32
    scf.if %cond3A_117 {
      %jit3A_163 = arith.constant 64 : i32
      %div3A_164 = arith.divsi %multiple_of3A, %jit3A_163 : i32
      %sign3A_165 = arith.constant 0 : i32
      %sign3A_166 = arith.cmpi sgt, %multiple_of3A, %sign3A_165 : i32
      %sign3A_167 = arith.extui %sign3A_166 : i1 to i32
      %sign3A_168 = arith.constant 0 : i32
      %sign3A_169 = arith.cmpi slt, %multiple_of3A, %sign3A_168 : i32
      %sign3A_170 = arith.extui %sign3A_169 : i1 to i32
      %sign3A_171 = arith.subi %sign3A_167, %sign3A_170 : i32
      %sign3A_172 = arith.constant 0 : i32
      %sign3A_173 = arith.cmpi sgt, %jit3A_163, %sign3A_172 : i32
      %sign3A_174 = arith.extui %sign3A_173 : i1 to i32
      %sign3A_175 = arith.constant 0 : i32
      %sign3A_176 = arith.cmpi slt, %jit3A_163, %sign3A_175 : i32
      %sign3A_177 = arith.extui %sign3A_176 : i1 to i32
      %sign3A_178 = arith.subi %sign3A_174, %sign3A_177 : i32
      %ne3A_179 = arith.cmpi ne, %sign3A_171, %sign3A_178 : i32
      %rem3A_180 = arith.remsi %multiple_of3A, %jit3A_163 : i32
      %ne3A_181 = arith.constant 0 : i32
      %ne3A_182 = arith.cmpi ne, %rem3A_180, %ne3A_181 : i32
      %and3A_183 = arith.andi %ne3A_179, %ne3A_182 : i1
      %sub3A_184 = arith.constant 1 : i32
      %sub3A_185 = arith.subi %div3A_164, %sub3A_184 : i32
      %select_n3A_186 = arith.select %and3A_183, %sub3A_185, %div3A_164 : i32
      %while3A_187 = arith.constant 0 : i32
      %while3A_188 = arith.constant 0 : i32
      %while3A_189 = arith.subi %select_n3A_186, %while3A_188 : i32
      %while3A_190 = arith.addi %while3A_188, %while3A_189 : i32
      %while3A_191 = arith.constant 1 : i32
      %while3A_192 = arith.divsi %while3A_189, %while3A_191 : i32
      %while3A_193 = arith.muli %while3A_192, %while3A_191 : i32
      %while3A_194 = arith.addi %while3A_188, %while3A_193 : i32
      %while3A_195 = arith.constant 1 : i32
      scf.for %while3A_197 = %while3A_188 to %while3A_194 step %while3A_195  : i32 {
        %mul3A_198 = arith.constant 64 : i32
        %mul3A_199 = arith.muli %while3A_197, %mul3A_198 : i32
        %multiple_of3A_200 = tpu.assume_multiple %mul3A_199, 64 : i32
        %add3A_201 = arith.addi %mul3A_38, %multiple_of3A_200 : i32
        "tpu.region"() ({
          %run_scoped3A = tpu.sem_alloc : memref<!tpu.dma_semaphore, #tpu.memory_space<semaphore_mem>>
          %dma_start3A = arith.constant 0 : i32
          %dma_start3A_203 = tpu.memref_slice %arg15[%add3A_201, %dma_start3A] : memref<768x512xf32, #tpu.memory_space<hbm>> -> memref<64x512xf32, #tpu.memory_space<hbm>>
          %dma_start3A_204 = arith.constant 0 : i32
          %dma_start3A_205 = tpu.memref_slice %arg15[%add3A_201, %dma_start3A_204] : memref<768x512xf32, #tpu.memory_space<hbm>> -> memref<64x512xf32, #tpu.memory_space<hbm>>
          tpu.enqueue_dma source(%dma_start3A_205 : memref<64x512xf32, #tpu.memory_space<hbm>>) target(%arg19 : memref<64x512xf32, #tpu.memory_space<vmem>>) target_semaphore(%run_scoped3A : memref<!tpu.dma_semaphore, #tpu.memory_space<semaphore_mem>>)
          %dma_wait3A = arith.constant 0 : i32
          %dma_wait3A_206 = tpu.memref_slice %arg15[%add3A_201, %dma_wait3A] : memref<768x512xf32, #tpu.memory_space<hbm>> -> memref<64x512xf32, #tpu.memory_space<hbm>>
          %dma_wait3A_207 = arith.constant 0 : i32
          %dma_wait3A_208 = tpu.memref_slice %arg15[%add3A_201, %dma_wait3A_207] : memref<768x512xf32, #tpu.memory_space<hbm>> -> memref<64x512xf32, #tpu.memory_space<hbm>>
          tpu.wait_dma2 semaphore(%run_scoped3A : memref<!tpu.dma_semaphore, #tpu.memory_space<semaphore_mem>>) src(%dma_wait3A_208 : memref<64x512xf32, #tpu.memory_space<hbm>>) dst(%arg19 : memref<64x512xf32, #tpu.memory_space<vmem>>)
          tpu.yield
        }) : () -> ()
        %add3A_202 = arith.addi %multiple_of3A_49, %multiple_of3A_200 : i32
        "tpu.region"() ({
          %run_scoped3A = tpu.sem_alloc : memref<!tpu.dma_semaphore, #tpu.memory_space<semaphore_mem>>
          %dma_start3A = arith.constant 0 : i32
          %dma_start3A_203 = tpu.memref_slice %arg18[%add3A_202, %dma_start3A] : memref<65536x512xf32, #tpu.memory_space<hbm>> -> memref<64x512xf32, #tpu.memory_space<hbm>>
          %dma_start3A_204 = arith.constant 0 : i32
          %dma_start3A_205 = tpu.memref_slice %arg18[%add3A_202, %dma_start3A_204] : memref<65536x512xf32, #tpu.memory_space<hbm>> -> memref<64x512xf32, #tpu.memory_space<hbm>>
          tpu.enqueue_dma source(%arg19 : memref<64x512xf32, #tpu.memory_space<vmem>>) target(%dma_start3A_205 : memref<64x512xf32, #tpu.memory_space<hbm>>) target_semaphore(%run_scoped3A : memref<!tpu.dma_semaphore, #tpu.memory_space<semaphore_mem>>)
          %dma_wait3A = arith.constant 0 : i32
          %dma_wait3A_206 = tpu.memref_slice %arg18[%add3A_202, %dma_wait3A] : memref<65536x512xf32, #tpu.memory_space<hbm>> -> memref<64x512xf32, #tpu.memory_space<hbm>>
          %dma_wait3A_207 = arith.constant 0 : i32
          %dma_wait3A_208 = tpu.memref_slice %arg18[%add3A_202, %dma_wait3A_207] : memref<65536x512xf32, #tpu.memory_space<hbm>> -> memref<64x512xf32, #tpu.memory_space<hbm>>
          tpu.wait_dma2 semaphore(%run_scoped3A : memref<!tpu.dma_semaphore, #tpu.memory_space<semaphore_mem>>) src(%arg19 : memref<64x512xf32, #tpu.memory_space<vmem>>) dst(%dma_wait3A_208 : memref<64x512xf32, #tpu.memory_space<hbm>>)
          tpu.yield
        }) : () -> ()
      }
      %while3A_196 = arith.constant 1 : i32
      scf.for %while3A_197 = %while3A_194 to %while3A_190 step %while3A_196  : i32 {
        %mul3A_198 = arith.constant 64 : i32
        %mul3A_199 = arith.muli %while3A_197, %mul3A_198 : i32
        %multiple_of3A_200 = tpu.assume_multiple %mul3A_199, 64 : i32
        %add3A_201 = arith.addi %mul3A_38, %multiple_of3A_200 : i32
        "tpu.region"() ({
          %run_scoped3A = tpu.sem_alloc : memref<!tpu.dma_semaphore, #tpu.memory_space<semaphore_mem>>
          %dma_start3A = arith.constant 0 : i32
          %dma_start3A_203 = tpu.memref_slice %arg15[%add3A_201, %dma_start3A] : memref<768x512xf32, #tpu.memory_space<hbm>> -> memref<64x512xf32, #tpu.memory_space<hbm>>
          %dma_start3A_204 = arith.constant 0 : i32
          %dma_start3A_205 = tpu.memref_slice %arg15[%add3A_201, %dma_start3A_204] : memref<768x512xf32, #tpu.memory_space<hbm>> -> memref<64x512xf32, #tpu.memory_space<hbm>>
          tpu.enqueue_dma source(%dma_start3A_205 : memref<64x512xf32, #tpu.memory_space<hbm>>) target(%arg19 : memref<64x512xf32, #tpu.memory_space<vmem>>) target_semaphore(%run_scoped3A : memref<!tpu.dma_semaphore, #tpu.memory_space<semaphore_mem>>)
          %dma_wait3A = arith.constant 0 : i32
          %dma_wait3A_206 = tpu.memref_slice %arg15[%add3A_201, %dma_wait3A] : memref<768x512xf32, #tpu.memory_space<hbm>> -> memref<64x512xf32, #tpu.memory_space<hbm>>
          %dma_wait3A_207 = arith.constant 0 : i32
          %dma_wait3A_208 = tpu.memref_slice %arg15[%add3A_201, %dma_wait3A_207] : memref<768x512xf32, #tpu.memory_space<hbm>> -> memref<64x512xf32, #tpu.memory_space<hbm>>
          tpu.wait_dma2 semaphore(%run_scoped3A : memref<!tpu.dma_semaphore, #tpu.memory_space<semaphore_mem>>) src(%dma_wait3A_208 : memref<64x512xf32, #tpu.memory_space<hbm>>) dst(%arg19 : memref<64x512xf32, #tpu.memory_space<vmem>>)
          tpu.yield
        }) : () -> ()
        %add3A_202 = arith.addi %multiple_of3A_49, %multiple_of3A_200 : i32
        "tpu.region"() ({
          %run_scoped3A = tpu.sem_alloc : memref<!tpu.dma_semaphore, #tpu.memory_space<semaphore_mem>>
          %dma_start3A = arith.constant 0 : i32
          %dma_start3A_203 = tpu.memref_slice %arg18[%add3A_202, %dma_start3A] : memref<65536x512xf32, #tpu.memory_space<hbm>> -> memref<64x512xf32, #tpu.memory_space<hbm>>
          %dma_start3A_204 = arith.constant 0 : i32
          %dma_start3A_205 = tpu.memref_slice %arg18[%add3A_202, %dma_start3A_204] : memref<65536x512xf32, #tpu.memory_space<hbm>> -> memref<64x512xf32, #tpu.memory_space<hbm>>
          tpu.enqueue_dma source(%arg19 : memref<64x512xf32, #tpu.memory_space<vmem>>) target(%dma_start3A_205 : memref<64x512xf32, #tpu.memory_space<hbm>>) target_semaphore(%run_scoped3A : memref<!tpu.dma_semaphore, #tpu.memory_space<semaphore_mem>>)
          %dma_wait3A = arith.constant 0 : i32
          %dma_wait3A_206 = tpu.memref_slice %arg18[%add3A_202, %dma_wait3A] : memref<65536x512xf32, #tpu.memory_space<hbm>> -> memref<64x512xf32, #tpu.memory_space<hbm>>
          %dma_wait3A_207 = arith.constant 0 : i32
          %dma_wait3A_208 = tpu.memref_slice %arg18[%add3A_202, %dma_wait3A_207] : memref<65536x512xf32, #tpu.memory_space<hbm>> -> memref<64x512xf32, #tpu.memory_space<hbm>>
          tpu.wait_dma2 semaphore(%run_scoped3A : memref<!tpu.dma_semaphore, #tpu.memory_space<semaphore_mem>>) src(%arg19 : memref<64x512xf32, #tpu.memory_space<vmem>>) dst(%dma_wait3A_208 : memref<64x512xf32, #tpu.memory_space<hbm>>)
          tpu.yield
        }) : () -> ()
      }
    } else {
    }
    %eq3A_118 = arith.constant 14 : i32
    %eq3A_119 = arith.cmpi eq, %select_n3A, %eq3A_118 : i32
    %convert_element_type3A_120 = arith.extui %eq3A_119 : i1 to i32
    %cond3A_121 = arith.constant 0 : i32
    %cond3A_122 = arith.cmpi ne, %convert_element_type3A_120, %cond3A_121 : i32
    scf.if %cond3A_122 {
      %jit3A_163 = arith.constant 64 : i32
      %div3A_164 = arith.divsi %multiple_of3A, %jit3A_163 : i32
      %sign3A_165 = arith.constant 0 : i32
      %sign3A_166 = arith.cmpi sgt, %multiple_of3A, %sign3A_165 : i32
      %sign3A_167 = arith.extui %sign3A_166 : i1 to i32
      %sign3A_168 = arith.constant 0 : i32
      %sign3A_169 = arith.cmpi slt, %multiple_of3A, %sign3A_168 : i32
      %sign3A_170 = arith.extui %sign3A_169 : i1 to i32
      %sign3A_171 = arith.subi %sign3A_167, %sign3A_170 : i32
      %sign3A_172 = arith.constant 0 : i32
      %sign3A_173 = arith.cmpi sgt, %jit3A_163, %sign3A_172 : i32
      %sign3A_174 = arith.extui %sign3A_173 : i1 to i32
      %sign3A_175 = arith.constant 0 : i32
      %sign3A_176 = arith.cmpi slt, %jit3A_163, %sign3A_175 : i32
      %sign3A_177 = arith.extui %sign3A_176 : i1 to i32
      %sign3A_178 = arith.subi %sign3A_174, %sign3A_177 : i32
      %ne3A_179 = arith.cmpi ne, %sign3A_171, %sign3A_178 : i32
      %rem3A_180 = arith.remsi %multiple_of3A, %jit3A_163 : i32
      %ne3A_181 = arith.constant 0 : i32
      %ne3A_182 = arith.cmpi ne, %rem3A_180, %ne3A_181 : i32
      %and3A_183 = arith.andi %ne3A_179, %ne3A_182 : i1
      %sub3A_184 = arith.constant 1 : i32
      %sub3A_185 = arith.subi %div3A_164, %sub3A_184 : i32
      %select_n3A_186 = arith.select %and3A_183, %sub3A_185, %div3A_164 : i32
      %while3A_187 = arith.constant 0 : i32
      %while3A_188 = arith.constant 0 : i32
      %while3A_189 = arith.subi %select_n3A_186, %while3A_188 : i32
      %while3A_190 = arith.addi %while3A_188, %while3A_189 : i32
      %while3A_191 = arith.constant 1 : i32
      %while3A_192 = arith.divsi %while3A_189, %while3A_191 : i32
      %while3A_193 = arith.muli %while3A_192, %while3A_191 : i32
      %while3A_194 = arith.addi %while3A_188, %while3A_193 : i32
      %while3A_195 = arith.constant 1 : i32
      scf.for %while3A_197 = %while3A_188 to %while3A_194 step %while3A_195  : i32 {
        %mul3A_198 = arith.constant 64 : i32
        %mul3A_199 = arith.muli %while3A_197, %mul3A_198 : i32
        %multiple_of3A_200 = tpu.assume_multiple %mul3A_199, 64 : i32
        %add3A_201 = arith.addi %mul3A_38, %multiple_of3A_200 : i32
        "tpu.region"() ({
          %run_scoped3A = tpu.sem_alloc : memref<!tpu.dma_semaphore, #tpu.memory_space<semaphore_mem>>
          %dma_start3A = arith.constant 0 : i32
          %dma_start3A_203 = tpu.memref_slice %arg16[%add3A_201, %dma_start3A] : memref<512x512xf32, #tpu.memory_space<hbm>> -> memref<64x512xf32, #tpu.memory_space<hbm>>
          %dma_start3A_204 = arith.constant 0 : i32
          %dma_start3A_205 = tpu.memref_slice %arg16[%add3A_201, %dma_start3A_204] : memref<512x512xf32, #tpu.memory_space<hbm>> -> memref<64x512xf32, #tpu.memory_space<hbm>>
          tpu.enqueue_dma source(%dma_start3A_205 : memref<64x512xf32, #tpu.memory_space<hbm>>) target(%arg19 : memref<64x512xf32, #tpu.memory_space<vmem>>) target_semaphore(%run_scoped3A : memref<!tpu.dma_semaphore, #tpu.memory_space<semaphore_mem>>)
          %dma_wait3A = arith.constant 0 : i32
          %dma_wait3A_206 = tpu.memref_slice %arg16[%add3A_201, %dma_wait3A] : memref<512x512xf32, #tpu.memory_space<hbm>> -> memref<64x512xf32, #tpu.memory_space<hbm>>
          %dma_wait3A_207 = arith.constant 0 : i32
          %dma_wait3A_208 = tpu.memref_slice %arg16[%add3A_201, %dma_wait3A_207] : memref<512x512xf32, #tpu.memory_space<hbm>> -> memref<64x512xf32, #tpu.memory_space<hbm>>
          tpu.wait_dma2 semaphore(%run_scoped3A : memref<!tpu.dma_semaphore, #tpu.memory_space<semaphore_mem>>) src(%dma_wait3A_208 : memref<64x512xf32, #tpu.memory_space<hbm>>) dst(%arg19 : memref<64x512xf32, #tpu.memory_space<vmem>>)
          tpu.yield
        }) : () -> ()
        %add3A_202 = arith.addi %multiple_of3A_49, %multiple_of3A_200 : i32
        "tpu.region"() ({
          %run_scoped3A = tpu.sem_alloc : memref<!tpu.dma_semaphore, #tpu.memory_space<semaphore_mem>>
          %dma_start3A = arith.constant 0 : i32
          %dma_start3A_203 = tpu.memref_slice %arg18[%add3A_202, %dma_start3A] : memref<65536x512xf32, #tpu.memory_space<hbm>> -> memref<64x512xf32, #tpu.memory_space<hbm>>
          %dma_start3A_204 = arith.constant 0 : i32
          %dma_start3A_205 = tpu.memref_slice %arg18[%add3A_202, %dma_start3A_204] : memref<65536x512xf32, #tpu.memory_space<hbm>> -> memref<64x512xf32, #tpu.memory_space<hbm>>
          tpu.enqueue_dma source(%arg19 : memref<64x512xf32, #tpu.memory_space<vmem>>) target(%dma_start3A_205 : memref<64x512xf32, #tpu.memory_space<hbm>>) target_semaphore(%run_scoped3A : memref<!tpu.dma_semaphore, #tpu.memory_space<semaphore_mem>>)
          %dma_wait3A = arith.constant 0 : i32
          %dma_wait3A_206 = tpu.memref_slice %arg18[%add3A_202, %dma_wait3A] : memref<65536x512xf32, #tpu.memory_space<hbm>> -> memref<64x512xf32, #tpu.memory_space<hbm>>
          %dma_wait3A_207 = arith.constant 0 : i32
          %dma_wait3A_208 = tpu.memref_slice %arg18[%add3A_202, %dma_wait3A_207] : memref<65536x512xf32, #tpu.memory_space<hbm>> -> memref<64x512xf32, #tpu.memory_space<hbm>>
          tpu.wait_dma2 semaphore(%run_scoped3A : memref<!tpu.dma_semaphore, #tpu.memory_space<semaphore_mem>>) src(%arg19 : memref<64x512xf32, #tpu.memory_space<vmem>>) dst(%dma_wait3A_208 : memref<64x512xf32, #tpu.memory_space<hbm>>)
          tpu.yield
        }) : () -> ()
      }
      %while3A_196 = arith.constant 1 : i32
      scf.for %while3A_197 = %while3A_194 to %while3A_190 step %while3A_196  : i32 {
        %mul3A_198 = arith.constant 64 : i32
        %mul3A_199 = arith.muli %while3A_197, %mul3A_198 : i32
        %multiple_of3A_200 = tpu.assume_multiple %mul3A_199, 64 : i32
        %add3A_201 = arith.addi %mul3A_38, %multiple_of3A_200 : i32
        "tpu.region"() ({
          %run_scoped3A = tpu.sem_alloc : memref<!tpu.dma_semaphore, #tpu.memory_space<semaphore_mem>>
          %dma_start3A = arith.constant 0 : i32
          %dma_start3A_203 = tpu.memref_slice %arg16[%add3A_201, %dma_start3A] : memref<512x512xf32, #tpu.memory_space<hbm>> -> memref<64x512xf32, #tpu.memory_space<hbm>>
          %dma_start3A_204 = arith.constant 0 : i32
          %dma_start3A_205 = tpu.memref_slice %arg16[%add3A_201, %dma_start3A_204] : memref<512x512xf32, #tpu.memory_space<hbm>> -> memref<64x512xf32, #tpu.memory_space<hbm>>
          tpu.enqueue_dma source(%dma_start3A_205 : memref<64x512xf32, #tpu.memory_space<hbm>>) target(%arg19 : memref<64x512xf32, #tpu.memory_space<vmem>>) target_semaphore(%run_scoped3A : memref<!tpu.dma_semaphore, #tpu.memory_space<semaphore_mem>>)
          %dma_wait3A = arith.constant 0 : i32
          %dma_wait3A_206 = tpu.memref_slice %arg16[%add3A_201, %dma_wait3A] : memref<512x512xf32, #tpu.memory_space<hbm>> -> memref<64x512xf32, #tpu.memory_space<hbm>>
          %dma_wait3A_207 = arith.constant 0 : i32
          %dma_wait3A_208 = tpu.memref_slice %arg16[%add3A_201, %dma_wait3A_207] : memref<512x512xf32, #tpu.memory_space<hbm>> -> memref<64x512xf32, #tpu.memory_space<hbm>>
          tpu.wait_dma2 semaphore(%run_scoped3A : memref<!tpu.dma_semaphore, #tpu.memory_space<semaphore_mem>>) src(%dma_wait3A_208 : memref<64x512xf32, #tpu.memory_space<hbm>>) dst(%arg19 : memref<64x512xf32, #tpu.memory_space<vmem>>)
          tpu.yield
        }) : () -> ()
        %add3A_202 = arith.addi %multiple_of3A_49, %multiple_of3A_200 : i32
        "tpu.region"() ({
          %run_scoped3A = tpu.sem_alloc : memref<!tpu.dma_semaphore, #tpu.memory_space<semaphore_mem>>
          %dma_start3A = arith.constant 0 : i32
          %dma_start3A_203 = tpu.memref_slice %arg18[%add3A_202, %dma_start3A] : memref<65536x512xf32, #tpu.memory_space<hbm>> -> memref<64x512xf32, #tpu.memory_space<hbm>>
          %dma_start3A_204 = arith.constant 0 : i32
          %dma_start3A_205 = tpu.memref_slice %arg18[%add3A_202, %dma_start3A_204] : memref<65536x512xf32, #tpu.memory_space<hbm>> -> memref<64x512xf32, #tpu.memory_space<hbm>>
          tpu.enqueue_dma source(%arg19 : memref<64x512xf32, #tpu.memory_space<vmem>>) target(%dma_start3A_205 : memref<64x512xf32, #tpu.memory_space<hbm>>) target_semaphore(%run_scoped3A : memref<!tpu.dma_semaphore, #tpu.memory_space<semaphore_mem>>)
          %dma_wait3A = arith.constant 0 : i32
          %dma_wait3A_206 = tpu.memref_slice %arg18[%add3A_202, %dma_wait3A] : memref<65536x512xf32, #tpu.memory_space<hbm>> -> memref<64x512xf32, #tpu.memory_space<hbm>>
          %dma_wait3A_207 = arith.constant 0 : i32
          %dma_wait3A_208 = tpu.memref_slice %arg18[%add3A_202, %dma_wait3A_207] : memref<65536x512xf32, #tpu.memory_space<hbm>> -> memref<64x512xf32, #tpu.memory_space<hbm>>
          tpu.wait_dma2 semaphore(%run_scoped3A : memref<!tpu.dma_semaphore, #tpu.memory_space<semaphore_mem>>) src(%arg19 : memref<64x512xf32, #tpu.memory_space<vmem>>) dst(%dma_wait3A_208 : memref<64x512xf32, #tpu.memory_space<hbm>>)
          tpu.yield
        }) : () -> ()
      }
    } else {
    }
    %eq3A_123 = arith.constant 15 : i32
    %eq3A_124 = arith.cmpi eq, %select_n3A, %eq3A_123 : i32
    %convert_element_type3A_125 = arith.extui %eq3A_124 : i1 to i32
    %cond3A_126 = arith.constant 0 : i32
    %cond3A_127 = arith.cmpi ne, %convert_element_type3A_125, %cond3A_126 : i32
    scf.if %cond3A_127 {
      %jit3A_163 = arith.constant 64 : i32
      %div3A_164 = arith.divsi %multiple_of3A, %jit3A_163 : i32
      %sign3A_165 = arith.constant 0 : i32
      %sign3A_166 = arith.cmpi sgt, %multiple_of3A, %sign3A_165 : i32
      %sign3A_167 = arith.extui %sign3A_166 : i1 to i32
      %sign3A_168 = arith.constant 0 : i32
      %sign3A_169 = arith.cmpi slt, %multiple_of3A, %sign3A_168 : i32
      %sign3A_170 = arith.extui %sign3A_169 : i1 to i32
      %sign3A_171 = arith.subi %sign3A_167, %sign3A_170 : i32
      %sign3A_172 = arith.constant 0 : i32
      %sign3A_173 = arith.cmpi sgt, %jit3A_163, %sign3A_172 : i32
      %sign3A_174 = arith.extui %sign3A_173 : i1 to i32
      %sign3A_175 = arith.constant 0 : i32
      %sign3A_176 = arith.cmpi slt, %jit3A_163, %sign3A_175 : i32
      %sign3A_177 = arith.extui %sign3A_176 : i1 to i32
      %sign3A_178 = arith.subi %sign3A_174, %sign3A_177 : i32
      %ne3A_179 = arith.cmpi ne, %sign3A_171, %sign3A_178 : i32
      %rem3A_180 = arith.remsi %multiple_of3A, %jit3A_163 : i32
      %ne3A_181 = arith.constant 0 : i32
      %ne3A_182 = arith.cmpi ne, %rem3A_180, %ne3A_181 : i32
      %and3A_183 = arith.andi %ne3A_179, %ne3A_182 : i1
      %sub3A_184 = arith.constant 1 : i32
      %sub3A_185 = arith.subi %div3A_164, %sub3A_184 : i32
      %select_n3A_186 = arith.select %and3A_183, %sub3A_185, %div3A_164 : i32
      %while3A_187 = arith.constant 0 : i32
      %while3A_188 = arith.constant 0 : i32
      %while3A_189 = arith.subi %select_n3A_186, %while3A_188 : i32
      %while3A_190 = arith.addi %while3A_188, %while3A_189 : i32
      %while3A_191 = arith.constant 1 : i32
      %while3A_192 = arith.divsi %while3A_189, %while3A_191 : i32
      %while3A_193 = arith.muli %while3A_192, %while3A_191 : i32
      %while3A_194 = arith.addi %while3A_188, %while3A_193 : i32
      %while3A_195 = arith.constant 1 : i32
      scf.for %while3A_197 = %while3A_188 to %while3A_194 step %while3A_195  : i32 {
        %mul3A_198 = arith.constant 64 : i32
        %mul3A_199 = arith.muli %while3A_197, %mul3A_198 : i32
        %multiple_of3A_200 = tpu.assume_multiple %mul3A_199, 64 : i32
        %add3A_201 = arith.addi %mul3A_38, %multiple_of3A_200 : i32
        "tpu.region"() ({
          %run_scoped3A = tpu.sem_alloc : memref<!tpu.dma_semaphore, #tpu.memory_space<semaphore_mem>>
          %dma_start3A = arith.constant 0 : i32
          %dma_start3A_203 = tpu.memref_slice %arg17[%add3A_201, %dma_start3A] : memref<256x512xf32, #tpu.memory_space<hbm>> -> memref<64x512xf32, #tpu.memory_space<hbm>>
          %dma_start3A_204 = arith.constant 0 : i32
          %dma_start3A_205 = tpu.memref_slice %arg17[%add3A_201, %dma_start3A_204] : memref<256x512xf32, #tpu.memory_space<hbm>> -> memref<64x512xf32, #tpu.memory_space<hbm>>
          tpu.enqueue_dma source(%dma_start3A_205 : memref<64x512xf32, #tpu.memory_space<hbm>>) target(%arg19 : memref<64x512xf32, #tpu.memory_space<vmem>>) target_semaphore(%run_scoped3A : memref<!tpu.dma_semaphore, #tpu.memory_space<semaphore_mem>>)
          %dma_wait3A = arith.constant 0 : i32
          %dma_wait3A_206 = tpu.memref_slice %arg17[%add3A_201, %dma_wait3A] : memref<256x512xf32, #tpu.memory_space<hbm>> -> memref<64x512xf32, #tpu.memory_space<hbm>>
          %dma_wait3A_207 = arith.constant 0 : i32
          %dma_wait3A_208 = tpu.memref_slice %arg17[%add3A_201, %dma_wait3A_207] : memref<256x512xf32, #tpu.memory_space<hbm>> -> memref<64x512xf32, #tpu.memory_space<hbm>>
          tpu.wait_dma2 semaphore(%run_scoped3A : memref<!tpu.dma_semaphore, #tpu.memory_space<semaphore_mem>>) src(%dma_wait3A_208 : memref<64x512xf32, #tpu.memory_space<hbm>>) dst(%arg19 : memref<64x512xf32, #tpu.memory_space<vmem>>)
          tpu.yield
        }) : () -> ()
        %add3A_202 = arith.addi %multiple_of3A_49, %multiple_of3A_200 : i32
        "tpu.region"() ({
          %run_scoped3A = tpu.sem_alloc : memref<!tpu.dma_semaphore, #tpu.memory_space<semaphore_mem>>
          %dma_start3A = arith.constant 0 : i32
          %dma_start3A_203 = tpu.memref_slice %arg18[%add3A_202, %dma_start3A] : memref<65536x512xf32, #tpu.memory_space<hbm>> -> memref<64x512xf32, #tpu.memory_space<hbm>>
          %dma_start3A_204 = arith.constant 0 : i32
          %dma_start3A_205 = tpu.memref_slice %arg18[%add3A_202, %dma_start3A_204] : memref<65536x512xf32, #tpu.memory_space<hbm>> -> memref<64x512xf32, #tpu.memory_space<hbm>>
          tpu.enqueue_dma source(%arg19 : memref<64x512xf32, #tpu.memory_space<vmem>>) target(%dma_start3A_205 : memref<64x512xf32, #tpu.memory_space<hbm>>) target_semaphore(%run_scoped3A : memref<!tpu.dma_semaphore, #tpu.memory_space<semaphore_mem>>)
          %dma_wait3A = arith.constant 0 : i32
          %dma_wait3A_206 = tpu.memref_slice %arg18[%add3A_202, %dma_wait3A] : memref<65536x512xf32, #tpu.memory_space<hbm>> -> memref<64x512xf32, #tpu.memory_space<hbm>>
          %dma_wait3A_207 = arith.constant 0 : i32
          %dma_wait3A_208 = tpu.memref_slice %arg18[%add3A_202, %dma_wait3A_207] : memref<65536x512xf32, #tpu.memory_space<hbm>> -> memref<64x512xf32, #tpu.memory_space<hbm>>
          tpu.wait_dma2 semaphore(%run_scoped3A : memref<!tpu.dma_semaphore, #tpu.memory_space<semaphore_mem>>) src(%arg19 : memref<64x512xf32, #tpu.memory_space<vmem>>) dst(%dma_wait3A_208 : memref<64x512xf32, #tpu.memory_space<hbm>>)
          tpu.yield
        }) : () -> ()
      }
      %while3A_196 = arith.constant 1 : i32
      scf.for %while3A_197 = %while3A_194 to %while3A_190 step %while3A_196  : i32 {
        %mul3A_198 = arith.constant 64 : i32
        %mul3A_199 = arith.muli %while3A_197, %mul3A_198 : i32
        %multiple_of3A_200 = tpu.assume_multiple %mul3A_199, 64 : i32
        %add3A_201 = arith.addi %mul3A_38, %multiple_of3A_200 : i32
        "tpu.region"() ({
          %run_scoped3A = tpu.sem_alloc : memref<!tpu.dma_semaphore, #tpu.memory_space<semaphore_mem>>
          %dma_start3A = arith.constant 0 : i32
          %dma_start3A_203 = tpu.memref_slice %arg17[%add3A_201, %dma_start3A] : memref<256x512xf32, #tpu.memory_space<hbm>> -> memref<64x512xf32, #tpu.memory_space<hbm>>
          %dma_start3A_204 = arith.constant 0 : i32
          %dma_start3A_205 = tpu.memref_slice %arg17[%add3A_201, %dma_start3A_204] : memref<256x512xf32, #tpu.memory_space<hbm>> -> memref<64x512xf32, #tpu.memory_space<hbm>>
          tpu.enqueue_dma source(%dma_start3A_205 : memref<64x512xf32, #tpu.memory_space<hbm>>) target(%arg19 : memref<64x512xf32, #tpu.memory_space<vmem>>) target_semaphore(%run_scoped3A : memref<!tpu.dma_semaphore, #tpu.memory_space<semaphore_mem>>)
          %dma_wait3A = arith.constant 0 : i32
          %dma_wait3A_206 = tpu.memref_slice %arg17[%add3A_201, %dma_wait3A] : memref<256x512xf32, #tpu.memory_space<hbm>> -> memref<64x512xf32, #tpu.memory_space<hbm>>
          %dma_wait3A_207 = arith.constant 0 : i32
          %dma_wait3A_208 = tpu.memref_slice %arg17[%add3A_201, %dma_wait3A_207] : memref<256x512xf32, #tpu.memory_space<hbm>> -> memref<64x512xf32, #tpu.memory_space<hbm>>
          tpu.wait_dma2 semaphore(%run_scoped3A : memref<!tpu.dma_semaphore, #tpu.memory_space<semaphore_mem>>) src(%dma_wait3A_208 : memref<64x512xf32, #tpu.memory_space<hbm>>) dst(%arg19 : memref<64x512xf32, #tpu.memory_space<vmem>>)
          tpu.yield
        }) : () -> ()
        %add3A_202 = arith.addi %multiple_of3A_49, %multiple_of3A_200 : i32
        "tpu.region"() ({
          %run_scoped3A = tpu.sem_alloc : memref<!tpu.dma_semaphore, #tpu.memory_space<semaphore_mem>>
          %dma_start3A = arith.constant 0 : i32
          %dma_start3A_203 = tpu.memref_slice %arg18[%add3A_202, %dma_start3A] : memref<65536x512xf32, #tpu.memory_space<hbm>> -> memref<64x512xf32, #tpu.memory_space<hbm>>
          %dma_start3A_204 = arith.constant 0 : i32
          %dma_start3A_205 = tpu.memref_slice %arg18[%add3A_202, %dma_start3A_204] : memref<65536x512xf32, #tpu.memory_space<hbm>> -> memref<64x512xf32, #tpu.memory_space<hbm>>
          tpu.enqueue_dma source(%arg19 : memref<64x512xf32, #tpu.memory_space<vmem>>) target(%dma_start3A_205 : memref<64x512xf32, #tpu.memory_space<hbm>>) target_semaphore(%run_scoped3A : memref<!tpu.dma_semaphore, #tpu.memory_space<semaphore_mem>>)
          %dma_wait3A = arith.constant 0 : i32
          %dma_wait3A_206 = tpu.memref_slice %arg18[%add3A_202, %dma_wait3A] : memref<65536x512xf32, #tpu.memory_space<hbm>> -> memref<64x512xf32, #tpu.memory_space<hbm>>
          %dma_wait3A_207 = arith.constant 0 : i32
          %dma_wait3A_208 = tpu.memref_slice %arg18[%add3A_202, %dma_wait3A_207] : memref<65536x512xf32, #tpu.memory_space<hbm>> -> memref<64x512xf32, #tpu.memory_space<hbm>>
          tpu.wait_dma2 semaphore(%run_scoped3A : memref<!tpu.dma_semaphore, #tpu.memory_space<semaphore_mem>>) src(%arg19 : memref<64x512xf32, #tpu.memory_space<vmem>>) dst(%dma_wait3A_208 : memref<64x512xf32, #tpu.memory_space<hbm>>)
          tpu.yield
        }) : () -> ()
      }
    } else {
    }
    %sub3A_128 = arith.constant 2048 : i32
    %sub3A_129 = arith.subi %sub3A_128, %multiple_of3A : i32
    %jit3A_130 = arith.constant 64 : i32
    %div3A_131 = arith.divsi %sub3A_129, %jit3A_130 : i32
    %sign3A_132 = arith.constant 0 : i32
    %sign3A_133 = arith.cmpi sgt, %sub3A_129, %sign3A_132 : i32
    %sign3A_134 = arith.extui %sign3A_133 : i1 to i32
    %sign3A_135 = arith.constant 0 : i32
    %sign3A_136 = arith.cmpi slt, %sub3A_129, %sign3A_135 : i32
    %sign3A_137 = arith.extui %sign3A_136 : i1 to i32
    %sign3A_138 = arith.subi %sign3A_134, %sign3A_137 : i32
    %sign3A_139 = arith.constant 0 : i32
    %sign3A_140 = arith.cmpi sgt, %jit3A_130, %sign3A_139 : i32
    %sign3A_141 = arith.extui %sign3A_140 : i1 to i32
    %sign3A_142 = arith.constant 0 : i32
    %sign3A_143 = arith.cmpi slt, %jit3A_130, %sign3A_142 : i32
    %sign3A_144 = arith.extui %sign3A_143 : i1 to i32
    %sign3A_145 = arith.subi %sign3A_141, %sign3A_144 : i32
    %ne3A_146 = arith.cmpi ne, %sign3A_138, %sign3A_145 : i32
    %rem3A_147 = arith.remsi %sub3A_129, %jit3A_130 : i32
    %ne3A_148 = arith.constant 0 : i32
    %ne3A_149 = arith.cmpi ne, %rem3A_147, %ne3A_148 : i32
    %and3A_150 = arith.andi %ne3A_146, %ne3A_149 : i1
    %sub3A_151 = arith.constant 1 : i32
    %sub3A_152 = arith.subi %div3A_131, %sub3A_151 : i32
    %select_n3A_153 = arith.select %and3A_150, %sub3A_152, %div3A_131 : i32
    %while3A = arith.constant 0 : i32
    %while3A_154 = arith.constant 0 : i32
    %while3A_155 = arith.subi %select_n3A_153, %while3A_154 : i32
    %while3A_156 = arith.addi %while3A_154, %while3A_155 : i32
    %while3A_157 = arith.constant 1 : i32
    %while3A_158 = arith.divsi %while3A_155, %while3A_157 : i32
    %while3A_159 = arith.muli %while3A_158, %while3A_157 : i32
    %while3A_160 = arith.addi %while3A_154, %while3A_159 : i32
    %while3A_161 = arith.constant 1 : i32
    scf.for %while3A_163 = %while3A_154 to %while3A_160 step %while3A_161  : i32 {
      %add3A_164 = arith.addi %multiple_of3A_49, %multiple_of3A : i32
      %mul3A_165 = arith.constant 64 : i32
      %mul3A_166 = arith.muli %while3A_163, %mul3A_165 : i32
      %add3A_167 = arith.addi %add3A_164, %mul3A_166 : i32
      %multiple_of3A_168 = tpu.assume_multiple %add3A_167, 64 : i32
      "tpu.region"() ({
        %run_scoped3A = tpu.sem_alloc : memref<!tpu.dma_semaphore, #tpu.memory_space<semaphore_mem>>
        %dma_start3A = arith.constant 0 : i32
        %dma_start3A_169 = tpu.memref_slice %arg18[%multiple_of3A_168, %dma_start3A] : memref<65536x512xf32, #tpu.memory_space<hbm>> -> memref<64x512xf32, #tpu.memory_space<hbm>>
        %dma_start3A_170 = arith.constant 0 : i32
        %dma_start3A_171 = tpu.memref_slice %arg18[%multiple_of3A_168, %dma_start3A_170] : memref<65536x512xf32, #tpu.memory_space<hbm>> -> memref<64x512xf32, #tpu.memory_space<hbm>>
        tpu.enqueue_dma source(%arg20 : memref<64x512xf32, #tpu.memory_space<vmem>>) target(%dma_start3A_171 : memref<64x512xf32, #tpu.memory_space<hbm>>) target_semaphore(%run_scoped3A : memref<!tpu.dma_semaphore, #tpu.memory_space<semaphore_mem>>)
        %dma_wait3A = arith.constant 0 : i32
        %dma_wait3A_172 = tpu.memref_slice %arg18[%multiple_of3A_168, %dma_wait3A] : memref<65536x512xf32, #tpu.memory_space<hbm>> -> memref<64x512xf32, #tpu.memory_space<hbm>>
        %dma_wait3A_173 = arith.constant 0 : i32
        %dma_wait3A_174 = tpu.memref_slice %arg18[%multiple_of3A_168, %dma_wait3A_173] : memref<65536x512xf32, #tpu.memory_space<hbm>> -> memref<64x512xf32, #tpu.memory_space<hbm>>
        tpu.wait_dma2 semaphore(%run_scoped3A : memref<!tpu.dma_semaphore, #tpu.memory_space<semaphore_mem>>) src(%arg20 : memref<64x512xf32, #tpu.memory_space<vmem>>) dst(%dma_wait3A_174 : memref<64x512xf32, #tpu.memory_space<hbm>>)
        tpu.yield
      }) : () -> ()
    }
    %while3A_162 = arith.constant 1 : i32
    scf.for %while3A_163 = %while3A_160 to %while3A_156 step %while3A_162  : i32 {
      %add3A_164 = arith.addi %multiple_of3A_49, %multiple_of3A : i32
      %mul3A_165 = arith.constant 64 : i32
      %mul3A_166 = arith.muli %while3A_163, %mul3A_165 : i32
      %add3A_167 = arith.addi %add3A_164, %mul3A_166 : i32
      %multiple_of3A_168 = tpu.assume_multiple %add3A_167, 64 : i32
      "tpu.region"() ({
        %run_scoped3A = tpu.sem_alloc : memref<!tpu.dma_semaphore, #tpu.memory_space<semaphore_mem>>
        %dma_start3A = arith.constant 0 : i32
        %dma_start3A_169 = tpu.memref_slice %arg18[%multiple_of3A_168, %dma_start3A] : memref<65536x512xf32, #tpu.memory_space<hbm>> -> memref<64x512xf32, #tpu.memory_space<hbm>>
        %dma_start3A_170 = arith.constant 0 : i32
        %dma_start3A_171 = tpu.memref_slice %arg18[%multiple_of3A_168, %dma_start3A_170] : memref<65536x512xf32, #tpu.memory_space<hbm>> -> memref<64x512xf32, #tpu.memory_space<hbm>>
        tpu.enqueue_dma source(%arg20 : memref<64x512xf32, #tpu.memory_space<vmem>>) target(%dma_start3A_171 : memref<64x512xf32, #tpu.memory_space<hbm>>) target_semaphore(%run_scoped3A : memref<!tpu.dma_semaphore, #tpu.memory_space<semaphore_mem>>)
        %dma_wait3A = arith.constant 0 : i32
        %dma_wait3A_172 = tpu.memref_slice %arg18[%multiple_of3A_168, %dma_wait3A] : memref<65536x512xf32, #tpu.memory_space<hbm>> -> memref<64x512xf32, #tpu.memory_space<hbm>>
        %dma_wait3A_173 = arith.constant 0 : i32
        %dma_wait3A_174 = tpu.memref_slice %arg18[%multiple_of3A_168, %dma_wait3A_173] : memref<65536x512xf32, #tpu.memory_space<hbm>> -> memref<64x512xf32, #tpu.memory_space<hbm>>
        tpu.wait_dma2 semaphore(%run_scoped3A : memref<!tpu.dma_semaphore, #tpu.memory_space<semaphore_mem>>) src(%arg20 : memref<64x512xf32, #tpu.memory_space<vmem>>) dst(%dma_wait3A_174 : memref<64x512xf32, #tpu.memory_space<hbm>>)
        tpu.yield
      }) : () -> ()
    }
    return
  }
}

module attributes {stable_mosaic.version = 14 : i64} {
  func.func @_mask_body(%arg0: memref<16x4096xi32, #tpu.memory_space<vmem>>) attributes {dimension_semantics = [], scalar_prefetch = 0 : i64, scratch_operands = 0 : i64, tpu.core_type = #tpu.core_type<tc>} {
    %iota3A = tpu.iota {dimensions = array<i32: 1>} : vector<16x4096xi32>
    %iota3A_0 = tpu.iota {dimensions = array<i32: 0>} : vector<16x4096xi32>
    %mul3A = arith.constant 256 : i32
    %mul3A_1 = vector.broadcast %mul3A : i32 to vector<16x4096xi32>
    %mul3A_2 = arith.muli %mul3A_1, %iota3A_0 : vector<16x4096xi32>
    %sub3A = arith.constant 4096 : i32
    %sub3A_3 = vector.broadcast %sub3A : i32 to vector<16x4096xi32>
    %sub3A_4 = arith.subi %sub3A_3, %mul3A_2 : vector<16x4096xi32>
    %ge3A = arith.cmpi sge, %iota3A, %sub3A_4 : vector<16x4096xi32>
    %swap3A = arith.constant 0 : index
    %swap3A_5 = arith.constant 0 : index
    %swap3A_6 = vector.load %arg0[%swap3A, %swap3A_5] : memref<16x4096xi32, #tpu.memory_space<vmem>>, vector<16x4096xi32>
    %swap3A_7 = arith.extui %ge3A : vector<16x4096xi1> to vector<16x4096xi32>
    %swap3A_8 = arith.constant dense<0> : vector<16x4096xi32>
    %swap3A_9 = arith.cmpi ne, %swap3A_6, %swap3A_8 : vector<16x4096xi32>
    tpu.vector_store %arg0[%swap3A, %swap3A_5], %swap3A_7 {strides = array<i32>} : memref<16x4096xi32, #tpu.memory_space<vmem>>, vector<16x4096xi32>,
    return
  }
}

</mosaic_0001>

<sc_bundles>
// kernel: kernel.4.cloned.1.call-start
scs
__scs_entry_jumppad:
0x0: {  	(pc) =	sbr.rel $0x88, $3  }
0x1: {  	(tag) =	ssettag $0x0;
	lr =	simm.s32 $0x1  }
0x2: {  	[smem:$0x3F91] =	sst lr;
	_ =	strace $0xD0000000  }
0x3: {  	_ = 	snop  }
0x4: {  	_ = 	snop  }
0x5: {  	_ = 	snop  }
0x6: {  	_ = 	snop  }
0x7: {  	_ = 	snop  }
__scs_overlays_trampoline_lowered:
0x8: {  	[smem:$0x3FA0] =	sst s0  }
0x9: {  	[smem:$0x3FA1] =	sst s1  }
0xa: {  	[smem:$0x3FA2] =	sst s2  }
0xb: {  	[smem:$0x3FA3] =	sst s3  }
0xc: {  	[smem:$0x3FA4] =	sst s4  }
0xd: {  	[smem:$0x3FA5] =	sst s5  }
0xe: {  	[smem:$0x3FA6] =	sst s6  }
0xf: {  	[smem:$0x3FA7] =	sst s7  }
0x10: {  	[smem:$0x3FA8] =	sst s8  }
0x11: {  	[smem:$0x3FA9] =	sst s9;
	s0 =	simm.s32 @!p0 $0x0  }
0x12: {  	s1 =	sld [smem:$0x3F8F];
	s0 =	simm.s32 @p0 $0x1  }
0x13: {  	[smem:$0x3FAA] =	sst s0;
	s0 =	simm.s32 @!p1 $0x0  }
0x14: {  	s2 =	sld [smem:$0x3F8E];
	s0 =	simm.s32 @p1 $0x1  }
0x15: {  	[smem:$0x3FAB] =	sst s0;
	s0 =	simm.s32 @!p2 $0x0  }
0x16: {  	s3 =	sld [smem:$0x3FDB];
	s0 =	simm.s32 @p2 $0x1  }
0x17: {  	s4 =	simm.s32 $0x1BF5;
	[smem:$0x3FAD] =	sst s0  }
0x18: {  	s0 =	sld [smem:$0x3F90];
	_ =	swait.ge [sflag:s4], $0x0  }
0x19: {  	s7 =	sld [smem:$0x3F91]  }
0x1a: {  	s8 =	sadd.s32 $0xFFFFE003, lr  }
0x1b: {  	s9 =	sadd.s32 $0xFFFFFEF7, lr;
	s5 =	simm.s32 $0xFFFFFFFF;
	p2 =	slt.u32 s8, $0xFFFFF086  }
0x1c: {  	p1 =	slt.u32 s9, $0xF7A;
	s5 =	simm.s32 @!p2 $0x0  }
0x1d: {  	s5 =	simm.s32 @p1 $0x1;
	p0 =	seq.s32 s7, s2  }
0x1e: {  	s7 =	smul.u32 @!p0 $0xF7A, s2;
	p2 =	seq.s32 @!p0 s5, $0x0  }
0x1f: {  	s9 =	smul.u32 $0xF7A, s1;
	s8 =	simm.s32 @!p0 $0x1BF5;
	p2 =	por !p2, p0  }
0x20: {  	[sflag:s8] =	ssyncset.s32 @!p0 $0xFFFFF086;
	s6 =	sadd.s32 @!p0 s3, s7;
	s7 =	simm.s32 @!p0 $0x108  }
0x21: {  	s3 =	sadd.s32 s3, s9;
	s6 =	sadd.s32 @!p0 $0x88, s6;
	s7 =	simm.s32 @p2 $0x1082  }
0x22: {  	[simem:s7], [sflag:s8] =	dma.local @!p0 [hbm:s6], $0xF7A  }
0x23: {  	s9 =	sor.u32 $0xD0000000, s2;
	s6 =	simm.s32 $0x108;
	_ =	swait.ge @!p0 [sflag:s8], $0x0  }
0x24: {  	s3 =	sadd.s32 $0x88, s3;
	s6 =	simm.s32 @!p1 $0x1082;
	[sflag:s4] =	ssyncset.s32 $0xFFFFF086  }
0x25: {  	[simem:s6], [sflag:s4] =	dma.local [hbm:s3], $0xF7A  }
0x26: {  	[smem:$0x3F91] =	sst s1;
	(tag) =	ssettag s2;
	_ =	strace s9  }
0x27: {  	s1 =	sld [smem:$0x3FA1]  }
0x28: {  	s2 =	sld [smem:$0x3FA2]  }
0x29: {  	s4 =	sld [smem:$0x3FA4]  }
0x2a: {  	p0 =	seq.s32 s5, $0x0;
	s5 =	sld [smem:$0x3FA5]  }
0x2b: {  	s6 =	sld [smem:$0x3FA6]  }
0x2c: {  	s7 =	sld [smem:$0x3FA7]  }
0x2d: {  	s3 =	simm.s32 $0x108;
	s8 =	sld [smem:$0x3FA8]  }
0x2e: {  	s3 =	simm.s32 @!p0 $0x1082;
	s9 =	sld [smem:$0x3FA9]  }
0x2f: {  	lr =	sadd.s32 s0, s3;
	s0 =	sld [smem:$0x3FA0]  }
0x30: {  	s3 =	sld [smem:$0x3FA3]  }
0x31: {  	[smem:$0x3FAC] =	sst s10  }
0x32: {  	s10 =	sld [smem:$0x3FAA];
	_ =	sdelay $0x3  }
0x33: {  	p0 =	seq.s32 s10, $0x1;
	s10 =	sld [smem:$0x3FAC];
	_ =	sdelay $0x3  }
0x34: {  	[smem:$0x3FAC] =	sst s10  }
0x35: {  	s10 =	sld [smem:$0x3FAB];
	_ =	sdelay $0x3  }
0x36: {  	p1 =	seq.s32 s10, $0x1;
	s10 =	sld [smem:$0x3FAC];
	_ =	sdelay $0x3  }
0x37: {  	[smem:$0x3FAC] =	sst s10  }
0x38: {  	s10 =	sld [smem:$0x3FAD]  }
0x39: {  	_ = 	snop;
	(pc) =	sbr.ind lr, $3  }
0x3a: {  	_ = 	snop  }
0x3b: {  	_ = 	snop  }
0x3c: {  	p2 =	seq.s32 s10, $0x1;
	s10 =	sld [smem:$0x3FAC]  }
0x3d: {  	_ =	shalt  }
0x3e: {  	_ =	shalt  }
0x3f: {  	_ =	shalt  }
0x40: {  	_ =	shalt  }
0x41: {  	_ =	shalt  }
0x42: {  	_ =	shalt  }
0x43: {  	_ =	shalt  }
0x44: {  	_ =	shalt  }
0x45: {  	_ =	shalt  }
0x46: {  	_ =	shalt  }
0x47: {  	_ =	shalt  }
0x48: {  	_ =	shalt  }
0x49: {  	_ =	shalt  }
0x4a: {  	_ =	shalt  }
0x4b: {  	_ =	shalt  }
0x4c: {  	_ =	shalt  }
0x4d: {  	_ =	shalt  }
0x4e: {  	_ =	shalt  }
0x4f: {  	_ =	shalt  }
0x50: {  	_ =	shalt  }
0x51: {  	_ =	shalt  }
0x52: {  	_ =	shalt  }
0x53: {  	_ =	shalt  }
0x54: {  	_ =	shalt  }
0x55: {  	_ =	shalt  }
0x56: {  	_ =	shalt  }
0x57: {  	_ =	shalt  }
0x58: {  	_ =	shalt  }
0x59: {  	_ =	shalt  }
0x5a: {  	_ =	shalt  }
0x5b: {  	_ =	shalt  }
0x5c: {  	_ =	shalt  }
0x5d: {  	_ =	shalt  }
0x5e: {  	_ =	shalt  }
0x5f: {  	_ =	shalt  }
0x60: {  	_ =	shalt  }
0x61: {  	_ =	shalt  }
0x62: {  	_ =	shalt  }
0x63: {  	_ =	shalt  }
0x64: {  	_ =	shalt  }
0x65: {  	_ =	shalt  }
0x66: {  	_ =	shalt  }
0x67: {  	_ =	shalt  }
0x68: {  	_ =	shalt  }
0x69: {  	_ =	shalt  }
0x6a: {  	_ =	shalt  }
0x6b: {  	_ =	shalt  }
0x6c: {  	_ =	shalt  }
0x6d: {  	_ =	shalt  }
0x6e: {  	_ =	shalt  }
0x6f: {  	_ =	shalt  }
0x70: {  	_ =	shalt  }
0x71: {  	_ =	shalt  }
0x72: {  	_ =	shalt  }
0x73: {  	_ =	shalt  }
0x74: {  	_ =	shalt  }
0x75: {  	_ =	shalt  }
0x76: {  	_ =	shalt  }
0x77: {  	_ =	shalt  }
0x78: {  	_ =	shalt  }
0x79: {  	_ =	shalt  }
0x7a: {  	_ =	shalt  }
0x7b: {  	_ =	shalt  }
0x7c: {  	_ =	shalt  }
0x7d: {  	_ =	shalt  }
0x7e: {  	_ =	shalt  }
0x7f: {  	_ =	shalt  }
0x80: {  	_ =	shalt  }
0x81: {  	_ =	shalt  }
0x82: {  	_ =	shalt  }
0x83: {  	_ =	shalt  }
0x84: {  	_ =	shalt  }
0x85: {  	_ =	shalt  }
0x86: {  	_ =	shalt  }
0x87: {  	_ =	shalt  }
.Lfunc_end0:
.L_simem_size_0:
called_computation_lowered:
.L_overlay_start_0:
0x88: {  	s2 =	sld [smem:$0x3FD9]  }
0x89: {  	s3 =	sld [smem:$0x3FFE];
	_ =	sdelay $0x1  }
0x8a: {  	s1 =	srdreg.scid  }
0x8b: {  	s0 =	sand.u32 $0x1, s1  }
0x8c: {  	s21 =	sshll.u32 s0, $0xA;
	s2 =	sadd.s32 s3, s2  }
0x8d: {  	s2 =	sadd.s32 s2, s21  }
0x8e: {  	[smem:$0x3FB8] =	sst s2  }
0x8f: {  	_ = 	snop  }
0x90: {  	s2 =	sld [smem:$0x3FC9]  }
0x91: {  	s3 =	sld [smem:$0x3FC8]  }
0x92: {  	s4 =	sld [smem:$0x3FC7]  }
0x93: {  	s5 =	sld [smem:$0x3FC6]  }
0x94: {  	s6 =	sld [smem:$0x3FC5]  }
0x95: {  	s7 =	sld [smem:$0x3FC4]  }
0x96: {  	s8 =	sld [smem:$0x3FC3]  }
0x97: {  	s9 =	sld [smem:$0x3FC2]  }
0x98: {  	s10 =	sld [smem:$0x3FC1]  }
0x99: {  	s11 =	sld [smem:$0x3FC0]  }
0x9a: {  	s12 =	sld [smem:$0x3FBF]  }
0x9b: {  	s13 =	sld [smem:$0x3FBE]  }
0x9c: {  	s14 =	sld [smem:$0x3FBD]  }
0x9d: {  	s16 =	sld [smem:$0x3FD0]  }
0x9e: {  	s15 =	sld [smem:$0x3FBC]  }
0x9f: {  	s17 =	sld [smem:$0x3FBB]  }
0xa0: {  	s19 =	simm.s32 $0xA;
	s20 =	simm.s32 $0x10;
	s18 =	sld [smem:$0x3FBA]  }
0xa1: {  	[smem:s20], [sflag:s19] =	dma.local [hbm:s16], $0x1  }
0xa2: {  	_ =	swait.eq [sflag:s19], $0x1  }
0xa3: {  	[sflag:s19] =	ssyncset.done $0x0  }
0xa4: {  	[sflag:s19] =	ssyncadd.s32 $0xFFFFFFFF  }
0xa5: {  	s19 =	sld [smem:$0x10];
	(tm) =	ssettm $0x1  }
0xa6: {  	s22 =	sld [smem:$0x3FFB];
	_ =	sdelay $0x3  }
0xa7: {  	_ =	strace s22  }
0xa8: {  	s16 =	sld [smem:$0x3FFC];
	_ =	sdelay $0x3  }
0xa9: {  	_ =	strace s16  }
0xaa: {  	s16 =	sld [smem:$0x3FFD];
	_ =	sdelay $0x3  }
0xab: {  	_ =	strace s16  }
0xac: {  	_ =	strace $0x8FFFFFFF  }
0xad: {  	s23 =	sld [smem:$0x3FDB];
	_ =	sdelay $0x1  }
0xae: {  	s24 =	simm.s32 $_scs_section_size  }
0xaf: {  	s28 =	simm.s32 $0x1BFF;
	s22 =	simm.s32 $_tile_task_arg_handler_lowered  }
0xb0: {  	s21 =	simm.s32 $_size__tile_task_arg_handler_lowered;
	s26 =	sshll.u32 s22, $0x1;
	s20 =	sadd.s32 s24, s23  }
0xb1: {  	s25 =	sshll.u32 s21, $0x1;
	s23 =	simm.s32 $0x60;
	s21 =	sadd.s32 s26, s20  }
0xb2: {  	[timem:s23], [sflag:s28] =	dma.local [hbm:s21], s25  }
0xb3: {  	_ =	swait.ge [sflag:s28], s25  }
0xb4: {  	s29 =	simm.s32 $_tile_overlayer_lowered;
	s16 =	ssub.s32 $0x0, s25;
	[sflag:s28] =	ssyncset.done $0x0  }
0xb5: {  	s30 =	simm.s32 $_size__tile_overlayer_lowered;
	s21 =	sshll.u32 s29, $0x1;
	[sflag:s28] =	ssyncadd.s32 s16  }
0xb6: {  	s31 =	sshll.u32 s30, $0x1;
	s21 =	sadd.s32 s21, s20;
	s16 =	simm.s32 $0x0  }
0xb7: {  	[timem:s16], [sflag:s28] =	dma.local [hbm:s21], s31  }
0xb8: {  	_ =	swait.ge [sflag:s28], s31  }
0xb9: {  	s23 =	ssub.s32 $0x0, s31;
	[sflag:s28] =	ssyncset.done $0x0  }
0xba: {  	[sflag:s28] =	ssyncadd.s32 s23;
	_ =	sdelay $0x1  }
0xbb: {  	s24 =	simm.s32 $0x1B8B  }
0xbc: {  	_ =	swait.ge [sflag:s24], $0x1  }
0xbd: {  	[sflag:s24] =	ssyncset.done $0x0  }
0xbe: {  	s25 =	simm.s32 $0x1B8E;
	[sflag:s24] =	ssyncadd.s32 $0xFFFFFFFF  }
0xbf: {  	s26 =	simm.s32 $execute0_lowered;
	[smem:$0x3FD2] =	sst s25  }
0xc0: {  	s21 =	sshll.u32 s26, $0x1;
	_ =	strace $0x80000046;
	[dreg:$0x1] =	wrdreg $0xFFFFFFFF  }
0xc1: {  	s20 =	sadd.s32 s20, s21;
	s28 =	simm.s32 $_size_execute0_lowered;
	[dreg:$0x0] =	wrdreg $0x0  }
0xc2: {  	s21 =	sshll.u32 s28, $0x1;
	[dreg:$0x2] =	wrdreg s20  }
0xc3: {  	[dreg:$0x3] =	wrdreg s21  }
0xc4: {  	[dreg:$0x4] =	wrdreg $0xC0  }
0xc5: {  	_ =	task [dreg:s16], $0x5FFFF  }
0xc6: {  	[dreg:$0x1] =	wrdreg $0xFFFFFFFF  }
0xc7: {  	[dreg:$0x0] =	wrdreg $0x30  }
0xc8: {  	[dreg:$0x2] =	wrdreg $0x0  }
0xc9: {  	[dreg:$0x3] =	wrdreg s17  }
0xca: {  	[dreg:$0x4] =	wrdreg s18  }
0xcb: {  	[dreg:$0x5] =	wrdreg s19  }
0xcc: {  	[dreg:$0x6] =	wrdreg $0x9  }
0xcd: {  	_ =	task [dreg:s16], $0x7FFFF  }
0xce: {  	[dreg:$0x1] =	wrdreg $0xFFFFFFFF  }
0xcf: {  	[dreg:$0x0] =	wrdreg $0x60  }
0xd0: {  	[dreg:$0x2] =	wrdreg s2  }
0xd1: {  	[dreg:$0x3] =	wrdreg s3  }
0xd2: {  	[dreg:$0x4] =	wrdreg s4  }
0xd3: {  	[dreg:$0x5] =	wrdreg s5  }
0xd4: {  	[dreg:$0x6] =	wrdreg s6  }
0xd5: {  	[dreg:$0x7] =	wrdreg s7  }
0xd6: {  	[dreg:$0x8] =	wrdreg s8  }
0xd7: {  	[dreg:$0x9] =	wrdreg s9  }
0xd8: {  	[dreg:$0xa] =	wrdreg s10  }
0xd9: {  	[dreg:$0xb] =	wrdreg s11  }
0xda: {  	[dreg:$0xc] =	wrdreg s12  }
0xdb: {  	[dreg:$0xd] =	wrdreg s13  }
0xdc: {  	[dreg:$0xe] =	wrdreg s14  }
0xdd: {  	[dreg:$0xf] =	wrdreg s15  }
0xde: {  	_ =	task.clear_ibuf [dreg:s16], $0x10FFFF;
	_ =	strace $0x90000046  }
0xdf: {  	s29 =	simm.s32 $0x9;
	_ =	strace $0x80000048  }
0xe0: {  	_ =	swait.ge [sflag:s29], $0x1  }
0xe1: {  	[sflag:s29] =	ssyncadd.s32 $0xFFFFFFFF  }
0xe2: {  	_ =	strace $0x90000048  }
0xe3: {  	_ =	sfence  }
0xe4: {  	s30 =	sld [smem:$0x0];
	_ =	sdelay $0x2  }
0xe5: {  	s31 =	sshll.u32 s1, $0xD;
	s1 =	sshrl.u32 s1, $0x2  }
0xe6: {  	s3 =	sand.u32 $0x4000, s31;
	s1 =	sadd.s32 s1, s30  }
0xe7: {  	s0 =	sor.u32 s3, s0;
	s1 =	sshll.u32 s1, $0x11  }
0xe8: {  	s0 =	sor.u32 s1, s0  }
0xe9: {  	s0 =	sadd.s32 $0x8F2B, s0  }
0xea: {  	[sflag:s0] =	ssyncadd.remote.s32 $0x1  }
0xeb: {  	_ =	sfence.sel $0xFFFF  }
0xec: {  	[dreg:$0x0] =	wrdreg $0xFFFFFFFF;
	(pc) =	sbr.abs _section_cstart, $3  }
0xed: {  	[dreg:$0x1] =	wrdreg $0xFFFFFFFF  }
0xee: {  	_ =	task.clear_ibuf [dreg:s16], $0x2FFFF;
	_ =	strace $0x9FFFFFFF  }
0xef: {  	(tm) =	ssettm $0x7FFFFFFF  }
tec
_tile_task_arg_handler_lowered:
.L_overlay_start_1:
0x0: {  	(tag) =	ssettag $0x1  }
0x1: {  	s0 =	rddreg [dreg:$0x0]  }
0x2: {  	s1 =	rddreg [dreg:$0x1]  }
0x3: {  	s2 =	rddreg [dreg:$0x2]  }
0x4: {  	s3 =	rddreg [dreg:$0x3]  }
0x5: {  	s4 =	rddreg [dreg:$0x4]  }
0x6: {  	s5 =	rddreg [dreg:$0x5]  }
0x7: {  	s6 =	rddreg [dreg:$0x6]  }
0x8: {  	s7 =	rddreg [dreg:$0x7]  }
0x9: {  	s8 =	rddreg [dreg:$0x8]  }
0xa: {  	s9 =	rddreg [dreg:$0x9]  }
0xb: {  	s10 =	rddreg [dreg:$0xa]  }
0xc: {  	s11 =	rddreg [dreg:$0xb]  }
0xd: {  	s12 =	rddreg [dreg:$0xc]  }
0xe: {  	s13 =	rddreg [dreg:$0xd]  }
0xf: {  	[smem:s0] =	sst s1  }
0x10: {  	[smem:s0+$0x1] =	sst s2  }
0x11: {  	[smem:s0+$0x2] =	sst s3  }
0x12: {  	[smem:s0+$0x3] =	sst s4  }
0x13: {  	[smem:s0+$0x4] =	sst s5  }
0x14: {  	[smem:s0+$0x5] =	sst s6  }
0x15: {  	[smem:s0+$0x6] =	sst s7  }
0x16: {  	[smem:s0+$0x7] =	sst s8  }
0x17: {  	[smem:s0+$0x8] =	sst s9  }
0x18: {  	[smem:s0+$0x9] =	sst s10  }
0x19: {  	[smem:s0+$0xA] =	sst s11  }
0x1a: {  	[smem:s0+$0xB] =	sst s12  }
0x1b: {  	[smem:s0+$0xC] =	sst s13;
	_ =	shalt  }
.Lfunc_end2:
execute0_lowered:
.L_overlay_start_2:
0x1c: {  	(tag) =	ssettag $0x2  }
0x1d: {  	s0 =	rddreg [dreg:$0x0]  }
0x1e: {  	s6 =	rddreg [dreg:$0x1]  }
0x1f: {  	s7 =	rddreg [dreg:$0x2]  }
0x20: {  	s9 =	rddreg [dreg:$0x3]  }
0x21: {  	s17 =	rddreg [dreg:$0x4]  }
0x22: {  	s16 =	rddreg [dreg:$0x5]  }
0x23: {  	s15 =	rddreg [dreg:$0x6]  }
0x24: {  	s14 =	rddreg [dreg:$0x7]  }
0x25: {  	s13 =	rddreg [dreg:$0x8]  }
0x26: {  	s12 =	rddreg [dreg:$0x9]  }
0x27: {  	s1 =	srdreg.scid;
	s11 =	rddreg [dreg:$0xa]  }
0x28: {  	s3 =	stileid.u32;
	s10 =	rddreg [dreg:$0xb];
	s5 =	sand.u32 $0x1, s1  }
0x29: {  	s2 =	simm.s32 $0x1;
	s18 =	rddreg [dreg:$0xc];
	s1 =	sor.u32 s5, s3  }
0x2a: {  	s8 =	rddreg [dreg:$0xd];
	p1 =	seq.s32 s5, $0x1;
	p0 =	seq.s32 s1, $0x0  }
0x2b: {  	s21 =	sshll.u32 s5, $0xB;
	s20 =	ssub.s32 $0x2, s5;
	p0 =	por !p0, !p1  }
0x2c: {  	s26 =	sshll.u32 s5, $0x11;
	s1 =	simm.s32 $0x0;
	p0 =	por !p0, !p0  }
0x2d: {  	s24 =	sshrl.u32 s20, $0x1;
	s8 =	sadd.s32 s26, s8;
	s2 =	simm.s32 @!p0 $0x0  }
0x2e: {  	s18 =	sadd.s32 s26, s18;
	s10 =	sadd.s32 s26, s10;
	s2 =	ssub.s32 s3, s2  }
0x2f: {  	s11 =	sadd.s32 s26, s11;
	s12 =	sadd.s32 s26, s12;
	s3 =	sshll.u32 s2, $0x8  }
0x30: {  	s13 =	sadd.s32 s26, s13;
	s14 =	sadd.s32 s26, s14;
	s3 =	sadd.s32 s21, s3  }
0x31: {  	s15 =	sadd.s32 s26, s15;
	[smem:$0x7FF] =	sst s1;
	s22 =	ssub.s32 $0x1000, s3  }
0x32: {  	s16 =	sadd.s32 s26, s16;
	s19 =	sld [smem:$0x0];
	p0 =	sgt.s32 s22, $0x0  }
0x33: {  	s17 =	sadd.s32 s26, s17;
	s22 =	simm.s32 @!p0 $0x0;
	p0 =	seq.s32 s2, $0x1  }
0x34: {  	s0 =	sadd.s32 s26, s0;
	s24 =	ssub.s32 s20, s24;
	p1 =	sgt.s32 @p0 s3, $0xFFF  }
0x35: {  	s19 =	sadd.s32 s26, s19;
	p2 =	seq.s32 s2, $0x3;
	p0 =	por !p0, p1  }
0x36: {  	[dreg:$0xe] =	wrdreg s19;
	s19 =	sadd.s32 s26, s7;
	s7 =	simm.s32 @!p0 $0x0  }
0x37: {  	[dreg:$0xf] =	wrdreg s18;
	s7 =	simm.s32 @p0 $0x1;
	p0 =	sgt.s32 @p2 s3, $0xFFF  }
0x38: {  	[dreg:$0x10] =	wrdreg s11;
	s18 =	sadd.s32 s26, s9;
	p0 =	por !p2, p0  }
0x39: {  	p1 =	seq.s32 s2, $0x5;
	[smem:$0x7EB] =	sst s7;
	s7 =	simm.s32 @!p0 $0x0  }
0x3a: {  	s23 =	sld [smem:$0x1];
	s7 =	simm.s32 @p0 $0x1;
	p0 =	sgt.s32 @p1 s3, $0xFFF  }
0x3b: {  	s4 =	sld [smem:$0x2];
	s31 =	sshll.u32 s2, $0x12;
	p0 =	por !p1, p0  }
0x3c: {  	p2 =	seq.s32 s2, $0x7;
	[smem:$0x7EC] =	sst s7;
	s7 =	simm.s32 @!p0 $0x0  }
0x3d: {  	s5 =	sadd.s32 s26, s23;
	s7 =	simm.s32 @p0 $0x1;
	p0 =	sgt.s32 @p2 s3, $0xFFF  }
0x3e: {  	s11 =	sshll.u32 s2, $0xC;
	s23 =	sld [smem:$0x3];
	p0 =	por !p2, p0  }
0x3f: {  	p1 =	seq.s32 s2, $0x9;
	[smem:$0x7ED] =	sst s7;
	s7 =	simm.s32 @!p0 $0x0  }
0x40: {  	s20 =	sadd.s32 s31, s4;
	s7 =	simm.s32 @p0 $0x1;
	p0 =	sgt.s32 @p1 s3, $0xFFF  }
0x41: {  	[dreg:$0x11] =	wrdreg s23;
	s25 =	smin.u32 s22, $0x800;
	p0 =	por !p1, p0  }
0x42: {  	p2 =	seq.s32 s2, $0xB;
	[smem:$0x7EE] =	sst s7;
	s7 =	simm.s32 @!p0 $0x0  }
0x43: {  	s22 =	sadd.s32 s26, s20;
	s7 =	simm.s32 @p0 $0x1;
	p0 =	sgt.s32 @p2 s3, $0xFFF  }
0x44: {  	s20 =	sadd.s32 s26, s6;
	s6 =	sor.u32 s11, s25;
	p0 =	por !p2, p0  }
0x45: {  	p1 =	seq.s32 s2, $0xD;
	[smem:$0x7EF] =	sst s7;
	s7 =	simm.s32 @!p0 $0x0  }
0x46: {  	s26 =	ssub.s32 $0x800, s25;
	s7 =	simm.s32 @p0 $0x1;
	p0 =	sgt.s32 @p1 s3, $0xFFF  }
0x47: {  	s6 =	sadd.s32 s21, s6;
	s23 =	sshrl.u32 s26, $0x6;
	p0 =	por !p1, p0  }
0x48: {  	p2 =	sgt.s32 s2, $0x1;
	[smem:$0x7F0] =	sst s7;
	s7 =	simm.s32 @!p0 $0x0  }
0x49: {  	s26 =	sshll.u32 s6, $0x9;
	s6 =	simm.s32 @!p2 $0x0;
	s7 =	simm.s32 @p0 $0x1  }
0x4a: {  	s6 =	simm.s32 @p2 $0x1;
	p2 =	seq.s32 s2, $0x0;
	[smem:$0x7F1] =	sst s7  }
0x4b: {  	_ =	strace $0x80000047;
	[smem:$0x7F2] =	sst s6;
	s6 =	simm.s32 @!p2 $0x0  }
0x4c: {  	s6 =	simm.s32 @p2 $0x1;
	p2 =	seq.s32 s2, $0x2  }
0x4d: {  	[smem:$0x7F3] =	sst s6;
	s6 =	simm.s32 @!p2 $0x0  }
0x4e: {  	s6 =	simm.s32 @p2 $0x1;
	p2 =	sgt.s32 s2, $0x5  }
0x4f: {  	[smem:$0x7F4] =	sst s6;
	s6 =	simm.s32 @!p2 $0x0  }
0x50: {  	s6 =	simm.s32 @p2 $0x1;
	p2 =	seq.s32 s2, $0x4  }
0x51: {  	[smem:$0x7F5] =	sst s6;
	s6 =	simm.s32 @!p2 $0x0  }
0x52: {  	s6 =	simm.s32 @p2 $0x1;
	p2 =	seq.s32 s2, $0x6  }
0x53: {  	[smem:$0x7F6] =	sst s6;
	s6 =	simm.s32 @!p2 $0x0  }
0x54: {  	s6 =	simm.s32 @p2 $0x1;
	p2 =	sgt.s32 s2, $0x9  }
0x55: {  	[smem:$0x7F7] =	sst s6;
	s6 =	simm.s32 @!p2 $0x0  }
0x56: {  	s6 =	simm.s32 @p2 $0x1;
	p2 =	seq.s32 s2, $0x8  }
0x57: {  	[smem:$0x7F8] =	sst s6;
	s6 =	simm.s32 @!p2 $0x0  }
0x58: {  	s28 =	simm.s32 $0x1;
	s6 =	simm.s32 @p2 $0x1;
	p2 =	seq.s32 s2, $0xA  }
0x59: {  	s29 =	simm.s32 $0x8000;
	[smem:$0x7F9] =	sst s6;
	s6 =	simm.s32 @!p2 $0x0  }
0x5a: {  	s30 =	simm.s32 $0x0;
	s6 =	simm.s32 @p2 $0x1;
	p2 =	sgt.s32 s2, $0xD  }
0x5b: {  	s24 =	smax.u32 s24, $0x1;
	[smem:$0x7FA] =	sst s6;
	s6 =	simm.s32 @!p2 $0x0  }
0x5c: {  	p5 =	sgt.s32 s2, $0xB;
	s6 =	simm.s32 @p2 $0x1;
	p2 =	seq.s32 s2, $0xC  }
.Ltmp0:
0x5d: {  	[smem:$0x7FB] =	sst s6;
	s6 =	simm.s32 @!p2 $0x0;
	(pc) =	sbr.rel .LBB3_1-.Ltmp0, $4  }
0x5e: {  	p4 =	sgt.s32 s3, $0xFFF;
	s6 =	simm.s32 @p2 $0x1;
	p2 =	seq.s32 s2, $0xE  }
0x5f: {  	s31 =	sshrl.u32 s25, $0x6;
	[smem:$0x7FC] =	sst s6;
	s6 =	simm.s32 @!p2 $0x0  }
0x60: {  	s25 =	smax.u32 s31, $0x1;
	p3 =	slt.s32 s23, $0x1;
	s6 =	simm.s32 @p2 $0x1  }
0x61: {  	v0 =	vimm.f32 $0.0e+00;
	p1 =	sgt.s32 s2, $0x3;
	p0 =	sgt.s32 s2, $0x7;
	[smem:$0x7FD] =	sst s6  }
.LBB3_88:
0x62: {  	s6 =	sshrl.u32 s31, $0x3  }
0x63: {  	s6 =	sand.u32 $0x1FFFFE00, s6  }
0x64: {  	[sflag:s28] =	ssyncadd.s32 @p2 $0xFFFF8000;
	s6 =	sadd.s32 s4, s6  }
0x65: {  	[hbm4b:s6+s1] =	stream.linear.scatter [tilespmem:s29], [sflag:$0x1], $0x8000, $0x38;
	[tilespmem:$0x10000] =	vst v63  }
0x66: {  	_ =	swait.ge [sflag:s28], $0x8000  }
0x67: {  	[sflag:s28] =	ssyncset.done $0x0  }
0x68: {  	[sflag:s28] =	ssyncadd.s32 $0xFFFF8000  }
.LBB3_89:
0x69: {  	s30 =	sadd.s32 $0x1, s30  }
0x6a: {  	p2 =	sne.s32 s30, s24  }
.Ltmp1:
0x6b: {  	_ = 	snop;
	(pc) =	sbr.rel @!p2 .LBB3_90-.Ltmp1, $1  }
0x6c: {  	_ =	sdelay $0x3  }
.LBB3_1:
0x6d: {  	s31 =	simm.s32 $0x0  }
.LBB3_2:
0x6e: {  	s6 =	sshll.u32 s31, $0x9;
	s7 =	sshll.u32 s31, $0x7  }
0x6f: {  	s6 =	sand.u32 $0x7000, s6;
	s7 =	sand.u32 $0x380, s7  }
0x70: {  	s7 =	sor.u32 s7, s6;
	s6 =	simm.s32 $0x0  }
0x71: {  	s21 =	sor.u32 $0x8000, s7;
	s11 =	sand.u32 $0xC00, s6  }
0x72: {  	s9 =	sand.u32 $0x70, s6;
	s11 =	sadd.s32 s11, s21  }
0x73: {  	s7 =	simm.s32 $0x10;
	s9 =	sadd.s32 s9, s11  }
.LBB3_3:
0x74: {  	p2 =	sne.s32 s7, $0x1F0  }
0x75: {  	[tilespmem:s9+$0x0] =	vst v0;
	s6 =	sadd.s32 $0x80, s6;
	s9 =	smov.u32 s7;
	s7 =	sadd.s32 $0x10, s7  }
.Ltmp2:
0x76: {  	(pc) =	sbr.rel @p2 .LBB3_3-.Ltmp2, $4  }
0x77: {  	_ = 	snop  }
0x78: {  	s11 =	sand.u32 $0xC00, s6  }
0x79: {  	s9 =	sand.u32 $0x70, s9;
	s11 =	sadd.s32 s11, s21  }
0x7a: {  	s9 =	sadd.s32 s9, s11  }
0x7b: {  	s31 =	sadd.s32 $0x1, s31  }
0x7c: {  	p2 =	sne.s32 s31, $0x40  }
.Ltmp3:
0x7d: {  	_ = 	snop;
	(pc) =	sbr.rel @p2 .LBB3_2-.Ltmp3, $2  }
0x7e: {  	_ =	sdelay $0x2  }
0x7f: {  	[tilespmem:s9+$0x0] =	vst v0  }
.Ltmp4:
0x80: {  	(pc) =	sbr.rel @p0 .LBB3_29-.Ltmp4, $1  }
0x81: {  	_ =	sdelay $0x3  }
.Ltmp5:
0x82: {  	(pc) =	sbr.rel @p1 .LBB3_18-.Ltmp5, $1  }
0x83: {  	_ =	sdelay $0x3  }
0x84: {  	s6 =	sld [smem:$0x7F2];
	_ =	sdelay $0x2  }
0x85: {  	p2 =	seq.s32 s6, $0x1  }
.Ltmp6:
0x86: {  	_ = 	snop;
	(pc) =	sbr.rel @p2 .LBB3_13-.Ltmp6, $1  }
0x87: {  	_ =	sdelay $0x3  }
0x88: {  	s6 =	sld [smem:$0x7F3];
	_ =	sdelay $0x2  }
0x89: {  	p2 =	seq.s32 s6, $0x1  }
.Ltmp7:
0x8a: {  	_ = 	snop;
	(pc) =	sbr.rel @p2 .LBB3_52-.Ltmp7, $1  }
0x8b: {  	_ =	sdelay $0x3  }
0x8c: {  	s6 =	sld [smem:$0x7EB];
	_ =	sdelay $0x2  }
0x8d: {  	p2 =	seq.s32 s6, $0x1  }
.Ltmp8:
0x8e: {  	_ = 	snop;
	(pc) =	sbr.rel @p2 .LBB3_84-.Ltmp8, $1  }
0x8f: {  	_ =	sdelay $0x3  }
0x90: {  	[tilespmem:s1], [sflag:$0x1] =	stream.linear.gather [hbm4b:s20+s1], $0x8000, $0x38;
	[tilespmem:$0x10000] =	vst v63  }
0x91: {  	p2 =	seq.s32 s25, $0x1;
	_ =	swait.ge [sflag:s28], $0x8000  }
.Ltmp9:
0x92: {  	[sflag:s28] =	ssyncset.done $0x0;
	(pc) =	sbr.rel @p2 .LBB3_12-.Ltmp9, $4  }
0x93: {  	[sflag:s28] =	ssyncadd.s32 $0xFFFF8000  }
0x94: {  	[hbm4b:s22+s1] =	stream.linear.scatter [tilespmem:s1], [sflag:$0x1], $0x8000, $0x38;
	[tilespmem:$0x10000] =	vst v63  }
0x95: {  	s31 =	sadd.s32 $0xFFFFFFFF, s25;
	_ =	swait.ge [sflag:s28], $0x8000  }
0x96: {  	s21 =	smov.u32 s20;
	s6 =	smov.u32 s22;
	[sflag:s28] =	ssyncset.done $0x0  }
.LBB3_11:
0x97: {  	[sflag:s28] =	ssyncadd.s32 $0xFFFF8000;
	s21 =	sadd.s32 $0x1000, s21;
	s6 =	sadd.s32 $0x1000, s6  }
0x98: {  	[tilespmem:s1], [sflag:$0x1] =	stream.linear.gather [hbm4b:s21+s1], $0x8000, $0x38;
	[tilespmem:$0x10000] =	vst v63  }
0x99: {  	p2 =	seq.s32 s31, $0x1;
	s31 =	sadd.s32 $0xFFFFFFFF, s31;
	_ =	swait.ge [sflag:s28], $0x8000  }
.Ltmp10:
0x9a: {  	[sflag:s28] =	ssyncset.done $0x0;
	(pc) =	sbr.rel @!p2 .LBB3_11-.Ltmp10, $4  }
0x9b: {  	[sflag:s28] =	ssyncadd.s32 $0xFFFF8000  }
0x9c: {  	[hbm4b:s6+s1] =	stream.linear.scatter [tilespmem:s1], [sflag:$0x1], $0x8000, $0x38;
	[tilespmem:$0x10000] =	vst v63  }
0x9d: {  	_ =	swait.ge [sflag:s28], $0x8000  }
0x9e: {  	[sflag:s28] =	ssyncset.done $0x0  }
.LBB3_12:
.Ltmp11:
0x9f: {  	(pc) =	sbr.rel .LBB3_84-.Ltmp11, $2  }
0xa0: {  	_ =	sdelay $0x2  }
0xa1: {  	[sflag:s28] =	ssyncadd.s32 $0xFFFF8000  }
.LBB3_29:
.Ltmp12:
0xa2: {  	(pc) =	sbr.rel @p5 .LBB3_41-.Ltmp12, $1  }
0xa3: {  	_ =	sdelay $0x3  }
0xa4: {  	s6 =	sld [smem:$0x7F8];
	_ =	sdelay $0x2  }
0xa5: {  	p2 =	seq.s32 s6, $0x1  }
.Ltmp13:
0xa6: {  	_ = 	snop;
	(pc) =	sbr.rel @p2 .LBB3_36-.Ltmp13, $1  }
0xa7: {  	_ =	sdelay $0x3  }
0xa8: {  	s6 =	sld [smem:$0x7F9];
	_ =	sdelay $0x2  }
0xa9: {  	p2 =	seq.s32 s6, $0x1  }
.Ltmp14:
0xaa: {  	_ = 	snop;
	(pc) =	sbr.rel @p2 .LBB3_68-.Ltmp14, $1  }
0xab: {  	_ =	sdelay $0x3  }
0xac: {  	s6 =	sld [smem:$0x7EF];
	_ =	sdelay $0x2  }
0xad: {  	p2 =	seq.s32 s6, $0x1  }
.Ltmp15:
0xae: {  	_ = 	snop;
	(pc) =	sbr.rel @p2 .LBB3_84-.Ltmp15, $1  }
0xaf: {  	_ =	sdelay $0x3  }
0xb0: {  	[tilespmem:s1], [sflag:$0x1] =	stream.linear.gather [hbm4b:s12+s1], $0x8000, $0x38;
	[tilespmem:$0x10000] =	vst v63  }
0xb1: {  	p2 =	seq.s32 s25, $0x1;
	_ =	swait.ge [sflag:s28], $0x8000  }
.Ltmp16:
0xb2: {  	[sflag:s28] =	ssyncset.done $0x0;
	(pc) =	sbr.rel @p2 .LBB3_35-.Ltmp16, $4  }
0xb3: {  	[sflag:s28] =	ssyncadd.s32 $0xFFFF8000  }
0xb4: {  	[hbm4b:s22+s1] =	stream.linear.scatter [tilespmem:s1], [sflag:$0x1], $0x8000, $0x38;
	[tilespmem:$0x10000] =	vst v63  }
0xb5: {  	s31 =	sadd.s32 $0xFFFFFFFF, s25;
	_ =	swait.ge [sflag:s28], $0x8000  }
0xb6: {  	s21 =	smov.u32 s12;
	s6 =	smov.u32 s22;
	[sflag:s28] =	ssyncset.done $0x0  }
.LBB3_34:
0xb7: {  	[sflag:s28] =	ssyncadd.s32 $0xFFFF8000;
	s21 =	sadd.s32 $0x1000, s21;
	s6 =	sadd.s32 $0x1000, s6  }
0xb8: {  	[tilespmem:s1], [sflag:$0x1] =	stream.linear.gather [hbm4b:s21+s1], $0x8000, $0x38;
	[tilespmem:$0x10000] =	vst v63  }
0xb9: {  	p2 =	seq.s32 s31, $0x1;
	s31 =	sadd.s32 $0xFFFFFFFF, s31;
	_ =	swait.ge [sflag:s28], $0x8000  }
.Ltmp17:
0xba: {  	[sflag:s28] =	ssyncset.done $0x0;
	(pc) =	sbr.rel @!p2 .LBB3_34-.Ltmp17, $4  }
0xbb: {  	[sflag:s28] =	ssyncadd.s32 $0xFFFF8000  }
0xbc: {  	[hbm4b:s6+s1] =	stream.linear.scatter [tilespmem:s1], [sflag:$0x1], $0x8000, $0x38;
	[tilespmem:$0x10000] =	vst v63  }
0xbd: {  	_ =	swait.ge [sflag:s28], $0x8000  }
0xbe: {  	[sflag:s28] =	ssyncset.done $0x0  }
.LBB3_35:
.Ltmp18:
0xbf: {  	(pc) =	sbr.rel .LBB3_84-.Ltmp18, $2  }
0xc0: {  	_ =	sdelay $0x2  }
0xc1: {  	[sflag:s28] =	ssyncadd.s32 $0xFFFF8000  }
.LBB3_18:
0xc2: {  	s6 =	sld [smem:$0x7F5];
	_ =	sdelay $0x2  }
0xc3: {  	p2 =	seq.s32 s6, $0x1  }
.Ltmp19:
0xc4: {  	_ = 	snop;
	(pc) =	sbr.rel @p2 .LBB3_24-.Ltmp19, $1  }
0xc5: {  	_ =	sdelay $0x3  }
0xc6: {  	s6 =	sld [smem:$0x7F6];
	_ =	sdelay $0x2  }
0xc7: {  	p2 =	seq.s32 s6, $0x1  }
.Ltmp20:
0xc8: {  	_ = 	snop;
	(pc) =	sbr.rel @p2 .LBB3_60-.Ltmp20, $1  }
0xc9: {  	_ =	sdelay $0x3  }
0xca: {  	s6 =	sld [smem:$0x7ED];
	_ =	sdelay $0x2  }
0xcb: {  	p2 =	seq.s32 s6, $0x1  }
.Ltmp21:
0xcc: {  	_ = 	snop;
	(pc) =	sbr.rel @p2 .LBB3_84-.Ltmp21, $1  }
0xcd: {  	_ =	sdelay $0x3  }
0xce: {  	[tilespmem:s1], [sflag:$0x1] =	stream.linear.gather [hbm4b:s16+s1], $0x8000, $0x38;
	[tilespmem:$0x10000] =	vst v63  }
0xcf: {  	p2 =	seq.s32 s25, $0x1;
	_ =	swait.ge [sflag:s28], $0x8000  }
.Ltmp22:
0xd0: {  	[sflag:s28] =	ssyncset.done $0x0;
	(pc) =	sbr.rel @p2 .LBB3_23-.Ltmp22, $4  }
0xd1: {  	[sflag:s28] =	ssyncadd.s32 $0xFFFF8000  }
0xd2: {  	[hbm4b:s22+s1] =	stream.linear.scatter [tilespmem:s1], [sflag:$0x1], $0x8000, $0x38;
	[tilespmem:$0x10000] =	vst v63  }
0xd3: {  	s31 =	sadd.s32 $0xFFFFFFFF, s25;
	_ =	swait.ge [sflag:s28], $0x8000  }
0xd4: {  	s21 =	smov.u32 s16;
	s6 =	smov.u32 s22;
	[sflag:s28] =	ssyncset.done $0x0  }
.LBB3_22:
0xd5: {  	[sflag:s28] =	ssyncadd.s32 $0xFFFF8000;
	s21 =	sadd.s32 $0x1000, s21;
	s6 =	sadd.s32 $0x1000, s6  }
0xd6: {  	[tilespmem:s1], [sflag:$0x1] =	stream.linear.gather [hbm4b:s21+s1], $0x8000, $0x38;
	[tilespmem:$0x10000] =	vst v63  }
0xd7: {  	p2 =	seq.s32 s31, $0x1;
	s31 =	sadd.s32 $0xFFFFFFFF, s31;
	_ =	swait.ge [sflag:s28], $0x8000  }
.Ltmp23:
0xd8: {  	[sflag:s28] =	ssyncset.done $0x0;
	(pc) =	sbr.rel @!p2 .LBB3_22-.Ltmp23, $4  }
0xd9: {  	[sflag:s28] =	ssyncadd.s32 $0xFFFF8000  }
0xda: {  	[hbm4b:s6+s1] =	stream.linear.scatter [tilespmem:s1], [sflag:$0x1], $0x8000, $0x38;
	[tilespmem:$0x10000] =	vst v63  }
0xdb: {  	_ =	swait.ge [sflag:s28], $0x8000  }
0xdc: {  	[sflag:s28] =	ssyncset.done $0x0  }
.LBB3_23:
.Ltmp24:
0xdd: {  	(pc) =	sbr.rel .LBB3_84-.Ltmp24, $2  }
0xde: {  	_ =	sdelay $0x2  }
0xdf: {  	[sflag:s28] =	ssyncadd.s32 $0xFFFF8000  }
.LBB3_41:
0xe0: {  	s6 =	sld [smem:$0x7FB];
	_ =	sdelay $0x2  }
0xe1: {  	p2 =	seq.s32 s6, $0x1  }
.Ltmp25:
0xe2: {  	_ = 	snop;
	(pc) =	sbr.rel @p2 .LBB3_47-.Ltmp25, $1  }
0xe3: {  	_ =	sdelay $0x3  }
0xe4: {  	s6 =	sld [smem:$0x7FC];
	_ =	sdelay $0x2  }
0xe5: {  	p2 =	seq.s32 s6, $0x1  }
.Ltmp26:
0xe6: {  	_ = 	snop;
	(pc) =	sbr.rel @p2 .LBB3_76-.Ltmp26, $1  }
0xe7: {  	_ =	sdelay $0x3  }
0xe8: {  	s6 =	sld [smem:$0x7F1];
	_ =	sdelay $0x2  }
0xe9: {  	p2 =	seq.s32 s6, $0x1  }
.Ltmp27:
0xea: {  	_ = 	snop;
	(pc) =	sbr.rel @p2 .LBB3_84-.Ltmp27, $1  }
0xeb: {  	_ =	sdelay $0x3  }
0xec: {  	[tilespmem:s1], [sflag:$0x1] =	stream.linear.gather [hbm4b:s8+s1], $0x8000, $0x38;
	[tilespmem:$0x10000] =	vst v63  }
0xed: {  	p2 =	seq.s32 s25, $0x1;
	_ =	swait.ge [sflag:s28], $0x8000  }
.Ltmp28:
0xee: {  	[sflag:s28] =	ssyncset.done $0x0;
	(pc) =	sbr.rel @p2 .LBB3_46-.Ltmp28, $4  }
0xef: {  	[sflag:s28] =	ssyncadd.s32 $0xFFFF8000  }
0xf0: {  	[hbm4b:s22+s1] =	stream.linear.scatter [tilespmem:s1], [sflag:$0x1], $0x8000, $0x38;
	[tilespmem:$0x10000] =	vst v63  }
0xf1: {  	s31 =	sadd.s32 $0xFFFFFFFF, s25;
	_ =	swait.ge [sflag:s28], $0x8000  }
0xf2: {  	s21 =	smov.u32 s8;
	s6 =	smov.u32 s22;
	[sflag:s28] =	ssyncset.done $0x0  }
.LBB3_45:
0xf3: {  	[sflag:s28] =	ssyncadd.s32 $0xFFFF8000;
	s21 =	sadd.s32 $0x1000, s21;
	s6 =	sadd.s32 $0x1000, s6  }
0xf4: {  	[tilespmem:s1], [sflag:$0x1] =	stream.linear.gather [hbm4b:s21+s1], $0x8000, $0x38;
	[tilespmem:$0x10000] =	vst v63  }
0xf5: {  	p2 =	seq.s32 s31, $0x1;
	s31 =	sadd.s32 $0xFFFFFFFF, s31;
	_ =	swait.ge [sflag:s28], $0x8000  }
.Ltmp29:
0xf6: {  	[sflag:s28] =	ssyncset.done $0x0;
	(pc) =	sbr.rel @!p2 .LBB3_45-.Ltmp29, $4  }
0xf7: {  	[sflag:s28] =	ssyncadd.s32 $0xFFFF8000  }
0xf8: {  	[hbm4b:s6+s1] =	stream.linear.scatter [tilespmem:s1], [sflag:$0x1], $0x8000, $0x38;
	[tilespmem:$0x10000] =	vst v63  }
0xf9: {  	_ =	swait.ge [sflag:s28], $0x8000  }
0xfa: {  	[sflag:s28] =	ssyncset.done $0x0  }
.LBB3_46:
.Ltmp30:
0xfb: {  	(pc) =	sbr.rel .LBB3_84-.Ltmp30, $2  }
0xfc: {  	_ =	sdelay $0x2  }
0xfd: {  	[sflag:s28] =	ssyncadd.s32 $0xFFFF8000  }
.LBB3_13:
0xfe: {  	s6 =	sld [smem:$0x7F4];
	_ =	sdelay $0x2  }
0xff: {  	p2 =	seq.s32 s6, $0x1  }
.Ltmp31:
0x100: {  	_ = 	snop;
	(pc) =	sbr.rel @p2 .LBB3_56-.Ltmp31, $1  }
0x101: {  	_ =	sdelay $0x3  }
0x102: {  	s6 =	sld [smem:$0x7EC];
	_ =	sdelay $0x2  }
0x103: {  	p2 =	seq.s32 s6, $0x1  }
.Ltmp32:
0x104: {  	_ = 	snop;
	(pc) =	sbr.rel @p2 .LBB3_84-.Ltmp32, $1  }
0x105: {  	_ =	sdelay $0x3  }
0x106: {  	[tilespmem:s1], [sflag:$0x1] =	stream.linear.gather [hbm4b:s18+s1], $0x8000, $0x38;
	[tilespmem:$0x10000] =	vst v63  }
0x107: {  	p2 =	seq.s32 s25, $0x1;
	_ =	swait.ge [sflag:s28], $0x8000  }
.Ltmp33:
0x108: {  	[sflag:s28] =	ssyncset.done $0x0;
	(pc) =	sbr.rel @p2 .LBB3_17-.Ltmp33, $4  }
0x109: {  	[sflag:s28] =	ssyncadd.s32 $0xFFFF8000  }
0x10a: {  	[hbm4b:s22+s1] =	stream.linear.scatter [tilespmem:s1], [sflag:$0x1], $0x8000, $0x38;
	[tilespmem:$0x10000] =	vst v63  }
0x10b: {  	s31 =	sadd.s32 $0xFFFFFFFF, s25;
	_ =	swait.ge [sflag:s28], $0x8000  }
0x10c: {  	s21 =	smov.u32 s18;
	s6 =	smov.u32 s22;
	[sflag:s28] =	ssyncset.done $0x0  }
.LBB3_16:
0x10d: {  	[sflag:s28] =	ssyncadd.s32 $0xFFFF8000;
	s21 =	sadd.s32 $0x1000, s21;
	s6 =	sadd.s32 $0x1000, s6  }
0x10e: {  	[tilespmem:s1], [sflag:$0x1] =	stream.linear.gather [hbm4b:s21+s1], $0x8000, $0x38;
	[tilespmem:$0x10000] =	vst v63  }
0x10f: {  	p2 =	seq.s32 s31, $0x1;
	s31 =	sadd.s32 $0xFFFFFFFF, s31;
	_ =	swait.ge [sflag:s28], $0x8000  }
.Ltmp34:
0x110: {  	[sflag:s28] =	ssyncset.done $0x0;
	(pc) =	sbr.rel @!p2 .LBB3_16-.Ltmp34, $4  }
0x111: {  	[sflag:s28] =	ssyncadd.s32 $0xFFFF8000  }
0x112: {  	[hbm4b:s6+s1] =	stream.linear.scatter [tilespmem:s1], [sflag:$0x1], $0x8000, $0x38;
	[tilespmem:$0x10000] =	vst v63  }
0x113: {  	_ =	swait.ge [sflag:s28], $0x8000  }
0x114: {  	[sflag:s28] =	ssyncset.done $0x0  }
.LBB3_17:
.Ltmp35:
0x115: {  	(pc) =	sbr.rel .LBB3_84-.Ltmp35, $2  }
0x116: {  	_ =	sdelay $0x2  }
0x117: {  	[sflag:s28] =	ssyncadd.s32 $0xFFFF8000  }
.LBB3_36:
0x118: {  	s6 =	sld [smem:$0x7FA];
	_ =	sdelay $0x2  }
0x119: {  	p2 =	seq.s32 s6, $0x1  }
.Ltmp36:
0x11a: {  	_ = 	snop;
	(pc) =	sbr.rel @p2 .LBB3_72-.Ltmp36, $1  }
0x11b: {  	_ =	sdelay $0x3  }
0x11c: {  	s6 =	sld [smem:$0x7F0];
	_ =	sdelay $0x2  }
0x11d: {  	p2 =	seq.s32 s6, $0x1  }
.Ltmp37:
0x11e: {  	_ = 	snop;
	(pc) =	sbr.rel @p2 .LBB3_84-.Ltmp37, $1  }
0x11f: {  	_ =	sdelay $0x3  }
0x120: {  	[tilespmem:s1], [sflag:$0x1] =	stream.linear.gather [hbm4b:s10+s1], $0x8000, $0x38;
	[tilespmem:$0x10000] =	vst v63  }
0x121: {  	p2 =	seq.s32 s25, $0x1;
	_ =	swait.ge [sflag:s28], $0x8000  }
.Ltmp38:
0x122: {  	[sflag:s28] =	ssyncset.done $0x0;
	(pc) =	sbr.rel @p2 .LBB3_40-.Ltmp38, $4  }
0x123: {  	[sflag:s28] =	ssyncadd.s32 $0xFFFF8000  }
0x124: {  	[hbm4b:s22+s1] =	stream.linear.scatter [tilespmem:s1], [sflag:$0x1], $0x8000, $0x38;
	[tilespmem:$0x10000] =	vst v63  }
0x125: {  	s31 =	sadd.s32 $0xFFFFFFFF, s25;
	_ =	swait.ge [sflag:s28], $0x8000  }
0x126: {  	s21 =	smov.u32 s10;
	s6 =	smov.u32 s22;
	[sflag:s28] =	ssyncset.done $0x0  }
.LBB3_39:
0x127: {  	[sflag:s28] =	ssyncadd.s32 $0xFFFF8000;
	s21 =	sadd.s32 $0x1000, s21;
	s6 =	sadd.s32 $0x1000, s6  }
0x128: {  	[tilespmem:s1], [sflag:$0x1] =	stream.linear.gather [hbm4b:s21+s1], $0x8000, $0x38;
	[tilespmem:$0x10000] =	vst v63  }
0x129: {  	p2 =	seq.s32 s31, $0x1;
	s31 =	sadd.s32 $0xFFFFFFFF, s31;
	_ =	swait.ge [sflag:s28], $0x8000  }
.Ltmp39:
0x12a: {  	[sflag:s28] =	ssyncset.done $0x0;
	(pc) =	sbr.rel @!p2 .LBB3_39-.Ltmp39, $4  }
0x12b: {  	[sflag:s28] =	ssyncadd.s32 $0xFFFF8000  }
0x12c: {  	[hbm4b:s6+s1] =	stream.linear.scatter [tilespmem:s1], [sflag:$0x1], $0x8000, $0x38;
	[tilespmem:$0x10000] =	vst v63  }
0x12d: {  	_ =	swait.ge [sflag:s28], $0x8000  }
0x12e: {  	[sflag:s28] =	ssyncset.done $0x0  }
.LBB3_40:
.Ltmp40:
0x12f: {  	(pc) =	sbr.rel .LBB3_84-.Ltmp40, $2  }
0x130: {  	_ =	sdelay $0x2  }
0x131: {  	[sflag:s28] =	ssyncadd.s32 $0xFFFF8000  }
.LBB3_24:
0x132: {  	s6 =	sld [smem:$0x7F7];
	_ =	sdelay $0x2  }
0x133: {  	p2 =	seq.s32 s6, $0x1  }
.Ltmp41:
0x134: {  	_ = 	snop;
	(pc) =	sbr.rel @p2 .LBB3_64-.Ltmp41, $1  }
0x135: {  	_ =	sdelay $0x3  }
0x136: {  	s6 =	sld [smem:$0x7EE];
	_ =	sdelay $0x2  }
0x137: {  	p2 =	seq.s32 s6, $0x1  }
.Ltmp42:
0x138: {  	_ = 	snop;
	(pc) =	sbr.rel @p2 .LBB3_84-.Ltmp42, $1  }
0x139: {  	_ =	sdelay $0x3  }
0x13a: {  	[tilespmem:s1], [sflag:$0x1] =	stream.linear.gather [hbm4b:s14+s1], $0x8000, $0x38;
	[tilespmem:$0x10000] =	vst v63  }
0x13b: {  	p2 =	seq.s32 s25, $0x1;
	_ =	swait.ge [sflag:s28], $0x8000  }
.Ltmp43:
0x13c: {  	[sflag:s28] =	ssyncset.done $0x0;
	(pc) =	sbr.rel @p2 .LBB3_28-.Ltmp43, $4  }
0x13d: {  	[sflag:s28] =	ssyncadd.s32 $0xFFFF8000  }
0x13e: {  	[hbm4b:s22+s1] =	stream.linear.scatter [tilespmem:s1], [sflag:$0x1], $0x8000, $0x38;
	[tilespmem:$0x10000] =	vst v63  }
0x13f: {  	s31 =	sadd.s32 $0xFFFFFFFF, s25;
	_ =	swait.ge [sflag:s28], $0x8000  }
0x140: {  	s21 =	smov.u32 s14;
	s6 =	smov.u32 s22;
	[sflag:s28] =	ssyncset.done $0x0  }
.LBB3_27:
0x141: {  	[sflag:s28] =	ssyncadd.s32 $0xFFFF8000;
	s21 =	sadd.s32 $0x1000, s21;
	s6 =	sadd.s32 $0x1000, s6  }
0x142: {  	[tilespmem:s1], [sflag:$0x1] =	stream.linear.gather [hbm4b:s21+s1], $0x8000, $0x38;
	[tilespmem:$0x10000] =	vst v63  }
0x143: {  	p2 =	seq.s32 s31, $0x1;
	s31 =	sadd.s32 $0xFFFFFFFF, s31;
	_ =	swait.ge [sflag:s28], $0x8000  }
.Ltmp44:
0x144: {  	[sflag:s28] =	ssyncset.done $0x0;
	(pc) =	sbr.rel @!p2 .LBB3_27-.Ltmp44, $4  }
0x145: {  	[sflag:s28] =	ssyncadd.s32 $0xFFFF8000  }
0x146: {  	[hbm4b:s6+s1] =	stream.linear.scatter [tilespmem:s1], [sflag:$0x1], $0x8000, $0x38;
	[tilespmem:$0x10000] =	vst v63  }
0x147: {  	_ =	swait.ge [sflag:s28], $0x8000  }
0x148: {  	[sflag:s28] =	ssyncset.done $0x0  }
.LBB3_28:
.Ltmp45:
0x149: {  	(pc) =	sbr.rel .LBB3_84-.Ltmp45, $2  }
0x14a: {  	_ =	sdelay $0x2  }
0x14b: {  	[sflag:s28] =	ssyncadd.s32 $0xFFFF8000  }
.LBB3_47:
0x14c: {  	s6 =	sld [smem:$0x7FD];
	_ =	sdelay $0x2  }
0x14d: {  	p2 =	seq.s32 s6, $0x1  }
.Ltmp46:
0x14e: {  	_ = 	snop;
	(pc) =	sbr.rel @p2 .LBB3_80-.Ltmp46, $1  }
0x14f: {  	_ =	sdelay $0x3  }
0x150: {  	p2 =	seq.s32 s2, $0xF  }
0x151: {  	p6 =	sgt.s32 @p2 s3, $0xFFF  }
0x152: {  	p2 =	por !p2, p6  }
.Ltmp47:
0x153: {  	_ = 	snop;
	(pc) =	sbr.rel @p2 .LBB3_84-.Ltmp47, $1  }
0x154: {  	_ =	sdelay $0x3  }
0x155: {  	[tilespmem:s1], [sflag:$0x1] =	stream.linear.gather [hbm4b:s5+s1], $0x8000, $0x38;
	[tilespmem:$0x10000] =	vst v63  }
0x156: {  	p2 =	sne.s32 s25, $0x1;
	_ =	swait.ge [sflag:s28], $0x8000  }
.Ltmp48:
0x157: {  	[sflag:s28] =	ssyncset.done $0x0;
	(pc) =	sbr.rel @!p2 .LBB3_51-.Ltmp48, $4  }
0x158: {  	[sflag:s28] =	ssyncadd.s32 $0xFFFF8000  }
0x159: {  	[hbm4b:s22+s1] =	stream.linear.scatter [tilespmem:s1], [sflag:$0x1], $0x8000, $0x38;
	[tilespmem:$0x10000] =	vst v63  }
0x15a: {  	s31 =	sadd.s32 $0xFFFFFFFF, s25;
	_ =	swait.ge [sflag:s28], $0x8000  }
0x15b: {  	s21 =	smov.u32 s5;
	s6 =	smov.u32 s22;
	[sflag:s28] =	ssyncset.done $0x0  }
.LBB3_50:
0x15c: {  	[sflag:s28] =	ssyncadd.s32 $0xFFFF8000;
	s21 =	sadd.s32 $0x1000, s21;
	s6 =	sadd.s32 $0x1000, s6  }
0x15d: {  	[tilespmem:s1], [sflag:$0x1] =	stream.linear.gather [hbm4b:s21+s1], $0x8000, $0x38;
	[tilespmem:$0x10000] =	vst v63  }
0x15e: {  	p2 =	sne.s32 s31, $0x1;
	s31 =	sadd.s32 $0xFFFFFFFF, s31;
	_ =	swait.ge [sflag:s28], $0x8000  }
.Ltmp49:
0x15f: {  	[sflag:s28] =	ssyncset.done $0x0;
	(pc) =	sbr.rel @p2 .LBB3_50-.Ltmp49, $4  }
0x160: {  	[sflag:s28] =	ssyncadd.s32 $0xFFFF8000  }
0x161: {  	[hbm4b:s6+s1] =	stream.linear.scatter [tilespmem:s1], [sflag:$0x1], $0x8000, $0x38;
	[tilespmem:$0x10000] =	vst v63  }
0x162: {  	_ =	swait.ge [sflag:s28], $0x8000  }
0x163: {  	[sflag:s28] =	ssyncset.done $0x0  }
.LBB3_51:
.Ltmp50:
0x164: {  	(pc) =	sbr.rel .LBB3_84-.Ltmp50, $2  }
0x165: {  	_ =	sdelay $0x2  }
0x166: {  	[sflag:s28] =	ssyncadd.s32 $0xFFFF8000  }
.LBB3_52:
.Ltmp51:
0x167: {  	(pc) =	sbr.rel @p4 .LBB3_84-.Ltmp51, $1  }
0x168: {  	_ =	sdelay $0x3  }
0x169: {  	[tilespmem:s1], [sflag:$0x1] =	stream.linear.gather [hbm4b:s0+s1], $0x8000, $0x38;
	[tilespmem:$0x10000] =	vst v63  }
0x16a: {  	p2 =	seq.s32 s25, $0x1;
	_ =	swait.ge [sflag:s28], $0x8000  }
.Ltmp52:
0x16b: {  	[sflag:s28] =	ssyncset.done $0x0;
	(pc) =	sbr.rel @p2 .LBB3_55-.Ltmp52, $4  }
0x16c: {  	[sflag:s28] =	ssyncadd.s32 $0xFFFF8000  }
0x16d: {  	[hbm4b:s22+s1] =	stream.linear.scatter [tilespmem:s1], [sflag:$0x1], $0x8000, $0x38;
	[tilespmem:$0x10000] =	vst v63  }
0x16e: {  	s31 =	sadd.s32 $0xFFFFFFFF, s25;
	_ =	swait.ge [sflag:s28], $0x8000  }
0x16f: {  	s21 =	smov.u32 s0;
	s6 =	smov.u32 s22;
	[sflag:s28] =	ssyncset.done $0x0  }
.LBB3_54:
0x170: {  	[sflag:s28] =	ssyncadd.s32 $0xFFFF8000;
	s21 =	sadd.s32 $0x1000, s21;
	s6 =	sadd.s32 $0x1000, s6  }
0x171: {  	[tilespmem:s1], [sflag:$0x1] =	stream.linear.gather [hbm4b:s21+s1], $0x8000, $0x38;
	[tilespmem:$0x10000] =	vst v63  }
0x172: {  	p2 =	seq.s32 s31, $0x1;
	s31 =	sadd.s32 $0xFFFFFFFF, s31;
	_ =	swait.ge [sflag:s28], $0x8000  }
.Ltmp53:
0x173: {  	[sflag:s28] =	ssyncset.done $0x0;
	(pc) =	sbr.rel @!p2 .LBB3_54-.Ltmp53, $4  }
0x174: {  	[sflag:s28] =	ssyncadd.s32 $0xFFFF8000  }
0x175: {  	[hbm4b:s6+s1] =	stream.linear.scatter [tilespmem:s1], [sflag:$0x1], $0x8000, $0x38;
	[tilespmem:$0x10000] =	vst v63  }
0x176: {  	_ =	swait.ge [sflag:s28], $0x8000  }
0x177: {  	[sflag:s28] =	ssyncset.done $0x0  }
.LBB3_55:
.Ltmp54:
0x178: {  	(pc) =	sbr.rel .LBB3_84-.Ltmp54, $2  }
0x179: {  	_ =	sdelay $0x2  }
0x17a: {  	[sflag:s28] =	ssyncadd.s32 $0xFFFF8000  }
.LBB3_68:
.Ltmp55:
0x17b: {  	(pc) =	sbr.rel @p4 .LBB3_84-.Ltmp55, $1  }
0x17c: {  	_ =	sdelay $0x3  }
0x17d: {  	[tilespmem:s1], [sflag:$0x1] =	stream.linear.gather [hbm4b:s13+s1], $0x8000, $0x38;
	[tilespmem:$0x10000] =	vst v63  }
0x17e: {  	p2 =	seq.s32 s25, $0x1;
	_ =	swait.ge [sflag:s28], $0x8000  }
.Ltmp56:
0x17f: {  	[sflag:s28] =	ssyncset.done $0x0;
	(pc) =	sbr.rel @p2 .LBB3_71-.Ltmp56, $4  }
0x180: {  	[sflag:s28] =	ssyncadd.s32 $0xFFFF8000  }
0x181: {  	[hbm4b:s22+s1] =	stream.linear.scatter [tilespmem:s1], [sflag:$0x1], $0x8000, $0x38;
	[tilespmem:$0x10000] =	vst v63  }
0x182: {  	s31 =	sadd.s32 $0xFFFFFFFF, s25;
	_ =	swait.ge [sflag:s28], $0x8000  }
0x183: {  	s21 =	smov.u32 s13;
	s6 =	smov.u32 s22;
	[sflag:s28] =	ssyncset.done $0x0  }
.LBB3_70:
0x184: {  	[sflag:s28] =	ssyncadd.s32 $0xFFFF8000;
	s21 =	sadd.s32 $0x1000, s21;
	s6 =	sadd.s32 $0x1000, s6  }
0x185: {  	[tilespmem:s1], [sflag:$0x1] =	stream.linear.gather [hbm4b:s21+s1], $0x8000, $0x38;
	[tilespmem:$0x10000] =	vst v63  }
0x186: {  	p2 =	seq.s32 s31, $0x1;
	s31 =	sadd.s32 $0xFFFFFFFF, s31;
	_ =	swait.ge [sflag:s28], $0x8000  }
.Ltmp57:
0x187: {  	[sflag:s28] =	ssyncset.done $0x0;
	(pc) =	sbr.rel @!p2 .LBB3_70-.Ltmp57, $4  }
0x188: {  	[sflag:s28] =	ssyncadd.s32 $0xFFFF8000  }
0x189: {  	[hbm4b:s6+s1] =	stream.linear.scatter [tilespmem:s1], [sflag:$0x1], $0x8000, $0x38;
	[tilespmem:$0x10000] =	vst v63  }
0x18a: {  	_ =	swait.ge [sflag:s28], $0x8000  }
0x18b: {  	[sflag:s28] =	ssyncset.done $0x0  }
.LBB3_71:
.Ltmp58:
0x18c: {  	(pc) =	sbr.rel .LBB3_84-.Ltmp58, $2  }
0x18d: {  	_ =	sdelay $0x2  }
0x18e: {  	[sflag:s28] =	ssyncadd.s32 $0xFFFF8000  }
.LBB3_60:
.Ltmp59:
0x18f: {  	(pc) =	sbr.rel @p4 .LBB3_84-.Ltmp59, $1  }
0x190: {  	_ =	sdelay $0x3  }
0x191: {  	[tilespmem:s1], [sflag:$0x1] =	stream.linear.gather [hbm4b:s17+s1], $0x8000, $0x38;
	[tilespmem:$0x10000] =	vst v63  }
0x192: {  	p2 =	seq.s32 s25, $0x1;
	_ =	swait.ge [sflag:s28], $0x8000  }
.Ltmp60:
0x193: {  	[sflag:s28] =	ssyncset.done $0x0;
	(pc) =	sbr.rel @p2 .LBB3_63-.Ltmp60, $4  }
0x194: {  	[sflag:s28] =	ssyncadd.s32 $0xFFFF8000  }
0x195: {  	[hbm4b:s22+s1] =	stream.linear.scatter [tilespmem:s1], [sflag:$0x1], $0x8000, $0x38;
	[tilespmem:$0x10000] =	vst v63  }
0x196: {  	s31 =	sadd.s32 $0xFFFFFFFF, s25;
	_ =	swait.ge [sflag:s28], $0x8000  }
0x197: {  	s21 =	smov.u32 s17;
	s6 =	smov.u32 s22;
	[sflag:s28] =	ssyncset.done $0x0  }
.LBB3_62:
0x198: {  	[sflag:s28] =	ssyncadd.s32 $0xFFFF8000;
	s21 =	sadd.s32 $0x1000, s21;
	s6 =	sadd.s32 $0x1000, s6  }
0x199: {  	[tilespmem:s1], [sflag:$0x1] =	stream.linear.gather [hbm4b:s21+s1], $0x8000, $0x38;
	[tilespmem:$0x10000] =	vst v63  }
0x19a: {  	p2 =	seq.s32 s31, $0x1;
	s31 =	sadd.s32 $0xFFFFFFFF, s31;
	_ =	swait.ge [sflag:s28], $0x8000  }
.Ltmp61:
0x19b: {  	[sflag:s28] =	ssyncset.done $0x0;
	(pc) =	sbr.rel @!p2 .LBB3_62-.Ltmp61, $4  }
0x19c: {  	[sflag:s28] =	ssyncadd.s32 $0xFFFF8000  }
0x19d: {  	[hbm4b:s6+s1] =	stream.linear.scatter [tilespmem:s1], [sflag:$0x1], $0x8000, $0x38;
	[tilespmem:$0x10000] =	vst v63  }
0x19e: {  	_ =	swait.ge [sflag:s28], $0x8000  }
0x19f: {  	[sflag:s28] =	ssyncset.done $0x0  }
.LBB3_63:
.Ltmp62:
0x1a0: {  	(pc) =	sbr.rel .LBB3_84-.Ltmp62, $2  }
0x1a1: {  	_ =	sdelay $0x2  }
0x1a2: {  	[sflag:s28] =	ssyncadd.s32 $0xFFFF8000  }
.LBB3_76:
.Ltmp63:
0x1a3: {  	(pc) =	sbr.rel @p4 .LBB3_84-.Ltmp63, $1  }
0x1a4: {  	_ =	sdelay $0x3  }
0x1a5: {  	s21 =	rddreg [dreg:$0xf]  }
0x1a6: {  	[tilespmem:s1], [sflag:$0x1] =	stream.linear.gather [hbm4b:s21+s1], $0x8000, $0x38;
	[tilespmem:$0x10000] =	vst v63  }
0x1a7: {  	p2 =	seq.s32 s25, $0x1;
	_ =	swait.ge [sflag:s28], $0x8000  }
.Ltmp64:
0x1a8: {  	[sflag:s28] =	ssyncset.done $0x0;
	(pc) =	sbr.rel @p2 .LBB3_79-.Ltmp64, $4  }
0x1a9: {  	[sflag:s28] =	ssyncadd.s32 $0xFFFF8000  }
0x1aa: {  	[hbm4b:s22+s1] =	stream.linear.scatter [tilespmem:s1], [sflag:$0x1], $0x8000, $0x38;
	[tilespmem:$0x10000] =	vst v63  }
0x1ab: {  	_ =	swait.ge [sflag:s28], $0x8000  }
0x1ac: {  	s31 =	sadd.s32 $0xFFFFFFFF, s25;
	s6 =	smov.u32 s22;
	[sflag:s28] =	ssyncset.done $0x0  }
.LBB3_78:
0x1ad: {  	[sflag:s28] =	ssyncadd.s32 $0xFFFF8000;
	s21 =	sadd.s32 $0x1000, s21;
	s6 =	sadd.s32 $0x1000, s6  }
0x1ae: {  	[tilespmem:s1], [sflag:$0x1] =	stream.linear.gather [hbm4b:s21+s1], $0x8000, $0x38;
	[tilespmem:$0x10000] =	vst v63  }
0x1af: {  	p2 =	seq.s32 s31, $0x1;
	s31 =	sadd.s32 $0xFFFFFFFF, s31;
	_ =	swait.ge [sflag:s28], $0x8000  }
.Ltmp65:
0x1b0: {  	[sflag:s28] =	ssyncset.done $0x0;
	(pc) =	sbr.rel @!p2 .LBB3_78-.Ltmp65, $4  }
0x1b1: {  	[sflag:s28] =	ssyncadd.s32 $0xFFFF8000  }
0x1b2: {  	[hbm4b:s6+s1] =	stream.linear.scatter [tilespmem:s1], [sflag:$0x1], $0x8000, $0x38;
	[tilespmem:$0x10000] =	vst v63  }
0x1b3: {  	_ =	swait.ge [sflag:s28], $0x8000  }
0x1b4: {  	[sflag:s28] =	ssyncset.done $0x0  }
.LBB3_79:
.Ltmp66:
0x1b5: {  	(pc) =	sbr.rel .LBB3_84-.Ltmp66, $2  }
0x1b6: {  	_ =	sdelay $0x2  }
0x1b7: {  	[sflag:s28] =	ssyncadd.s32 $0xFFFF8000  }
.LBB3_56:
.Ltmp67:
0x1b8: {  	(pc) =	sbr.rel @p4 .LBB3_84-.Ltmp67, $1  }
0x1b9: {  	_ =	sdelay $0x3  }
0x1ba: {  	[tilespmem:s1], [sflag:$0x1] =	stream.linear.gather [hbm4b:s19+s1], $0x8000, $0x38;
	[tilespmem:$0x10000] =	vst v63  }
0x1bb: {  	p2 =	seq.s32 s25, $0x1;
	_ =	swait.ge [sflag:s28], $0x8000  }
.Ltmp68:
0x1bc: {  	[sflag:s28] =	ssyncset.done $0x0;
	(pc) =	sbr.rel @p2 .LBB3_59-.Ltmp68, $4  }
0x1bd: {  	[sflag:s28] =	ssyncadd.s32 $0xFFFF8000  }
0x1be: {  	[hbm4b:s22+s1] =	stream.linear.scatter [tilespmem:s1], [sflag:$0x1], $0x8000, $0x38;
	[tilespmem:$0x10000] =	vst v63  }
0x1bf: {  	s31 =	sadd.s32 $0xFFFFFFFF, s25;
	_ =	swait.ge [sflag:s28], $0x8000  }
0x1c0: {  	s21 =	smov.u32 s19;
	s6 =	smov.u32 s22;
	[sflag:s28] =	ssyncset.done $0x0  }
.LBB3_58:
0x1c1: {  	[sflag:s28] =	ssyncadd.s32 $0xFFFF8000;
	s21 =	sadd.s32 $0x1000, s21;
	s6 =	sadd.s32 $0x1000, s6  }
0x1c2: {  	[tilespmem:s1], [sflag:$0x1] =	stream.linear.gather [hbm4b:s21+s1], $0x8000, $0x38;
	[tilespmem:$0x10000] =	vst v63  }
0x1c3: {  	p2 =	seq.s32 s31, $0x1;
	s31 =	sadd.s32 $0xFFFFFFFF, s31;
	_ =	swait.ge [sflag:s28], $0x8000  }
.Ltmp69:
0x1c4: {  	[sflag:s28] =	ssyncset.done $0x0;
	(pc) =	sbr.rel @!p2 .LBB3_58-.Ltmp69, $4  }
0x1c5: {  	[sflag:s28] =	ssyncadd.s32 $0xFFFF8000  }
0x1c6: {  	[hbm4b:s6+s1] =	stream.linear.scatter [tilespmem:s1], [sflag:$0x1], $0x8000, $0x38;
	[tilespmem:$0x10000] =	vst v63  }
0x1c7: {  	_ =	swait.ge [sflag:s28], $0x8000  }
0x1c8: {  	[sflag:s28] =	ssyncset.done $0x0  }
.LBB3_59:
.Ltmp70:
0x1c9: {  	(pc) =	sbr.rel .LBB3_84-.Ltmp70, $2  }
0x1ca: {  	_ =	sdelay $0x2  }
0x1cb: {  	[sflag:s28] =	ssyncadd.s32 $0xFFFF8000  }
.LBB3_72:
.Ltmp71:
0x1cc: {  	(pc) =	sbr.rel @p4 .LBB3_84-.Ltmp71, $1  }
0x1cd: {  	_ =	sdelay $0x3  }
0x1ce: {  	s21 =	rddreg [dreg:$0x10]  }
0x1cf: {  	[tilespmem:s1], [sflag:$0x1] =	stream.linear.gather [hbm4b:s21+s1], $0x8000, $0x38;
	[tilespmem:$0x10000] =	vst v63  }
0x1d0: {  	p2 =	seq.s32 s25, $0x1;
	_ =	swait.ge [sflag:s28], $0x8000  }
.Ltmp72:
0x1d1: {  	[sflag:s28] =	ssyncset.done $0x0;
	(pc) =	sbr.rel @p2 .LBB3_75-.Ltmp72, $4  }
0x1d2: {  	[sflag:s28] =	ssyncadd.s32 $0xFFFF8000  }
0x1d3: {  	[hbm4b:s22+s1] =	stream.linear.scatter [tilespmem:s1], [sflag:$0x1], $0x8000, $0x38;
	[tilespmem:$0x10000] =	vst v63  }
0x1d4: {  	_ =	swait.ge [sflag:s28], $0x8000  }
0x1d5: {  	s31 =	sadd.s32 $0xFFFFFFFF, s25;
	s6 =	smov.u32 s22;
	[sflag:s28] =	ssyncset.done $0x0  }
.LBB3_74:
0x1d6: {  	[sflag:s28] =	ssyncadd.s32 $0xFFFF8000;
	s21 =	sadd.s32 $0x1000, s21;
	s6 =	sadd.s32 $0x1000, s6  }
0x1d7: {  	[tilespmem:s1], [sflag:$0x1] =	stream.linear.gather [hbm4b:s21+s1], $0x8000, $0x38;
	[tilespmem:$0x10000] =	vst v63  }
0x1d8: {  	p2 =	seq.s32 s31, $0x1;
	s31 =	sadd.s32 $0xFFFFFFFF, s31;
	_ =	swait.ge [sflag:s28], $0x8000  }
.Ltmp73:
0x1d9: {  	[sflag:s28] =	ssyncset.done $0x0;
	(pc) =	sbr.rel @!p2 .LBB3_74-.Ltmp73, $4  }
0x1da: {  	[sflag:s28] =	ssyncadd.s32 $0xFFFF8000  }
0x1db: {  	[hbm4b:s6+s1] =	stream.linear.scatter [tilespmem:s1], [sflag:$0x1], $0x8000, $0x38;
	[tilespmem:$0x10000] =	vst v63  }
0x1dc: {  	_ =	swait.ge [sflag:s28], $0x8000  }
0x1dd: {  	[sflag:s28] =	ssyncset.done $0x0  }
.LBB3_75:
.Ltmp74:
0x1de: {  	(pc) =	sbr.rel .LBB3_84-.Ltmp74, $2  }
0x1df: {  	_ =	sdelay $0x2  }
0x1e0: {  	[sflag:s28] =	ssyncadd.s32 $0xFFFF8000  }
.LBB3_64:
.Ltmp75:
0x1e1: {  	(pc) =	sbr.rel @p4 .LBB3_84-.Ltmp75, $1  }
0x1e2: {  	_ =	sdelay $0x3  }
0x1e3: {  	[tilespmem:s1], [sflag:$0x1] =	stream.linear.gather [hbm4b:s15+s1], $0x8000, $0x38;
	[tilespmem:$0x10000] =	vst v63  }
0x1e4: {  	p2 =	seq.s32 s25, $0x1;
	_ =	swait.ge [sflag:s28], $0x8000  }
.Ltmp76:
0x1e5: {  	[sflag:s28] =	ssyncset.done $0x0;
	(pc) =	sbr.rel @p2 .LBB3_67-.Ltmp76, $4  }
0x1e6: {  	[sflag:s28] =	ssyncadd.s32 $0xFFFF8000  }
0x1e7: {  	[hbm4b:s22+s1] =	stream.linear.scatter [tilespmem:s1], [sflag:$0x1], $0x8000, $0x38;
	[tilespmem:$0x10000] =	vst v63  }
0x1e8: {  	s31 =	sadd.s32 $0xFFFFFFFF, s25;
	_ =	swait.ge [sflag:s28], $0x8000  }
0x1e9: {  	s21 =	smov.u32 s15;
	s6 =	smov.u32 s22;
	[sflag:s28] =	ssyncset.done $0x0  }
.LBB3_66:
0x1ea: {  	[sflag:s28] =	ssyncadd.s32 $0xFFFF8000;
	s21 =	sadd.s32 $0x1000, s21;
	s6 =	sadd.s32 $0x1000, s6  }
0x1eb: {  	[tilespmem:s1], [sflag:$0x1] =	stream.linear.gather [hbm4b:s21+s1], $0x8000, $0x38;
	[tilespmem:$0x10000] =	vst v63  }
0x1ec: {  	p2 =	seq.s32 s31, $0x1;
	s31 =	sadd.s32 $0xFFFFFFFF, s31;
	_ =	swait.ge [sflag:s28], $0x8000  }
.Ltmp77:
0x1ed: {  	[sflag:s28] =	ssyncset.done $0x0;
	(pc) =	sbr.rel @!p2 .LBB3_66-.Ltmp77, $4  }
0x1ee: {  	[sflag:s28] =	ssyncadd.s32 $0xFFFF8000  }
0x1ef: {  	[hbm4b:s6+s1] =	stream.linear.scatter [tilespmem:s1], [sflag:$0x1], $0x8000, $0x38;
	[tilespmem:$0x10000] =	vst v63  }
0x1f0: {  	_ =	swait.ge [sflag:s28], $0x8000  }
0x1f1: {  	[sflag:s28] =	ssyncset.done $0x0  }
.LBB3_67:
.Ltmp78:
0x1f2: {  	(pc) =	sbr.rel .LBB3_84-.Ltmp78, $2  }
0x1f3: {  	_ =	sdelay $0x2  }
0x1f4: {  	[sflag:s28] =	ssyncadd.s32 $0xFFFF8000  }
.LBB3_80:
.Ltmp79:
0x1f5: {  	(pc) =	sbr.rel @p4 .LBB3_84-.Ltmp79, $1  }
0x1f6: {  	_ =	sdelay $0x3  }
0x1f7: {  	s21 =	rddreg [dreg:$0xe]  }
0x1f8: {  	[tilespmem:s1], [sflag:$0x1] =	stream.linear.gather [hbm4b:s21+s1], $0x8000, $0x38;
	[tilespmem:$0x10000] =	vst v63  }
0x1f9: {  	p2 =	seq.s32 s25, $0x1;
	_ =	swait.ge [sflag:s28], $0x8000  }
.Ltmp80:
0x1fa: {  	[sflag:s28] =	ssyncset.done $0x0;
	(pc) =	sbr.rel @p2 .LBB3_83-.Ltmp80, $4  }
0x1fb: {  	[sflag:s28] =	ssyncadd.s32 $0xFFFF8000  }
0x1fc: {  	[hbm4b:s22+s1] =	stream.linear.scatter [tilespmem:s1], [sflag:$0x1], $0x8000, $0x38;
	[tilespmem:$0x10000] =	vst v63  }
0x1fd: {  	_ =	swait.ge [sflag:s28], $0x8000  }
0x1fe: {  	s31 =	sadd.s32 $0xFFFFFFFF, s25;
	s6 =	smov.u32 s22;
	[sflag:s28] =	ssyncset.done $0x0  }
.LBB3_82:
0x1ff: {  	[sflag:s28] =	ssyncadd.s32 $0xFFFF8000;
	s21 =	sadd.s32 $0x1000, s21;
	s6 =	sadd.s32 $0x1000, s6  }
0x200: {  	[tilespmem:s1], [sflag:$0x1] =	stream.linear.gather [hbm4b:s21+s1], $0x8000, $0x38;
	[tilespmem:$0x10000] =	vst v63  }
0x201: {  	p2 =	seq.s32 s31, $0x1;
	s31 =	sadd.s32 $0xFFFFFFFF, s31;
	_ =	swait.ge [sflag:s28], $0x8000  }
.Ltmp81:
0x202: {  	[sflag:s28] =	ssyncset.done $0x0;
	(pc) =	sbr.rel @!p2 .LBB3_82-.Ltmp81, $4  }
0x203: {  	[sflag:s28] =	ssyncadd.s32 $0xFFFF8000  }
0x204: {  	[hbm4b:s6+s1] =	stream.linear.scatter [tilespmem:s1], [sflag:$0x1], $0x8000, $0x38;
	[tilespmem:$0x10000] =	vst v63  }
0x205: {  	_ =	swait.ge [sflag:s28], $0x8000  }
0x206: {  	[sflag:s28] =	ssyncset.done $0x0  }
.LBB3_83:
0x207: {  	[sflag:s28] =	ssyncadd.s32 $0xFFFF8000  }
.LBB3_84:
.Ltmp82:
0x208: {  	(pc) =	sbr.rel @p3 .LBB3_89-.Ltmp82, $1  }
0x209: {  	_ =	sdelay $0x3  }
0x20a: {  	p6 =	sgt.s32 s23, $0x1  }
.Ltmp83:
0x20b: {  	_ = 	snop;
	(pc) =	sbr.rel @!p6 .LBB3_88-.Ltmp83, $2  }
0x20c: {  	_ =	sdelay $0x2  }
0x20d: {  	p2 =	por $0x0, $0x0;
	s31 =	smov.u32 s26  }
0x20e: {  	s6 =	sshrl.u32 s26, $0x3;
	p6 =	sgt.s32 s23, $0x2  }
.Ltmp84:
0x20f: {  	s6 =	sand.u32 $0x1FFFFE00, s6;
	(pc) =	sbr.rel @!p6 .LBB3_88-.Ltmp84, $4  }
0x210: {  	s6 =	sadd.s32 s4, s6  }
0x211: {  	[hbm4b:s6+s1] =	stream.linear.scatter [tilespmem:s29], [sflag:$0x1], $0x8000, $0x38;
	[tilespmem:$0x10000] =	vst v63  }
0x212: {  	s31 =	sadd.s32 $0x8000, s26;
	_ =	swait.ge [sflag:s28], $0x8000  }
0x213: {  	p2 =	por $0x1, $0x1;
	s6 =	simm.s32 $0x2;
	[sflag:s28] =	ssyncset.done $0x0  }
.LBB3_87:
0x214: {  	s6 =	sadd.s32 $0x1, s6  }
0x215: {  	s7 =	sshrl.u32 s31, $0x3;
	[sflag:s28] =	ssyncadd.s32 $0xFFFF8000;
	p6 =	slt.s32 s6, s23  }
.Ltmp85:
0x216: {  	s7 =	sand.u32 $0x1FFFFE00, s7;
	(pc) =	sbr.rel @p6 .LBB3_87-.Ltmp85, $4  }
0x217: {  	s7 =	sadd.s32 s4, s7  }
0x218: {  	[hbm4b:s7+s1] =	stream.linear.scatter [tilespmem:s29], [sflag:$0x1], $0x8000, $0x38;
	[tilespmem:$0x10000] =	vst v63  }
0x219: {  	_ =	swait.ge [sflag:s28], $0x8000  }
0x21a: {  	s31 =	sadd.s32 $0x8000, s31;
	[sflag:s28] =	ssyncset.done $0x0  }
.Ltmp86:
0x21b: {  	_ = 	snop;
	(pc) =	sbr.rel .LBB3_88-.Ltmp86, $1  }
0x21c: {  	_ =	sdelay $0x3  }
.LBB3_90:
0x21d: {  	_ =	sfence.sel $0x180000  }
0x21e: {  	[bflag:$0x0] =	sbarrier.arrive $0xFFFF  }
0x21f: {  	_ =	strace $0x90000047  }
0x220: {  	s0 =	stileid.u32;
	[bflag:$0x2] =	sbarrier.arrive $0xFFFF  }
0x221: {  	p0 =	sne.s32 s0, $0x0;
	s0 =	rddreg [dreg:$0x11]  }
0x222: {  	s0 =	sadd.s32 @!p0 $0x100000, s0  }
0x223: {  	[sflag:s0] =	ssyncadd.tile.s32 @!p0 $0x1;
	_ =	shalt  }
.Lfunc_end3:
_tile_overlayer_lowered:
.L_overlay_start_3:
0x224: {  	(tag) =	ssettag $0x3  }
0x225: {  	s0 =	rddreg [dreg:$0x0];
	s2 =	stileid.u32  }
0x226: {  	s1 =	rddreg [dreg:$0x1];
	p0 =	sne.s32 s2, $0x0  }
0x227: {  	s3 =	rddreg [dreg:$0x2];
	[bflag:$0x3] =	sbarrier.arrive $0xFFFF;
	s2 =	simm.s32 @!p0 $0x1C01  }
0x228: {  	[timem:s3], [sflag:s2] =	dma.local @!p0 [hbm:s0], s1  }
0x229: {  	s0 =	simm.s32 @!p0 $0x1  }
0x22a: {  	_ =	swait.ge @!p0 [sflag:s0], s1  }
0x22b: {  	s1 =	ssub.s32 @!p0 $0x0, s1;
	[sflag:s0] =	ssyncset.done @!p0 $0x0  }
0x22c: {  	[sflag:s0] =	ssyncadd.s32 @!p0 s1  }
0x22d: {  	[bflag:$0x3] =	sbarrier.arrive $0xFFFF  }
0x22e: {  	_ =	shalt  }

</sc_bundles>
